<compile_context>
chip_gen: v7x
topology: tpu7x:2x2x1
jax: 0.10.2.dev20260603
libtpu: 0.0.44.dev20260713+nightly
codegen_flags: <defaults>
</compile_context>

<pallas_src>
import jax
import jax.numpy as jnp
from jax import lax
from jax.experimental import pallas as pl
from jax.experimental.pallas import tpu as pltpu
from jax.experimental.pallas import tpu_sc as plsc

N = 10000
E = 320000
D = 128
H = 32
G = 64

NC = 2
NS = 16
NW = NC * NS
EPW = E // NW
EB = 1000
NCHUNK = EPW // EB
NP = 10240
RPT = NP // NS

def _deg_body(er_hbm, zeros_hbm, ones_hbm, out_hbm, deg_sh, dst2, ones_v):
    cid = lax.axis_index("c")
    sid = lax.axis_index("s")
    wid = sid * NC + cid
    pltpu.sync_copy(zeros_hbm.at[pl.ds(sid * RPT, RPT)],
                    deg_sh.at[pl.ds(sid * RPT, RPT)])
    pltpu.sync_copy(er_hbm.at[1, pl.ds(wid * NCHUNK, NCHUNK)], dst2)
    pltpu.sync_copy(ones_hbm, ones_v)
    plsc.subcore_barrier()
    for i in range(NCHUNK):
        pltpu.sync_copy(ones_v, deg_sh.at[dst2.at[i]], add=True)
    plsc.subcore_barrier()
    pltpu.sync_copy(deg_sh.at[pl.ds(sid * RPT, RPT)],
                    out_hbm.at[cid, pl.ds(sid * RPT, RPT)])


NBUF = 2


def _agg_body(g_hbm, er_hbm, zeros_hbm, out_hbm,
              agg_sh, src2, dst2, rows0, rows1, sem0, sem1):
    cid = lax.axis_index("c")
    sid = lax.axis_index("s")
    wid = sid * NC + cid
    bufs = [(rows0, sem0), (rows1, sem1)]
    pltpu.sync_copy(zeros_hbm.at[pl.ds(sid * RPT, RPT), :],
                    agg_sh.at[pl.ds(sid * RPT, RPT), :])
    pltpu.sync_copy(er_hbm.at[0, pl.ds(wid * NCHUNK, NCHUNK)], src2)
    pltpu.sync_copy(er_hbm.at[1, pl.ds(wid * NCHUNK, NCHUNK)], dst2)
    plsc.subcore_barrier()
    for k in range(NBUF):
        rows, sem = bufs[k]
        pltpu.async_copy(g_hbm.at[src2.at[k]], rows, sem)
    for k in range(NCHUNK):
        rows, sem = bufs[k % NBUF]
        pltpu.make_async_copy(g_hbm.at[src2.at[k]], rows, sem).wait()
        pltpu.sync_copy(rows, agg_sh.at[dst2.at[k]], add=True)
        if k + NBUF < NCHUNK:
            pltpu.async_copy(g_hbm.at[src2.at[k + NBUF]], rows, sem)
    plsc.subcore_barrier()
    pltpu.sync_copy(agg_sh.at[pl.ds(sid * RPT, RPT), :],
                    out_hbm.at[cid, pl.ds(sid * RPT, RPT), :])


import functools


@functools.cache
def _sc_calls():
    mesh = plsc.VectorSubcoreMesh(
        core_axis_name="c", subcore_axis_name="s",
        num_cores=NC, num_subcores=NS,
    )
    params = pltpu.CompilerParams(use_tc_tiling_on_sc=False)
    deg_call = pl.kernel(
        _deg_body,
        out_type=jax.ShapeDtypeStruct((NC, NP), jnp.float32),
        mesh=mesh,
        compiler_params=params,
        scratch_types=[
            pltpu.VMEM_SHARED((NP,), jnp.float32),
            pltpu.VMEM((NCHUNK, EB), jnp.int32),
            pltpu.VMEM((EB,), jnp.float32),
        ],
    )
    agg_call = pl.kernel(
        _agg_body,
        out_type=jax.ShapeDtypeStruct((NC, NP, H), jnp.float32),
        mesh=mesh,
        compiler_params=params,
        scratch_types=[
            pltpu.VMEM_SHARED((NP, H), jnp.float32),
            pltpu.VMEM((NCHUNK, EB), jnp.int32),
            pltpu.VMEM((NCHUNK, EB), jnp.int32),
            pltpu.VMEM((EB, H), jnp.float32),
            pltpu.VMEM((EB, H), jnp.float32),
            pltpu.SemaphoreType.DMA,
            pltpu.SemaphoreType.DMA,
        ],
    )
    return deg_call, agg_call


_PACK = 128 // H


def _unpack(vp):
    r = vp.shape[0]
    t = jnp.broadcast_to(vp[:, None, :], (r, _PACK, 128))
    t = jnp.reshape(t, (_PACK * r, 128))
    n = lax.broadcasted_iota(jnp.int32, (_PACK * r, 1), 0) % _PACK
    out = jnp.where(n == 0, 1.0, 0.0) * t[:, 0:H]
    for j in range(1, _PACK):
        out = out + jnp.where(n == j, 1.0, 0.0) * t[:, H * j:H * (j + 1)]
    return out


def _pack(v):
    r4 = v.shape[0]
    wide = jnp.concatenate([v] * _PACK, axis=1)
    c = lax.broadcasted_iota(jnp.int32, (r4, 128), 1) // H
    n = lax.broadcasted_iota(jnp.int32, (r4, 128), 0) % _PACK
    wide = jnp.where(c == n, wide, 0.0)
    return jnp.sum(jnp.reshape(wide, (r4 // _PACK, _PACK, 128)), axis=1)


def _col_from_rows(v128, nrows):
    r = v128.shape[0]
    t = jnp.broadcast_to(v128[:, None, :], (r, 128, 128))
    t = jnp.reshape(t, (128 * r, 128))
    m = (lax.broadcasted_iota(jnp.int32, (128 * r, 128), 1)
         == lax.broadcasted_iota(jnp.int32, (128 * r, 128), 0) % 128)
    return jnp.sum(jnp.where(m, t, 0.0), axis=1, keepdims=True)[:nrows]


def _tcr_body(ei_ref, out_ref):
    v = ei_ref[...]
    sr = jnp.reshape(v[0], (E // 128, 128))
    dr = jnp.reshape(v[1], (E // 128, 128))
    out_ref[...] = jnp.concatenate(
        [jnp.reshape(sr, (1, E // 128, 128)),
         jnp.reshape(dr, (1, E // 128, 128))], axis=0)


_tcr = pl.pallas_call(
    _tcr_body,
    out_shape=jax.ShapeDtypeStruct((2, E // 128, 128), jnp.int32),
)


_NPK = N * H // 128


def _blockdiag4(w):
    z = jnp.zeros((H, H), jnp.float32)
    rows = []
    for j in range(_PACK):
        rows.append(jnp.concatenate(
            [w if k == j else z for k in range(_PACK)], axis=1))
    return jnp.concatenate(rows, axis=0)


def _tile_row(b):
    return jnp.concatenate([b] * _PACK, axis=1)


def _tc1a_body(x_ref, w1_ref, p1p_ref):
    p1 = jnp.dot(x_ref[...], w1_ref[...], preferred_element_type=jnp.float32)
    p1p_ref[...] = _pack(p1)


_tc1a = pl.pallas_call(
    _tc1a_body,
    out_shape=jax.ShapeDtypeStruct((_NPK, 128), jnp.float32),
)


def _tc1b_body(p1p_ref, degp_ref, g1p_ref, dinvp_ref):
    v = degp_ref[...]
    deg = v[0] + v[1] + 1.0
    dinv = _col_from_rows(lax.rsqrt(deg), N)
    dinvp = _pack(jnp.broadcast_to(dinv, (N, H)))
    dinvp_ref[...] = dinvp
    g1p_ref[...] = p1p_ref[...] * dinvp


_tc1b = pl.pallas_call(
    _tc1b_body,
    out_shape=(jax.ShapeDtypeStruct((_NPK, 128), jnp.float32),
               jax.ShapeDtypeStruct((_NPK, 128), jnp.float32)),
)


def _tc2_body(aggp_ref, g1p_ref, dinvp_ref, b1_ref, w2_ref, g2p_ref):
    va = aggp_ref[...]
    dinvp = dinvp_ref[...]
    z = ((va[0, :_NPK] + va[1, :_NPK] + g1p_ref[...]) * dinvp
         + _tile_row(b1_ref[...]))
    h1p = jnp.maximum(z, 0.0)
    g2p_ref[...] = jnp.dot(h1p, _blockdiag4(w2_ref[...]),
                           preferred_element_type=jnp.float32) * dinvp


_tc2 = pl.pallas_call(
    _tc2_body,
    out_shape=jax.ShapeDtypeStruct((_NPK, 128), jnp.float32),
)


def _tc3_body(aggp_ref, g2p_ref, dinvp_ref, b2_ref, batch_ref, wl_ref, bl_ref,
              out_ref):
    va = aggp_ref[...]
    z = ((va[0, :_NPK] + va[1, :_NPK] + g2p_ref[...]) * dinvp_ref[...]
         + _tile_row(b2_ref[...]))
    h2 = _unpack(jnp.maximum(z, 0.0))
    bt = batch_ref[...]
    gid = lax.broadcasted_iota(jnp.int32, (G, N), 0)
    oh = (gid == bt).astype(jnp.float32)
    sums = jnp.dot(oh, h2, preferred_element_type=jnp.float32)
    cnt = jnp.sum(oh, axis=1, keepdims=True)
    pooled = sums / jnp.maximum(cnt, 1.0)
    out_ref[...] = jnp.dot(pooled, wl_ref[...],
                           preferred_element_type=jnp.float32) + bl_ref[...]


_tc3 = pl.pallas_call(
    _tc3_body,
    out_shape=jax.ShapeDtypeStruct((G, 2), jnp.float32),
)


def kernel(x, edge_index, batch, W1, b1, W2, b2, Wl, bl):
    _deg_call, _agg_call = _sc_calls()
    er4 = _tcr(edge_index.astype(jnp.int32)).reshape(2, NW * NCHUNK, EB)
    zeros1 = jnp.zeros((NP,), jnp.float32)
    zeros2 = jnp.zeros((NP, H), jnp.float32)
    onesb = jnp.ones((EB,), jnp.float32)
    degp = _deg_call(er4, zeros1, onesb)
    p1p = _tc1a(x, W1)
    g1p, dinvp = _tc1b(p1p, degp.reshape(NC, NP // 128, 128))
    g1 = g1p.reshape(N, H)
    aggp1 = _agg_call(g1, er4, zeros2)
    g2p = _tc2(aggp1.reshape(NC, NP * H // 128, 128), g1p, dinvp,
               b1.reshape(1, H), W2)
    g2 = g2p.reshape(N, H)
    aggp2 = _agg_call(g2, er4, zeros2)
    return _tc3(aggp2.reshape(NC, NP * H // 128, 128), g2p, dinvp,
                b2.reshape(1, H), batch.reshape(1, N),
                Wl, bl.reshape(1, 2))

# --- scband reference (transcript-rebuilt; emitter-appended) ---
"""Pipeline reference for scband-gnn-31722628448327 (READ-ONLY COPY).

The authoritative reference and input builder live on the scoring server;
editing this copy changes nothing except your own understanding.
"""

import jax, jax.numpy as jnp
import numpy as np

N = 10000
E = 320000
D = 128
H = 32
G = 64


def gcn_layer(x, edge_index, W, b):
    # GCNConv: add self-loops, symmetric normalization D^-1/2 (A+I) D^-1/2 x W + b
    n = x.shape[0]
    loop = jnp.arange(n, dtype=edge_index.dtype)
    src = jnp.concatenate([edge_index[0], loop])
    dst = jnp.concatenate([edge_index[1], loop])
    deg = jax.ops.segment_sum(jnp.ones_like(src, dtype=x.dtype), dst, num_segments=n)
    dinv = jnp.where(deg > 0, jax.lax.rsqrt(jnp.maximum(deg, 1e-12)), 0.0)
    norm = dinv[src] * dinv[dst]
    h = x @ W
    msg = h[src] * norm[:, None]
    out = jax.ops.segment_sum(msg, dst, num_segments=n)
    return out + b


def setup_inputs(seed: int = 0) -> dict:
    key = jax.random.key(seed)
    ks = jax.random.split(key, 10)
    x = jax.random.normal(ks[0], (N, D), dtype=jnp.float32)
    edge_index = jax.random.randint(ks[1], (2, E), 0, N)
    batch = jnp.sort(jax.random.randint(ks[2], (N,), 0, G))
    W1 = jax.random.normal(ks[3], (D, H), dtype=jnp.float32) * 0.05
    b1 = jnp.zeros((H,), dtype=jnp.float32)
    W2 = jax.random.normal(ks[4], (H, H), dtype=jnp.float32) * 0.05
    b2 = jnp.zeros((H,), dtype=jnp.float32)
    Wl = jax.random.normal(ks[5], (H, 2), dtype=jnp.float32) * 0.05
    bl = jnp.zeros((2,), dtype=jnp.float32)
    return {"x": x, "edge_index": edge_index, "batch": batch,
            "W1": W1, "b1": b1, "W2": W2, "b2": b2, "Wl": Wl, "bl": bl}


def reference(x, edge_index, batch, W1, b1, W2, b2, Wl, bl):
    h = jax.nn.relu(gcn_layer(x, edge_index, W1, b1))
    h = jax.nn.relu(gcn_layer(h, edge_index, W2, b2))
    sums = jax.ops.segment_sum(h, batch, num_segments=G)
    cnt = jax.ops.segment_sum(jnp.ones((h.shape[0], 1), dtype=h.dtype), batch, num_segments=G)
    pooled = sums / jnp.maximum(cnt, 1.0)
    return pooled @ Wl + bl

if __name__ == "__main__":
    import jax
    _d = setup_inputs()
    print(jax.jit(kernel)(*tuple(_d.values())))

</pallas_src>

<mosaic_0001>
#map = affine_map<(d0, d1) -> (0, 0)>
#map1 = affine_map<(d0, d1) -> (0, 0, 0)>
module attributes {stable_mosaic.version = 14 : i64} {
  func.func @_agg_body(%arg0: i32, %arg1: i32, %arg2: memref<10000x32xf32, #tpu.memory_space<hbm>>, %arg3: memref<2x320x1000xi32, #tpu.memory_space<hbm>>, %arg4: memref<10240x32xf32, #tpu.memory_space<hbm>>, %arg5: memref<2x10240x32xf32, #tpu.memory_space<hbm>>, %arg6: memref<10240x32xf32, #tpu.memory_space<vmem_shared>>, %arg7: memref<10x1000xi32, #tpu.memory_space<vmem>>, %arg8: memref<10x1000xi32, #tpu.memory_space<vmem>>, %arg9: memref<1000x32xf32, #tpu.memory_space<vmem>>, %arg10: memref<1000x32xf32, #tpu.memory_space<vmem>>, %arg11: memref<!tpu.dma_semaphore, #tpu.memory_space<semaphore_mem>>, %arg12: memref<!tpu.dma_semaphore, #tpu.memory_space<semaphore_mem>>) attributes {dimension_semantics = [#tpu.dimension_semantics<core_parallel>, #tpu.dimension_semantics<subcore_parallel>], iteration_bounds = array<i64: 2, 16>, scalar_prefetch = 0 : i64, scratch_operands = 7 : i64, tpu.core_type = #tpu.core_type<sc_vector_subcore>, window_params = [{transform_indices = #map}, {transform_indices = #map1}, {transform_indices = #map}, {transform_indices = #map1}]} {
    %mul3A = arith.constant 2 : i32
    %mul3A_0 = arith.muli %arg1, %mul3A : i32
    %add3A = arith.addi %mul3A_0, %arg0 : i32
    %mul3A_1 = arith.constant 640 : i32
    %mul3A_2 = arith.muli %arg1, %mul3A_1 : i32
    %mul3A_3 = arith.constant 640 : i32
    %mul3A_4 = arith.muli %arg1, %mul3A_3 : i32
    "tpu.region"() ({
      %run_scoped3A_163 = tpu.sem_alloc : memref<!tpu.dma_semaphore, #tpu.memory_space<semaphore_mem>>
      %dma_start3A_164 = arith.constant 0 : i32
      %dma_start3A_165 = tpu.memref_slice %arg6[%mul3A_4, %dma_start3A_164] : memref<10240x32xf32, #tpu.memory_space<vmem_shared>> -> memref<640x32xf32, #tpu.memory_space<vmem_shared>>
      %dma_start3A_166 = arith.constant 0 : i32
      %dma_start3A_167 = tpu.memref_slice %arg4[%mul3A_2, %dma_start3A_166] : memref<10240x32xf32, #tpu.memory_space<hbm>> -> memref<640x32xf32, #tpu.memory_space<hbm>>
      tpu.enqueue_dma source(%dma_start3A_167 : memref<640x32xf32, #tpu.memory_space<hbm>>) target(%dma_start3A_165 : memref<640x32xf32, #tpu.memory_space<vmem_shared>>) target_semaphore(%run_scoped3A_163 : memref<!tpu.dma_semaphore, #tpu.memory_space<semaphore_mem>>)
      %dma_wait3A_168 = arith.constant 0 : i32
      %dma_wait3A_169 = tpu.memref_slice %arg6[%mul3A_4, %dma_wait3A_168] : memref<10240x32xf32, #tpu.memory_space<vmem_shared>> -> memref<640x32xf32, #tpu.memory_space<vmem_shared>>
      %dma_wait3A_170 = arith.constant 0 : i32
      %dma_wait3A_171 = tpu.memref_slice %arg4[%mul3A_2, %dma_wait3A_170] : memref<10240x32xf32, #tpu.memory_space<hbm>> -> memref<640x32xf32, #tpu.memory_space<hbm>>
      tpu.wait_dma2 semaphore(%run_scoped3A_163 : memref<!tpu.dma_semaphore, #tpu.memory_space<semaphore_mem>>) src(%dma_wait3A_171 : memref<640x32xf32, #tpu.memory_space<hbm>>) dst(%dma_wait3A_169 : memref<640x32xf32, #tpu.memory_space<vmem_shared>>)
      tpu.yield
    }) : () -> ()
    %mul3A_5 = arith.constant 10 : i32
    %mul3A_6 = arith.muli %add3A, %mul3A_5 : i32
    %run_scoped3A = arith.constant 0 : i32
    "tpu.region"() ({
      %run_scoped3A_163 = tpu.sem_alloc : memref<!tpu.dma_semaphore, #tpu.memory_space<semaphore_mem>>
      %dma_start3A_164 = arith.constant 0 : i32
      %dma_start3A_165 = tpu.memref_slice %arg3[%run_scoped3A, %mul3A_6, %dma_start3A_164] : memref<2x320x1000xi32, #tpu.memory_space<hbm>> -> memref<1x10x1000xi32, #tpu.memory_space<hbm>>
      %dma_start3A_166 = tpu.memref_squeeze %dma_start3A_165 : memref<1x10x1000xi32, #tpu.memory_space<hbm>> -> memref<10x1000xi32, #tpu.memory_space<hbm>>
      %dma_start3A_167 = arith.constant 0 : i32
      %dma_start3A_168 = tpu.memref_slice %arg3[%run_scoped3A, %mul3A_6, %dma_start3A_167] : memref<2x320x1000xi32, #tpu.memory_space<hbm>> -> memref<1x10x1000xi32, #tpu.memory_space<hbm>>
      %dma_start3A_169 = tpu.memref_squeeze %dma_start3A_168 : memref<1x10x1000xi32, #tpu.memory_space<hbm>> -> memref<10x1000xi32, #tpu.memory_space<hbm>>
      tpu.enqueue_dma source(%dma_start3A_169 : memref<10x1000xi32, #tpu.memory_space<hbm>>) target(%arg7 : memref<10x1000xi32, #tpu.memory_space<vmem>>) target_semaphore(%run_scoped3A_163 : memref<!tpu.dma_semaphore, #tpu.memory_space<semaphore_mem>>)
      %dma_wait3A_170 = arith.constant 0 : i32
      %dma_wait3A_171 = tpu.memref_slice %arg3[%run_scoped3A, %mul3A_6, %dma_wait3A_170] : memref<2x320x1000xi32, #tpu.memory_space<hbm>> -> memref<1x10x1000xi32, #tpu.memory_space<hbm>>
      %dma_wait3A_172 = tpu.memref_squeeze %dma_wait3A_171 : memref<1x10x1000xi32, #tpu.memory_space<hbm>> -> memref<10x1000xi32, #tpu.memory_space<hbm>>
      %dma_wait3A_173 = arith.constant 0 : i32
      %dma_wait3A_174 = tpu.memref_slice %arg3[%run_scoped3A, %mul3A_6, %dma_wait3A_173] : memref<2x320x1000xi32, #tpu.memory_space<hbm>> -> memref<1x10x1000xi32, #tpu.memory_space<hbm>>
      %dma_wait3A_175 = tpu.memref_squeeze %dma_wait3A_174 : memref<1x10x1000xi32, #tpu.memory_space<hbm>> -> memref<10x1000xi32, #tpu.memory_space<hbm>>
      tpu.wait_dma2 semaphore(%run_scoped3A_163 : memref<!tpu.dma_semaphore, #tpu.memory_space<semaphore_mem>>) src(%dma_wait3A_175 : memref<10x1000xi32, #tpu.memory_space<hbm>>) dst(%arg7 : memref<10x1000xi32, #tpu.memory_space<vmem>>)
      tpu.yield
    }) : () -> ()
    %mul3A_7 = arith.constant 10 : i32
    %mul3A_8 = arith.muli %add3A, %mul3A_7 : i32
    %run_scoped3A_9 = arith.constant 1 : i32
    "tpu.region"() ({
      %run_scoped3A_163 = tpu.sem_alloc : memref<!tpu.dma_semaphore, #tpu.memory_space<semaphore_mem>>
      %dma_start3A_164 = arith.constant 0 : i32
      %dma_start3A_165 = tpu.memref_slice %arg3[%run_scoped3A_9, %mul3A_8, %dma_start3A_164] : memref<2x320x1000xi32, #tpu.memory_space<hbm>> -> memref<1x10x1000xi32, #tpu.memory_space<hbm>>
      %dma_start3A_166 = tpu.memref_squeeze %dma_start3A_165 : memref<1x10x1000xi32, #tpu.memory_space<hbm>> -> memref<10x1000xi32, #tpu.memory_space<hbm>>
      %dma_start3A_167 = arith.constant 0 : i32
      %dma_start3A_168 = tpu.memref_slice %arg3[%run_scoped3A_9, %mul3A_8, %dma_start3A_167] : memref<2x320x1000xi32, #tpu.memory_space<hbm>> -> memref<1x10x1000xi32, #tpu.memory_space<hbm>>
      %dma_start3A_169 = tpu.memref_squeeze %dma_start3A_168 : memref<1x10x1000xi32, #tpu.memory_space<hbm>> -> memref<10x1000xi32, #tpu.memory_space<hbm>>
      tpu.enqueue_dma source(%dma_start3A_169 : memref<10x1000xi32, #tpu.memory_space<hbm>>) target(%arg8 : memref<10x1000xi32, #tpu.memory_space<vmem>>) target_semaphore(%run_scoped3A_163 : memref<!tpu.dma_semaphore, #tpu.memory_space<semaphore_mem>>)
      %dma_wait3A_170 = arith.constant 0 : i32
      %dma_wait3A_171 = tpu.memref_slice %arg3[%run_scoped3A_9, %mul3A_8, %dma_wait3A_170] : memref<2x320x1000xi32, #tpu.memory_space<hbm>> -> memref<1x10x1000xi32, #tpu.memory_space<hbm>>
      %dma_wait3A_172 = tpu.memref_squeeze %dma_wait3A_171 : memref<1x10x1000xi32, #tpu.memory_space<hbm>> -> memref<10x1000xi32, #tpu.memory_space<hbm>>
      %dma_wait3A_173 = arith.constant 0 : i32
      %dma_wait3A_174 = tpu.memref_slice %arg3[%run_scoped3A_9, %mul3A_8, %dma_wait3A_173] : memref<2x320x1000xi32, #tpu.memory_space<hbm>> -> memref<1x10x1000xi32, #tpu.memory_space<hbm>>
      %dma_wait3A_175 = tpu.memref_squeeze %dma_wait3A_174 : memref<1x10x1000xi32, #tpu.memory_space<hbm>> -> memref<10x1000xi32, #tpu.memory_space<hbm>>
      tpu.wait_dma2 semaphore(%run_scoped3A_163 : memref<!tpu.dma_semaphore, #tpu.memory_space<semaphore_mem>>) src(%dma_wait3A_175 : memref<10x1000xi32, #tpu.memory_space<hbm>>) dst(%arg8 : memref<10x1000xi32, #tpu.memory_space<vmem>>)
      tpu.yield
    }) : () -> ()
    %barrier3A = arith.constant 0 : index
    tpu.barrier barrier_id(%barrier3A)
    %dma_start3A = arith.constant 0 : i32
    %dma_start3A_10 = arith.constant 0 : i32
    %dma_start3A_11 = tpu.memref_slice %arg7[%dma_start3A, %dma_start3A_10] : memref<10x1000xi32, #tpu.memory_space<vmem>> -> memref<1x1000xi32, #tpu.memory_space<vmem>>
    %dma_start3A_12 = tpu.memref_squeeze %dma_start3A_11 : memref<1x1000xi32, #tpu.memory_space<vmem>> -> memref<1000xi32, #tpu.memory_space<vmem>>
    %dma_start3A_13 = arith.constant 0 : i32
    %dma_start3A_14 = arith.constant 0 : i32
    %dma_start3A_15 = tpu.memref_slice %arg2[%dma_start3A_13, %dma_start3A_14] : memref<10000x32xf32, #tpu.memory_space<hbm>> -> memref<10000x32xf32, #tpu.memory_space<hbm>>
    tpu.enqueue_indirect_dma source(%dma_start3A_15 : memref<10000x32xf32, #tpu.memory_space<hbm>>) target(%arg9 : memref<1000x32xf32, #tpu.memory_space<vmem>>) offsets(%dma_start3A_12 : memref<1000xi32, #tpu.memory_space<vmem>>) semaphore(%arg11 : memref<!tpu.dma_semaphore, #tpu.memory_space<semaphore_mem>>)
    %dma_start3A_16 = arith.constant 1 : i32
    %dma_start3A_17 = arith.constant 0 : i32
    %dma_start3A_18 = tpu.memref_slice %arg7[%dma_start3A_16, %dma_start3A_17] : memref<10x1000xi32, #tpu.memory_space<vmem>> -> memref<1x1000xi32, #tpu.memory_space<vmem>>
    %dma_start3A_19 = tpu.memref_squeeze %dma_start3A_18 : memref<1x1000xi32, #tpu.memory_space<vmem>> -> memref<1000xi32, #tpu.memory_space<vmem>>
    %dma_start3A_20 = arith.constant 0 : i32
    %dma_start3A_21 = arith.constant 0 : i32
    %dma_start3A_22 = tpu.memref_slice %arg2[%dma_start3A_20, %dma_start3A_21] : memref<10000x32xf32, #tpu.memory_space<hbm>> -> memref<10000x32xf32, #tpu.memory_space<hbm>>
    tpu.enqueue_indirect_dma source(%dma_start3A_22 : memref<10000x32xf32, #tpu.memory_space<hbm>>) target(%arg10 : memref<1000x32xf32, #tpu.memory_space<vmem>>) offsets(%dma_start3A_19 : memref<1000xi32, #tpu.memory_space<vmem>>) semaphore(%arg12 : memref<!tpu.dma_semaphore, #tpu.memory_space<semaphore_mem>>)
    %dma_wait3A = arith.constant 0 : i32
    %dma_wait3A_23 = arith.constant 0 : i32
    %dma_wait3A_24 = tpu.memref_slice %arg7[%dma_wait3A, %dma_wait3A_23] : memref<10x1000xi32, #tpu.memory_space<vmem>> -> memref<1x1000xi32, #tpu.memory_space<vmem>>
    %dma_wait3A_25 = tpu.memref_squeeze %dma_wait3A_24 : memref<1x1000xi32, #tpu.memory_space<vmem>> -> memref<1000xi32, #tpu.memory_space<vmem>>
    %dma_wait3A_26 = arith.constant 0 : i32
    %dma_wait3A_27 = arith.constant 0 : i32
    %dma_wait3A_28 = tpu.memref_slice %arg2[%dma_wait3A_26, %dma_wait3A_27] : memref<10000x32xf32, #tpu.memory_space<hbm>> -> memref<10000x32xf32, #tpu.memory_space<hbm>>
    tpu.wait_indirect_dma semaphore(%arg11 : memref<!tpu.dma_semaphore, #tpu.memory_space<semaphore_mem>>) src(%dma_wait3A_28 : memref<10000x32xf32, #tpu.memory_space<hbm>>) dst(%arg9 : memref<1000x32xf32, #tpu.memory_space<vmem>>)
    %run_scoped3A_29 = arith.constant 0 : i32
    "tpu.region"() ({
      %run_scoped3A_163 = tpu.sem_alloc : memref<!tpu.dma_semaphore, #tpu.memory_space<semaphore_mem>>
      %dma_start3A_164 = arith.constant 0 : i32
      %dma_start3A_165 = tpu.memref_slice %arg8[%run_scoped3A_29, %dma_start3A_164] : memref<10x1000xi32, #tpu.memory_space<vmem>> -> memref<1x1000xi32, #tpu.memory_space<vmem>>
      %dma_start3A_166 = tpu.memref_squeeze %dma_start3A_165 : memref<1x1000xi32, #tpu.memory_space<vmem>> -> memref<1000xi32, #tpu.memory_space<vmem>>
      %dma_start3A_167 = arith.constant 0 : i32
      %dma_start3A_168 = arith.constant 0 : i32
      %dma_start3A_169 = tpu.memref_slice %arg6[%dma_start3A_167, %dma_start3A_168] : memref<10240x32xf32, #tpu.memory_space<vmem_shared>> -> memref<10240x32xf32, #tpu.memory_space<vmem_shared>>
      tpu.enqueue_indirect_dma source(%arg9 : memref<1000x32xf32, #tpu.memory_space<vmem>>) target(%dma_start3A_169 : memref<10240x32xf32, #tpu.memory_space<vmem_shared>>) offsets(%dma_start3A_166 : memref<1000xi32, #tpu.memory_space<vmem>>) semaphore(%run_scoped3A_163 : memref<!tpu.dma_semaphore, #tpu.memory_space<semaphore_mem>>) {add = true}
      %dma_wait3A_170 = arith.constant 0 : i32
      %dma_wait3A_171 = tpu.memref_slice %arg8[%run_scoped3A_29, %dma_wait3A_170] : memref<10x1000xi32, #tpu.memory_space<vmem>> -> memref<1x1000xi32, #tpu.memory_space<vmem>>
      %dma_wait3A_172 = tpu.memref_squeeze %dma_wait3A_171 : memref<1x1000xi32, #tpu.memory_space<vmem>> -> memref<1000xi32, #tpu.memory_space<vmem>>
      %dma_wait3A_173 = arith.constant 0 : i32
      %dma_wait3A_174 = arith.constant 0 : i32
      %dma_wait3A_175 = tpu.memref_slice %arg6[%dma_wait3A_173, %dma_wait3A_174] : memref<10240x32xf32, #tpu.memory_space<vmem_shared>> -> memref<10240x32xf32, #tpu.memory_space<vmem_shared>>
      tpu.wait_indirect_dma semaphore(%run_scoped3A_163 : memref<!tpu.dma_semaphore, #tpu.memory_space<semaphore_mem>>) src(%arg9 : memref<1000x32xf32, #tpu.memory_space<vmem>>) dst(%dma_wait3A_175 : memref<10240x32xf32, #tpu.memory_space<vmem_shared>>)
      tpu.yield
    }) : () -> ()
    %dma_start3A_30 = arith.constant 2 : i32
    %dma_start3A_31 = arith.constant 0 : i32
    %dma_start3A_32 = tpu.memref_slice %arg7[%dma_start3A_30, %dma_start3A_31] : memref<10x1000xi32, #tpu.memory_space<vmem>> -> memref<1x1000xi32, #tpu.memory_space<vmem>>
    %dma_start3A_33 = tpu.memref_squeeze %dma_start3A_32 : memref<1x1000xi32, #tpu.memory_space<vmem>> -> memref<1000xi32, #tpu.memory_space<vmem>>
    %dma_start3A_34 = arith.constant 0 : i32
    %dma_start3A_35 = arith.constant 0 : i32
    %dma_start3A_36 = tpu.memref_slice %arg2[%dma_start3A_34, %dma_start3A_35] : memref<10000x32xf32, #tpu.memory_space<hbm>> -> memref<10000x32xf32, #tpu.memory_space<hbm>>
    tpu.enqueue_indirect_dma source(%dma_start3A_36 : memref<10000x32xf32, #tpu.memory_space<hbm>>) target(%arg9 : memref<1000x32xf32, #tpu.memory_space<vmem>>) offsets(%dma_start3A_33 : memref<1000xi32, #tpu.memory_space<vmem>>) semaphore(%arg11 : memref<!tpu.dma_semaphore, #tpu.memory_space<semaphore_mem>>)
    %dma_wait3A_37 = arith.constant 1 : i32
    %dma_wait3A_38 = arith.constant 0 : i32
    %dma_wait3A_39 = tpu.memref_slice %arg7[%dma_wait3A_37, %dma_wait3A_38] : memref<10x1000xi32, #tpu.memory_space<vmem>> -> memref<1x1000xi32, #tpu.memory_space<vmem>>
    %dma_wait3A_40 = tpu.memref_squeeze %dma_wait3A_39 : memref<1x1000xi32, #tpu.memory_space<vmem>> -> memref<1000xi32, #tpu.memory_space<vmem>>
    %dma_wait3A_41 = arith.constant 0 : i32
    %dma_wait3A_42 = arith.constant 0 : i32
    %dma_wait3A_43 = tpu.memref_slice %arg2[%dma_wait3A_41, %dma_wait3A_42] : memref<10000x32xf32, #tpu.memory_space<hbm>> -> memref<10000x32xf32, #tpu.memory_space<hbm>>
    tpu.wait_indirect_dma semaphore(%arg12 : memref<!tpu.dma_semaphore, #tpu.memory_space<semaphore_mem>>) src(%dma_wait3A_43 : memref<10000x32xf32, #tpu.memory_space<hbm>>) dst(%arg10 : memref<1000x32xf32, #tpu.memory_space<vmem>>)
    %run_scoped3A_44 = arith.constant 1 : i32
    "tpu.region"() ({
      %run_scoped3A_163 = tpu.sem_alloc : memref<!tpu.dma_semaphore, #tpu.memory_space<semaphore_mem>>
      %dma_start3A_164 = arith.constant 0 : i32
      %dma_start3A_165 = tpu.memref_slice %arg8[%run_scoped3A_44, %dma_start3A_164] : memref<10x1000xi32, #tpu.memory_space<vmem>> -> memref<1x1000xi32, #tpu.memory_space<vmem>>
      %dma_start3A_166 = tpu.memref_squeeze %dma_start3A_165 : memref<1x1000xi32, #tpu.memory_space<vmem>> -> memref<1000xi32, #tpu.memory_space<vmem>>
      %dma_start3A_167 = arith.constant 0 : i32
      %dma_start3A_168 = arith.constant 0 : i32
      %dma_start3A_169 = tpu.memref_slice %arg6[%dma_start3A_167, %dma_start3A_168] : memref<10240x32xf32, #tpu.memory_space<vmem_shared>> -> memref<10240x32xf32, #tpu.memory_space<vmem_shared>>
      tpu.enqueue_indirect_dma source(%arg10 : memref<1000x32xf32, #tpu.memory_space<vmem>>) target(%dma_start3A_169 : memref<10240x32xf32, #tpu.memory_space<vmem_shared>>) offsets(%dma_start3A_166 : memref<1000xi32, #tpu.memory_space<vmem>>) semaphore(%run_scoped3A_163 : memref<!tpu.dma_semaphore, #tpu.memory_space<semaphore_mem>>) {add = true}
      %dma_wait3A_170 = arith.constant 0 : i32
      %dma_wait3A_171 = tpu.memref_slice %arg8[%run_scoped3A_44, %dma_wait3A_170] : memref<10x1000xi32, #tpu.memory_space<vmem>> -> memref<1x1000xi32, #tpu.memory_space<vmem>>
      %dma_wait3A_172 = tpu.memref_squeeze %dma_wait3A_171 : memref<1x1000xi32, #tpu.memory_space<vmem>> -> memref<1000xi32, #tpu.memory_space<vmem>>
      %dma_wait3A_173 = arith.constant 0 : i32
      %dma_wait3A_174 = arith.constant 0 : i32
      %dma_wait3A_175 = tpu.memref_slice %arg6[%dma_wait3A_173, %dma_wait3A_174] : memref<10240x32xf32, #tpu.memory_space<vmem_shared>> -> memref<10240x32xf32, #tpu.memory_space<vmem_shared>>
      tpu.wait_indirect_dma semaphore(%run_scoped3A_163 : memref<!tpu.dma_semaphore, #tpu.memory_space<semaphore_mem>>) src(%arg10 : memref<1000x32xf32, #tpu.memory_space<vmem>>) dst(%dma_wait3A_175 : memref<10240x32xf32, #tpu.memory_space<vmem_shared>>)
      tpu.yield
    }) : () -> ()
    %dma_start3A_45 = arith.constant 3 : i32
    %dma_start3A_46 = arith.constant 0 : i32
    %dma_start3A_47 = tpu.memref_slice %arg7[%dma_start3A_45, %dma_start3A_46] : memref<10x1000xi32, #tpu.memory_space<vmem>> -> memref<1x1000xi32, #tpu.memory_space<vmem>>
    %dma_start3A_48 = tpu.memref_squeeze %dma_start3A_47 : memref<1x1000xi32, #tpu.memory_space<vmem>> -> memref<1000xi32, #tpu.memory_space<vmem>>
    %dma_start3A_49 = arith.constant 0 : i32
    %dma_start3A_50 = arith.constant 0 : i32
    %dma_start3A_51 = tpu.memref_slice %arg2[%dma_start3A_49, %dma_start3A_50] : memref<10000x32xf32, #tpu.memory_space<hbm>> -> memref<10000x32xf32, #tpu.memory_space<hbm>>
    tpu.enqueue_indirect_dma source(%dma_start3A_51 : memref<10000x32xf32, #tpu.memory_space<hbm>>) target(%arg10 : memref<1000x32xf32, #tpu.memory_space<vmem>>) offsets(%dma_start3A_48 : memref<1000xi32, #tpu.memory_space<vmem>>) semaphore(%arg12 : memref<!tpu.dma_semaphore, #tpu.memory_space<semaphore_mem>>)
    %dma_wait3A_52 = arith.constant 2 : i32
    %dma_wait3A_53 = arith.constant 0 : i32
    %dma_wait3A_54 = tpu.memref_slice %arg7[%dma_wait3A_52, %dma_wait3A_53] : memref<10x1000xi32, #tpu.memory_space<vmem>> -> memref<1x1000xi32, #tpu.memory_space<vmem>>
    %dma_wait3A_55 = tpu.memref_squeeze %dma_wait3A_54 : memref<1x1000xi32, #tpu.memory_space<vmem>> -> memref<1000xi32, #tpu.memory_space<vmem>>
    %dma_wait3A_56 = arith.constant 0 : i32
    %dma_wait3A_57 = arith.constant 0 : i32
    %dma_wait3A_58 = tpu.memref_slice %arg2[%dma_wait3A_56, %dma_wait3A_57] : memref<10000x32xf32, #tpu.memory_space<hbm>> -> memref<10000x32xf32, #tpu.memory_space<hbm>>
    tpu.wait_indirect_dma semaphore(%arg11 : memref<!tpu.dma_semaphore, #tpu.memory_space<semaphore_mem>>) src(%dma_wait3A_58 : memref<10000x32xf32, #tpu.memory_space<hbm>>) dst(%arg9 : memref<1000x32xf32, #tpu.memory_space<vmem>>)
    %run_scoped3A_59 = arith.constant 2 : i32
    "tpu.region"() ({
      %run_scoped3A_163 = tpu.sem_alloc : memref<!tpu.dma_semaphore, #tpu.memory_space<semaphore_mem>>
      %dma_start3A_164 = arith.constant 0 : i32
      %dma_start3A_165 = tpu.memref_slice %arg8[%run_scoped3A_59, %dma_start3A_164] : memref<10x1000xi32, #tpu.memory_space<vmem>> -> memref<1x1000xi32, #tpu.memory_space<vmem>>
      %dma_start3A_166 = tpu.memref_squeeze %dma_start3A_165 : memref<1x1000xi32, #tpu.memory_space<vmem>> -> memref<1000xi32, #tpu.memory_space<vmem>>
      %dma_start3A_167 = arith.constant 0 : i32
      %dma_start3A_168 = arith.constant 0 : i32
      %dma_start3A_169 = tpu.memref_slice %arg6[%dma_start3A_167, %dma_start3A_168] : memref<10240x32xf32, #tpu.memory_space<vmem_shared>> -> memref<10240x32xf32, #tpu.memory_space<vmem_shared>>
      tpu.enqueue_indirect_dma source(%arg9 : memref<1000x32xf32, #tpu.memory_space<vmem>>) target(%dma_start3A_169 : memref<10240x32xf32, #tpu.memory_space<vmem_shared>>) offsets(%dma_start3A_166 : memref<1000xi32, #tpu.memory_space<vmem>>) semaphore(%run_scoped3A_163 : memref<!tpu.dma_semaphore, #tpu.memory_space<semaphore_mem>>) {add = true}
      %dma_wait3A_170 = arith.constant 0 : i32
      %dma_wait3A_171 = tpu.memref_slice %arg8[%run_scoped3A_59, %dma_wait3A_170] : memref<10x1000xi32, #tpu.memory_space<vmem>> -> memref<1x1000xi32, #tpu.memory_space<vmem>>
      %dma_wait3A_172 = tpu.memref_squeeze %dma_wait3A_171 : memref<1x1000xi32, #tpu.memory_space<vmem>> -> memref<1000xi32, #tpu.memory_space<vmem>>
      %dma_wait3A_173 = arith.constant 0 : i32
      %dma_wait3A_174 = arith.constant 0 : i32
      %dma_wait3A_175 = tpu.memref_slice %arg6[%dma_wait3A_173, %dma_wait3A_174] : memref<10240x32xf32, #tpu.memory_space<vmem_shared>> -> memref<10240x32xf32, #tpu.memory_space<vmem_shared>>
      tpu.wait_indirect_dma semaphore(%run_scoped3A_163 : memref<!tpu.dma_semaphore, #tpu.memory_space<semaphore_mem>>) src(%arg9 : memref<1000x32xf32, #tpu.memory_space<vmem>>) dst(%dma_wait3A_175 : memref<10240x32xf32, #tpu.memory_space<vmem_shared>>)
      tpu.yield
    }) : () -> ()
    %dma_start3A_60 = arith.constant 4 : i32
    %dma_start3A_61 = arith.constant 0 : i32
    %dma_start3A_62 = tpu.memref_slice %arg7[%dma_start3A_60, %dma_start3A_61] : memref<10x1000xi32, #tpu.memory_space<vmem>> -> memref<1x1000xi32, #tpu.memory_space<vmem>>
    %dma_start3A_63 = tpu.memref_squeeze %dma_start3A_62 : memref<1x1000xi32, #tpu.memory_space<vmem>> -> memref<1000xi32, #tpu.memory_space<vmem>>
    %dma_start3A_64 = arith.constant 0 : i32
    %dma_start3A_65 = arith.constant 0 : i32
    %dma_start3A_66 = tpu.memref_slice %arg2[%dma_start3A_64, %dma_start3A_65] : memref<10000x32xf32, #tpu.memory_space<hbm>> -> memref<10000x32xf32, #tpu.memory_space<hbm>>
    tpu.enqueue_indirect_dma source(%dma_start3A_66 : memref<10000x32xf32, #tpu.memory_space<hbm>>) target(%arg9 : memref<1000x32xf32, #tpu.memory_space<vmem>>) offsets(%dma_start3A_63 : memref<1000xi32, #tpu.memory_space<vmem>>) semaphore(%arg11 : memref<!tpu.dma_semaphore, #tpu.memory_space<semaphore_mem>>)
    %dma_wait3A_67 = arith.constant 3 : i32
    %dma_wait3A_68 = arith.constant 0 : i32
    %dma_wait3A_69 = tpu.memref_slice %arg7[%dma_wait3A_67, %dma_wait3A_68] : memref<10x1000xi32, #tpu.memory_space<vmem>> -> memref<1x1000xi32, #tpu.memory_space<vmem>>
    %dma_wait3A_70 = tpu.memref_squeeze %dma_wait3A_69 : memref<1x1000xi32, #tpu.memory_space<vmem>> -> memref<1000xi32, #tpu.memory_space<vmem>>
    %dma_wait3A_71 = arith.constant 0 : i32
    %dma_wait3A_72 = arith.constant 0 : i32
    %dma_wait3A_73 = tpu.memref_slice %arg2[%dma_wait3A_71, %dma_wait3A_72] : memref<10000x32xf32, #tpu.memory_space<hbm>> -> memref<10000x32xf32, #tpu.memory_space<hbm>>
    tpu.wait_indirect_dma semaphore(%arg12 : memref<!tpu.dma_semaphore, #tpu.memory_space<semaphore_mem>>) src(%dma_wait3A_73 : memref<10000x32xf32, #tpu.memory_space<hbm>>) dst(%arg10 : memref<1000x32xf32, #tpu.memory_space<vmem>>)
    %run_scoped3A_74 = arith.constant 3 : i32
    "tpu.region"() ({
      %run_scoped3A_163 = tpu.sem_alloc : memref<!tpu.dma_semaphore, #tpu.memory_space<semaphore_mem>>
      %dma_start3A_164 = arith.constant 0 : i32
      %dma_start3A_165 = tpu.memref_slice %arg8[%run_scoped3A_74, %dma_start3A_164] : memref<10x1000xi32, #tpu.memory_space<vmem>> -> memref<1x1000xi32, #tpu.memory_space<vmem>>
      %dma_start3A_166 = tpu.memref_squeeze %dma_start3A_165 : memref<1x1000xi32, #tpu.memory_space<vmem>> -> memref<1000xi32, #tpu.memory_space<vmem>>
      %dma_start3A_167 = arith.constant 0 : i32
      %dma_start3A_168 = arith.constant 0 : i32
      %dma_start3A_169 = tpu.memref_slice %arg6[%dma_start3A_167, %dma_start3A_168] : memref<10240x32xf32, #tpu.memory_space<vmem_shared>> -> memref<10240x32xf32, #tpu.memory_space<vmem_shared>>
      tpu.enqueue_indirect_dma source(%arg10 : memref<1000x32xf32, #tpu.memory_space<vmem>>) target(%dma_start3A_169 : memref<10240x32xf32, #tpu.memory_space<vmem_shared>>) offsets(%dma_start3A_166 : memref<1000xi32, #tpu.memory_space<vmem>>) semaphore(%run_scoped3A_163 : memref<!tpu.dma_semaphore, #tpu.memory_space<semaphore_mem>>) {add = true}
      %dma_wait3A_170 = arith.constant 0 : i32
      %dma_wait3A_171 = tpu.memref_slice %arg8[%run_scoped3A_74, %dma_wait3A_170] : memref<10x1000xi32, #tpu.memory_space<vmem>> -> memref<1x1000xi32, #tpu.memory_space<vmem>>
      %dma_wait3A_172 = tpu.memref_squeeze %dma_wait3A_171 : memref<1x1000xi32, #tpu.memory_space<vmem>> -> memref<1000xi32, #tpu.memory_space<vmem>>
      %dma_wait3A_173 = arith.constant 0 : i32
      %dma_wait3A_174 = arith.constant 0 : i32
      %dma_wait3A_175 = tpu.memref_slice %arg6[%dma_wait3A_173, %dma_wait3A_174] : memref<10240x32xf32, #tpu.memory_space<vmem_shared>> -> memref<10240x32xf32, #tpu.memory_space<vmem_shared>>
      tpu.wait_indirect_dma semaphore(%run_scoped3A_163 : memref<!tpu.dma_semaphore, #tpu.memory_space<semaphore_mem>>) src(%arg10 : memref<1000x32xf32, #tpu.memory_space<vmem>>) dst(%dma_wait3A_175 : memref<10240x32xf32, #tpu.memory_space<vmem_shared>>)
      tpu.yield
    }) : () -> ()
    %dma_start3A_75 = arith.constant 5 : i32
    %dma_start3A_76 = arith.constant 0 : i32
    %dma_start3A_77 = tpu.memref_slice %arg7[%dma_start3A_75, %dma_start3A_76] : memref<10x1000xi32, #tpu.memory_space<vmem>> -> memref<1x1000xi32, #tpu.memory_space<vmem>>
    %dma_start3A_78 = tpu.memref_squeeze %dma_start3A_77 : memref<1x1000xi32, #tpu.memory_space<vmem>> -> memref<1000xi32, #tpu.memory_space<vmem>>
    %dma_start3A_79 = arith.constant 0 : i32
    %dma_start3A_80 = arith.constant 0 : i32
    %dma_start3A_81 = tpu.memref_slice %arg2[%dma_start3A_79, %dma_start3A_80] : memref<10000x32xf32, #tpu.memory_space<hbm>> -> memref<10000x32xf32, #tpu.memory_space<hbm>>
    tpu.enqueue_indirect_dma source(%dma_start3A_81 : memref<10000x32xf32, #tpu.memory_space<hbm>>) target(%arg10 : memref<1000x32xf32, #tpu.memory_space<vmem>>) offsets(%dma_start3A_78 : memref<1000xi32, #tpu.memory_space<vmem>>) semaphore(%arg12 : memref<!tpu.dma_semaphore, #tpu.memory_space<semaphore_mem>>)
    %dma_wait3A_82 = arith.constant 4 : i32
    %dma_wait3A_83 = arith.constant 0 : i32
    %dma_wait3A_84 = tpu.memref_slice %arg7[%dma_wait3A_82, %dma_wait3A_83] : memref<10x1000xi32, #tpu.memory_space<vmem>> -> memref<1x1000xi32, #tpu.memory_space<vmem>>
    %dma_wait3A_85 = tpu.memref_squeeze %dma_wait3A_84 : memref<1x1000xi32, #tpu.memory_space<vmem>> -> memref<1000xi32, #tpu.memory_space<vmem>>
    %dma_wait3A_86 = arith.constant 0 : i32
    %dma_wait3A_87 = arith.constant 0 : i32
    %dma_wait3A_88 = tpu.memref_slice %arg2[%dma_wait3A_86, %dma_wait3A_87] : memref<10000x32xf32, #tpu.memory_space<hbm>> -> memref<10000x32xf32, #tpu.memory_space<hbm>>
    tpu.wait_indirect_dma semaphore(%arg11 : memref<!tpu.dma_semaphore, #tpu.memory_space<semaphore_mem>>) src(%dma_wait3A_88 : memref<10000x32xf32, #tpu.memory_space<hbm>>) dst(%arg9 : memref<1000x32xf32, #tpu.memory_space<vmem>>)
    %run_scoped3A_89 = arith.constant 4 : i32
    "tpu.region"() ({
      %run_scoped3A_163 = tpu.sem_alloc : memref<!tpu.dma_semaphore, #tpu.memory_space<semaphore_mem>>
      %dma_start3A_164 = arith.constant 0 : i32
      %dma_start3A_165 = tpu.memref_slice %arg8[%run_scoped3A_89, %dma_start3A_164] : memref<10x1000xi32, #tpu.memory_space<vmem>> -> memref<1x1000xi32, #tpu.memory_space<vmem>>
      %dma_start3A_166 = tpu.memref_squeeze %dma_start3A_165 : memref<1x1000xi32, #tpu.memory_space<vmem>> -> memref<1000xi32, #tpu.memory_space<vmem>>
      %dma_start3A_167 = arith.constant 0 : i32
      %dma_start3A_168 = arith.constant 0 : i32
      %dma_start3A_169 = tpu.memref_slice %arg6[%dma_start3A_167, %dma_start3A_168] : memref<10240x32xf32, #tpu.memory_space<vmem_shared>> -> memref<10240x32xf32, #tpu.memory_space<vmem_shared>>
      tpu.enqueue_indirect_dma source(%arg9 : memref<1000x32xf32, #tpu.memory_space<vmem>>) target(%dma_start3A_169 : memref<10240x32xf32, #tpu.memory_space<vmem_shared>>) offsets(%dma_start3A_166 : memref<1000xi32, #tpu.memory_space<vmem>>) semaphore(%run_scoped3A_163 : memref<!tpu.dma_semaphore, #tpu.memory_space<semaphore_mem>>) {add = true}
      %dma_wait3A_170 = arith.constant 0 : i32
      %dma_wait3A_171 = tpu.memref_slice %arg8[%run_scoped3A_89, %dma_wait3A_170] : memref<10x1000xi32, #tpu.memory_space<vmem>> -> memref<1x1000xi32, #tpu.memory_space<vmem>>
      %dma_wait3A_172 = tpu.memref_squeeze %dma_wait3A_171 : memref<1x1000xi32, #tpu.memory_space<vmem>> -> memref<1000xi32, #tpu.memory_space<vmem>>
      %dma_wait3A_173 = arith.constant 0 : i32
      %dma_wait3A_174 = arith.constant 0 : i32
      %dma_wait3A_175 = tpu.memref_slice %arg6[%dma_wait3A_173, %dma_wait3A_174] : memref<10240x32xf32, #tpu.memory_space<vmem_shared>> -> memref<10240x32xf32, #tpu.memory_space<vmem_shared>>
      tpu.wait_indirect_dma semaphore(%run_scoped3A_163 : memref<!tpu.dma_semaphore, #tpu.memory_space<semaphore_mem>>) src(%arg9 : memref<1000x32xf32, #tpu.memory_space<vmem>>) dst(%dma_wait3A_175 : memref<10240x32xf32, #tpu.memory_space<vmem_shared>>)
      tpu.yield
    }) : () -> ()
    %dma_start3A_90 = arith.constant 6 : i32
    %dma_start3A_91 = arith.constant 0 : i32
    %dma_start3A_92 = tpu.memref_slice %arg7[%dma_start3A_90, %dma_start3A_91] : memref<10x1000xi32, #tpu.memory_space<vmem>> -> memref<1x1000xi32, #tpu.memory_space<vmem>>
    %dma_start3A_93 = tpu.memref_squeeze %dma_start3A_92 : memref<1x1000xi32, #tpu.memory_space<vmem>> -> memref<1000xi32, #tpu.memory_space<vmem>>
    %dma_start3A_94 = arith.constant 0 : i32
    %dma_start3A_95 = arith.constant 0 : i32
    %dma_start3A_96 = tpu.memref_slice %arg2[%dma_start3A_94, %dma_start3A_95] : memref<10000x32xf32, #tpu.memory_space<hbm>> -> memref<10000x32xf32, #tpu.memory_space<hbm>>
    tpu.enqueue_indirect_dma source(%dma_start3A_96 : memref<10000x32xf32, #tpu.memory_space<hbm>>) target(%arg9 : memref<1000x32xf32, #tpu.memory_space<vmem>>) offsets(%dma_start3A_93 : memref<1000xi32, #tpu.memory_space<vmem>>) semaphore(%arg11 : memref<!tpu.dma_semaphore, #tpu.memory_space<semaphore_mem>>)
    %dma_wait3A_97 = arith.constant 5 : i32
    %dma_wait3A_98 = arith.constant 0 : i32
    %dma_wait3A_99 = tpu.memref_slice %arg7[%dma_wait3A_97, %dma_wait3A_98] : memref<10x1000xi32, #tpu.memory_space<vmem>> -> memref<1x1000xi32, #tpu.memory_space<vmem>>
    %dma_wait3A_100 = tpu.memref_squeeze %dma_wait3A_99 : memref<1x1000xi32, #tpu.memory_space<vmem>> -> memref<1000xi32, #tpu.memory_space<vmem>>
    %dma_wait3A_101 = arith.constant 0 : i32
    %dma_wait3A_102 = arith.constant 0 : i32
    %dma_wait3A_103 = tpu.memref_slice %arg2[%dma_wait3A_101, %dma_wait3A_102] : memref<10000x32xf32, #tpu.memory_space<hbm>> -> memref<10000x32xf32, #tpu.memory_space<hbm>>
    tpu.wait_indirect_dma semaphore(%arg12 : memref<!tpu.dma_semaphore, #tpu.memory_space<semaphore_mem>>) src(%dma_wait3A_103 : memref<10000x32xf32, #tpu.memory_space<hbm>>) dst(%arg10 : memref<1000x32xf32, #tpu.memory_space<vmem>>)
    %run_scoped3A_104 = arith.constant 5 : i32
    "tpu.region"() ({
      %run_scoped3A_163 = tpu.sem_alloc : memref<!tpu.dma_semaphore, #tpu.memory_space<semaphore_mem>>
      %dma_start3A_164 = arith.constant 0 : i32
      %dma_start3A_165 = tpu.memref_slice %arg8[%run_scoped3A_104, %dma_start3A_164] : memref<10x1000xi32, #tpu.memory_space<vmem>> -> memref<1x1000xi32, #tpu.memory_space<vmem>>
      %dma_start3A_166 = tpu.memref_squeeze %dma_start3A_165 : memref<1x1000xi32, #tpu.memory_space<vmem>> -> memref<1000xi32, #tpu.memory_space<vmem>>
      %dma_start3A_167 = arith.constant 0 : i32
      %dma_start3A_168 = arith.constant 0 : i32
      %dma_start3A_169 = tpu.memref_slice %arg6[%dma_start3A_167, %dma_start3A_168] : memref<10240x32xf32, #tpu.memory_space<vmem_shared>> -> memref<10240x32xf32, #tpu.memory_space<vmem_shared>>
      tpu.enqueue_indirect_dma source(%arg10 : memref<1000x32xf32, #tpu.memory_space<vmem>>) target(%dma_start3A_169 : memref<10240x32xf32, #tpu.memory_space<vmem_shared>>) offsets(%dma_start3A_166 : memref<1000xi32, #tpu.memory_space<vmem>>) semaphore(%run_scoped3A_163 : memref<!tpu.dma_semaphore, #tpu.memory_space<semaphore_mem>>) {add = true}
      %dma_wait3A_170 = arith.constant 0 : i32
      %dma_wait3A_171 = tpu.memref_slice %arg8[%run_scoped3A_104, %dma_wait3A_170] : memref<10x1000xi32, #tpu.memory_space<vmem>> -> memref<1x1000xi32, #tpu.memory_space<vmem>>
      %dma_wait3A_172 = tpu.memref_squeeze %dma_wait3A_171 : memref<1x1000xi32, #tpu.memory_space<vmem>> -> memref<1000xi32, #tpu.memory_space<vmem>>
      %dma_wait3A_173 = arith.constant 0 : i32
      %dma_wait3A_174 = arith.constant 0 : i32
      %dma_wait3A_175 = tpu.memref_slice %arg6[%dma_wait3A_173, %dma_wait3A_174] : memref<10240x32xf32, #tpu.memory_space<vmem_shared>> -> memref<10240x32xf32, #tpu.memory_space<vmem_shared>>
      tpu.wait_indirect_dma semaphore(%run_scoped3A_163 : memref<!tpu.dma_semaphore, #tpu.memory_space<semaphore_mem>>) src(%arg10 : memref<1000x32xf32, #tpu.memory_space<vmem>>) dst(%dma_wait3A_175 : memref<10240x32xf32, #tpu.memory_space<vmem_shared>>)
      tpu.yield
    }) : () -> ()
    %dma_start3A_105 = arith.constant 7 : i32
    %dma_start3A_106 = arith.constant 0 : i32
    %dma_start3A_107 = tpu.memref_slice %arg7[%dma_start3A_105, %dma_start3A_106] : memref<10x1000xi32, #tpu.memory_space<vmem>> -> memref<1x1000xi32, #tpu.memory_space<vmem>>
    %dma_start3A_108 = tpu.memref_squeeze %dma_start3A_107 : memref<1x1000xi32, #tpu.memory_space<vmem>> -> memref<1000xi32, #tpu.memory_space<vmem>>
    %dma_start3A_109 = arith.constant 0 : i32
    %dma_start3A_110 = arith.constant 0 : i32
    %dma_start3A_111 = tpu.memref_slice %arg2[%dma_start3A_109, %dma_start3A_110] : memref<10000x32xf32, #tpu.memory_space<hbm>> -> memref<10000x32xf32, #tpu.memory_space<hbm>>
    tpu.enqueue_indirect_dma source(%dma_start3A_111 : memref<10000x32xf32, #tpu.memory_space<hbm>>) target(%arg10 : memref<1000x32xf32, #tpu.memory_space<vmem>>) offsets(%dma_start3A_108 : memref<1000xi32, #tpu.memory_space<vmem>>) semaphore(%arg12 : memref<!tpu.dma_semaphore, #tpu.memory_space<semaphore_mem>>)
    %dma_wait3A_112 = arith.constant 6 : i32
    %dma_wait3A_113 = arith.constant 0 : i32
    %dma_wait3A_114 = tpu.memref_slice %arg7[%dma_wait3A_112, %dma_wait3A_113] : memref<10x1000xi32, #tpu.memory_space<vmem>> -> memref<1x1000xi32, #tpu.memory_space<vmem>>
    %dma_wait3A_115 = tpu.memref_squeeze %dma_wait3A_114 : memref<1x1000xi32, #tpu.memory_space<vmem>> -> memref<1000xi32, #tpu.memory_space<vmem>>
    %dma_wait3A_116 = arith.constant 0 : i32
    %dma_wait3A_117 = arith.constant 0 : i32
    %dma_wait3A_118 = tpu.memref_slice %arg2[%dma_wait3A_116, %dma_wait3A_117] : memref<10000x32xf32, #tpu.memory_space<hbm>> -> memref<10000x32xf32, #tpu.memory_space<hbm>>
    tpu.wait_indirect_dma semaphore(%arg11 : memref<!tpu.dma_semaphore, #tpu.memory_space<semaphore_mem>>) src(%dma_wait3A_118 : memref<10000x32xf32, #tpu.memory_space<hbm>>) dst(%arg9 : memref<1000x32xf32, #tpu.memory_space<vmem>>)
    %run_scoped3A_119 = arith.constant 6 : i32
    "tpu.region"() ({
      %run_scoped3A_163 = tpu.sem_alloc : memref<!tpu.dma_semaphore, #tpu.memory_space<semaphore_mem>>
      %dma_start3A_164 = arith.constant 0 : i32
      %dma_start3A_165 = tpu.memref_slice %arg8[%run_scoped3A_119, %dma_start3A_164] : memref<10x1000xi32, #tpu.memory_space<vmem>> -> memref<1x1000xi32, #tpu.memory_space<vmem>>
      %dma_start3A_166 = tpu.memref_squeeze %dma_start3A_165 : memref<1x1000xi32, #tpu.memory_space<vmem>> -> memref<1000xi32, #tpu.memory_space<vmem>>
      %dma_start3A_167 = arith.constant 0 : i32
      %dma_start3A_168 = arith.constant 0 : i32
      %dma_start3A_169 = tpu.memref_slice %arg6[%dma_start3A_167, %dma_start3A_168] : memref<10240x32xf32, #tpu.memory_space<vmem_shared>> -> memref<10240x32xf32, #tpu.memory_space<vmem_shared>>
      tpu.enqueue_indirect_dma source(%arg9 : memref<1000x32xf32, #tpu.memory_space<vmem>>) target(%dma_start3A_169 : memref<10240x32xf32, #tpu.memory_space<vmem_shared>>) offsets(%dma_start3A_166 : memref<1000xi32, #tpu.memory_space<vmem>>) semaphore(%run_scoped3A_163 : memref<!tpu.dma_semaphore, #tpu.memory_space<semaphore_mem>>) {add = true}
      %dma_wait3A_170 = arith.constant 0 : i32
      %dma_wait3A_171 = tpu.memref_slice %arg8[%run_scoped3A_119, %dma_wait3A_170] : memref<10x1000xi32, #tpu.memory_space<vmem>> -> memref<1x1000xi32, #tpu.memory_space<vmem>>
      %dma_wait3A_172 = tpu.memref_squeeze %dma_wait3A_171 : memref<1x1000xi32, #tpu.memory_space<vmem>> -> memref<1000xi32, #tpu.memory_space<vmem>>
      %dma_wait3A_173 = arith.constant 0 : i32
      %dma_wait3A_174 = arith.constant 0 : i32
      %dma_wait3A_175 = tpu.memref_slice %arg6[%dma_wait3A_173, %dma_wait3A_174] : memref<10240x32xf32, #tpu.memory_space<vmem_shared>> -> memref<10240x32xf32, #tpu.memory_space<vmem_shared>>
      tpu.wait_indirect_dma semaphore(%run_scoped3A_163 : memref<!tpu.dma_semaphore, #tpu.memory_space<semaphore_mem>>) src(%arg9 : memref<1000x32xf32, #tpu.memory_space<vmem>>) dst(%dma_wait3A_175 : memref<10240x32xf32, #tpu.memory_space<vmem_shared>>)
      tpu.yield
    }) : () -> ()
    %dma_start3A_120 = arith.constant 8 : i32
    %dma_start3A_121 = arith.constant 0 : i32
    %dma_start3A_122 = tpu.memref_slice %arg7[%dma_start3A_120, %dma_start3A_121] : memref<10x1000xi32, #tpu.memory_space<vmem>> -> memref<1x1000xi32, #tpu.memory_space<vmem>>
    %dma_start3A_123 = tpu.memref_squeeze %dma_start3A_122 : memref<1x1000xi32, #tpu.memory_space<vmem>> -> memref<1000xi32, #tpu.memory_space<vmem>>
    %dma_start3A_124 = arith.constant 0 : i32
    %dma_start3A_125 = arith.constant 0 : i32
    %dma_start3A_126 = tpu.memref_slice %arg2[%dma_start3A_124, %dma_start3A_125] : memref<10000x32xf32, #tpu.memory_space<hbm>> -> memref<10000x32xf32, #tpu.memory_space<hbm>>
    tpu.enqueue_indirect_dma source(%dma_start3A_126 : memref<10000x32xf32, #tpu.memory_space<hbm>>) target(%arg9 : memref<1000x32xf32, #tpu.memory_space<vmem>>) offsets(%dma_start3A_123 : memref<1000xi32, #tpu.memory_space<vmem>>) semaphore(%arg11 : memref<!tpu.dma_semaphore, #tpu.memory_space<semaphore_mem>>)
    %dma_wait3A_127 = arith.constant 7 : i32
    %dma_wait3A_128 = arith.constant 0 : i32
    %dma_wait3A_129 = tpu.memref_slice %arg7[%dma_wait3A_127, %dma_wait3A_128] : memref<10x1000xi32, #tpu.memory_space<vmem>> -> memref<1x1000xi32, #tpu.memory_space<vmem>>
    %dma_wait3A_130 = tpu.memref_squeeze %dma_wait3A_129 : memref<1x1000xi32, #tpu.memory_space<vmem>> -> memref<1000xi32, #tpu.memory_space<vmem>>
    %dma_wait3A_131 = arith.constant 0 : i32
    %dma_wait3A_132 = arith.constant 0 : i32
    %dma_wait3A_133 = tpu.memref_slice %arg2[%dma_wait3A_131, %dma_wait3A_132] : memref<10000x32xf32, #tpu.memory_space<hbm>> -> memref<10000x32xf32, #tpu.memory_space<hbm>>
    tpu.wait_indirect_dma semaphore(%arg12 : memref<!tpu.dma_semaphore, #tpu.memory_space<semaphore_mem>>) src(%dma_wait3A_133 : memref<10000x32xf32, #tpu.memory_space<hbm>>) dst(%arg10 : memref<1000x32xf32, #tpu.memory_space<vmem>>)
    %run_scoped3A_134 = arith.constant 7 : i32
    "tpu.region"() ({
      %run_scoped3A_163 = tpu.sem_alloc : memref<!tpu.dma_semaphore, #tpu.memory_space<semaphore_mem>>
      %dma_start3A_164 = arith.constant 0 : i32
      %dma_start3A_165 = tpu.memref_slice %arg8[%run_scoped3A_134, %dma_start3A_164] : memref<10x1000xi32, #tpu.memory_space<vmem>> -> memref<1x1000xi32, #tpu.memory_space<vmem>>
      %dma_start3A_166 = tpu.memref_squeeze %dma_start3A_165 : memref<1x1000xi32, #tpu.memory_space<vmem>> -> memref<1000xi32, #tpu.memory_space<vmem>>
      %dma_start3A_167 = arith.constant 0 : i32
      %dma_start3A_168 = arith.constant 0 : i32
      %dma_start3A_169 = tpu.memref_slice %arg6[%dma_start3A_167, %dma_start3A_168] : memref<10240x32xf32, #tpu.memory_space<vmem_shared>> -> memref<10240x32xf32, #tpu.memory_space<vmem_shared>>
      tpu.enqueue_indirect_dma source(%arg10 : memref<1000x32xf32, #tpu.memory_space<vmem>>) target(%dma_start3A_169 : memref<10240x32xf32, #tpu.memory_space<vmem_shared>>) offsets(%dma_start3A_166 : memref<1000xi32, #tpu.memory_space<vmem>>) semaphore(%run_scoped3A_163 : memref<!tpu.dma_semaphore, #tpu.memory_space<semaphore_mem>>) {add = true}
      %dma_wait3A_170 = arith.constant 0 : i32
      %dma_wait3A_171 = tpu.memref_slice %arg8[%run_scoped3A_134, %dma_wait3A_170] : memref<10x1000xi32, #tpu.memory_space<vmem>> -> memref<1x1000xi32, #tpu.memory_space<vmem>>
      %dma_wait3A_172 = tpu.memref_squeeze %dma_wait3A_171 : memref<1x1000xi32, #tpu.memory_space<vmem>> -> memref<1000xi32, #tpu.memory_space<vmem>>
      %dma_wait3A_173 = arith.constant 0 : i32
      %dma_wait3A_174 = arith.constant 0 : i32
      %dma_wait3A_175 = tpu.memref_slice %arg6[%dma_wait3A_173, %dma_wait3A_174] : memref<10240x32xf32, #tpu.memory_space<vmem_shared>> -> memref<10240x32xf32, #tpu.memory_space<vmem_shared>>
      tpu.wait_indirect_dma semaphore(%run_scoped3A_163 : memref<!tpu.dma_semaphore, #tpu.memory_space<semaphore_mem>>) src(%arg10 : memref<1000x32xf32, #tpu.memory_space<vmem>>) dst(%dma_wait3A_175 : memref<10240x32xf32, #tpu.memory_space<vmem_shared>>)
      tpu.yield
    }) : () -> ()
    %dma_start3A_135 = arith.constant 9 : i32
    %dma_start3A_136 = arith.constant 0 : i32
    %dma_start3A_137 = tpu.memref_slice %arg7[%dma_start3A_135, %dma_start3A_136] : memref<10x1000xi32, #tpu.memory_space<vmem>> -> memref<1x1000xi32, #tpu.memory_space<vmem>>
    %dma_start3A_138 = tpu.memref_squeeze %dma_start3A_137 : memref<1x1000xi32, #tpu.memory_space<vmem>> -> memref<1000xi32, #tpu.memory_space<vmem>>
    %dma_start3A_139 = arith.constant 0 : i32
    %dma_start3A_140 = arith.constant 0 : i32
    %dma_start3A_141 = tpu.memref_slice %arg2[%dma_start3A_139, %dma_start3A_140] : memref<10000x32xf32, #tpu.memory_space<hbm>> -> memref<10000x32xf32, #tpu.memory_space<hbm>>
    tpu.enqueue_indirect_dma source(%dma_start3A_141 : memref<10000x32xf32, #tpu.memory_space<hbm>>) target(%arg10 : memref<1000x32xf32, #tpu.memory_space<vmem>>) offsets(%dma_start3A_138 : memref<1000xi32, #tpu.memory_space<vmem>>) semaphore(%arg12 : memref<!tpu.dma_semaphore, #tpu.memory_space<semaphore_mem>>)
    %dma_wait3A_142 = arith.constant 8 : i32
    %dma_wait3A_143 = arith.constant 0 : i32
    %dma_wait3A_144 = tpu.memref_slice %arg7[%dma_wait3A_142, %dma_wait3A_143] : memref<10x1000xi32, #tpu.memory_space<vmem>> -> memref<1x1000xi32, #tpu.memory_space<vmem>>
    %dma_wait3A_145 = tpu.memref_squeeze %dma_wait3A_144 : memref<1x1000xi32, #tpu.memory_space<vmem>> -> memref<1000xi32, #tpu.memory_space<vmem>>
    %dma_wait3A_146 = arith.constant 0 : i32
    %dma_wait3A_147 = arith.constant 0 : i32
    %dma_wait3A_148 = tpu.memref_slice %arg2[%dma_wait3A_146, %dma_wait3A_147] : memref<10000x32xf32, #tpu.memory_space<hbm>> -> memref<10000x32xf32, #tpu.memory_space<hbm>>
    tpu.wait_indirect_dma semaphore(%arg11 : memref<!tpu.dma_semaphore, #tpu.memory_space<semaphore_mem>>) src(%dma_wait3A_148 : memref<10000x32xf32, #tpu.memory_space<hbm>>) dst(%arg9 : memref<1000x32xf32, #tpu.memory_space<vmem>>)
    %run_scoped3A_149 = arith.constant 8 : i32
    "tpu.region"() ({
      %run_scoped3A_163 = tpu.sem_alloc : memref<!tpu.dma_semaphore, #tpu.memory_space<semaphore_mem>>
      %dma_start3A_164 = arith.constant 0 : i32
      %dma_start3A_165 = tpu.memref_slice %arg8[%run_scoped3A_149, %dma_start3A_164] : memref<10x1000xi32, #tpu.memory_space<vmem>> -> memref<1x1000xi32, #tpu.memory_space<vmem>>
      %dma_start3A_166 = tpu.memref_squeeze %dma_start3A_165 : memref<1x1000xi32, #tpu.memory_space<vmem>> -> memref<1000xi32, #tpu.memory_space<vmem>>
      %dma_start3A_167 = arith.constant 0 : i32
      %dma_start3A_168 = arith.constant 0 : i32
      %dma_start3A_169 = tpu.memref_slice %arg6[%dma_start3A_167, %dma_start3A_168] : memref<10240x32xf32, #tpu.memory_space<vmem_shared>> -> memref<10240x32xf32, #tpu.memory_space<vmem_shared>>
      tpu.enqueue_indirect_dma source(%arg9 : memref<1000x32xf32, #tpu.memory_space<vmem>>) target(%dma_start3A_169 : memref<10240x32xf32, #tpu.memory_space<vmem_shared>>) offsets(%dma_start3A_166 : memref<1000xi32, #tpu.memory_space<vmem>>) semaphore(%run_scoped3A_163 : memref<!tpu.dma_semaphore, #tpu.memory_space<semaphore_mem>>) {add = true}
      %dma_wait3A_170 = arith.constant 0 : i32
      %dma_wait3A_171 = tpu.memref_slice %arg8[%run_scoped3A_149, %dma_wait3A_170] : memref<10x1000xi32, #tpu.memory_space<vmem>> -> memref<1x1000xi32, #tpu.memory_space<vmem>>
      %dma_wait3A_172 = tpu.memref_squeeze %dma_wait3A_171 : memref<1x1000xi32, #tpu.memory_space<vmem>> -> memref<1000xi32, #tpu.memory_space<vmem>>
      %dma_wait3A_173 = arith.constant 0 : i32
      %dma_wait3A_174 = arith.constant 0 : i32
      %dma_wait3A_175 = tpu.memref_slice %arg6[%dma_wait3A_173, %dma_wait3A_174] : memref<10240x32xf32, #tpu.memory_space<vmem_shared>> -> memref<10240x32xf32, #tpu.memory_space<vmem_shared>>
      tpu.wait_indirect_dma semaphore(%run_scoped3A_163 : memref<!tpu.dma_semaphore, #tpu.memory_space<semaphore_mem>>) src(%arg9 : memref<1000x32xf32, #tpu.memory_space<vmem>>) dst(%dma_wait3A_175 : memref<10240x32xf32, #tpu.memory_space<vmem_shared>>)
      tpu.yield
    }) : () -> ()
    %dma_wait3A_150 = arith.constant 9 : i32
    %dma_wait3A_151 = arith.constant 0 : i32
    %dma_wait3A_152 = tpu.memref_slice %arg7[%dma_wait3A_150, %dma_wait3A_151] : memref<10x1000xi32, #tpu.memory_space<vmem>> -> memref<1x1000xi32, #tpu.memory_space<vmem>>
    %dma_wait3A_153 = tpu.memref_squeeze %dma_wait3A_152 : memref<1x1000xi32, #tpu.memory_space<vmem>> -> memref<1000xi32, #tpu.memory_space<vmem>>
    %dma_wait3A_154 = arith.constant 0 : i32
    %dma_wait3A_155 = arith.constant 0 : i32
    %dma_wait3A_156 = tpu.memref_slice %arg2[%dma_wait3A_154, %dma_wait3A_155] : memref<10000x32xf32, #tpu.memory_space<hbm>> -> memref<10000x32xf32, #tpu.memory_space<hbm>>
    tpu.wait_indirect_dma semaphore(%arg12 : memref<!tpu.dma_semaphore, #tpu.memory_space<semaphore_mem>>) src(%dma_wait3A_156 : memref<10000x32xf32, #tpu.memory_space<hbm>>) dst(%arg10 : memref<1000x32xf32, #tpu.memory_space<vmem>>)
    %run_scoped3A_157 = arith.constant 9 : i32
    "tpu.region"() ({
      %run_scoped3A_163 = tpu.sem_alloc : memref<!tpu.dma_semaphore, #tpu.memory_space<semaphore_mem>>
      %dma_start3A_164 = arith.constant 0 : i32
      %dma_start3A_165 = tpu.memref_slice %arg8[%run_scoped3A_157, %dma_start3A_164] : memref<10x1000xi32, #tpu.memory_space<vmem>> -> memref<1x1000xi32, #tpu.memory_space<vmem>>
      %dma_start3A_166 = tpu.memref_squeeze %dma_start3A_165 : memref<1x1000xi32, #tpu.memory_space<vmem>> -> memref<1000xi32, #tpu.memory_space<vmem>>
      %dma_start3A_167 = arith.constant 0 : i32
      %dma_start3A_168 = arith.constant 0 : i32
      %dma_start3A_169 = tpu.memref_slice %arg6[%dma_start3A_167, %dma_start3A_168] : memref<10240x32xf32, #tpu.memory_space<vmem_shared>> -> memref<10240x32xf32, #tpu.memory_space<vmem_shared>>
      tpu.enqueue_indirect_dma source(%arg10 : memref<1000x32xf32, #tpu.memory_space<vmem>>) target(%dma_start3A_169 : memref<10240x32xf32, #tpu.memory_space<vmem_shared>>) offsets(%dma_start3A_166 : memref<1000xi32, #tpu.memory_space<vmem>>) semaphore(%run_scoped3A_163 : memref<!tpu.dma_semaphore, #tpu.memory_space<semaphore_mem>>) {add = true}
      %dma_wait3A_170 = arith.constant 0 : i32
      %dma_wait3A_171 = tpu.memref_slice %arg8[%run_scoped3A_157, %dma_wait3A_170] : memref<10x1000xi32, #tpu.memory_space<vmem>> -> memref<1x1000xi32, #tpu.memory_space<vmem>>
      %dma_wait3A_172 = tpu.memref_squeeze %dma_wait3A_171 : memref<1x1000xi32, #tpu.memory_space<vmem>> -> memref<1000xi32, #tpu.memory_space<vmem>>
      %dma_wait3A_173 = arith.constant 0 : i32
      %dma_wait3A_174 = arith.constant 0 : i32
      %dma_wait3A_175 = tpu.memref_slice %arg6[%dma_wait3A_173, %dma_wait3A_174] : memref<10240x32xf32, #tpu.memory_space<vmem_shared>> -> memref<10240x32xf32, #tpu.memory_space<vmem_shared>>
      tpu.wait_indirect_dma semaphore(%run_scoped3A_163 : memref<!tpu.dma_semaphore, #tpu.memory_space<semaphore_mem>>) src(%arg10 : memref<1000x32xf32, #tpu.memory_space<vmem>>) dst(%dma_wait3A_175 : memref<10240x32xf32, #tpu.memory_space<vmem_shared>>)
      tpu.yield
    }) : () -> ()
    %barrier3A_158 = arith.constant 0 : index
    tpu.barrier barrier_id(%barrier3A_158)
    %mul3A_159 = arith.constant 640 : i32
    %mul3A_160 = arith.muli %arg1, %mul3A_159 : i32
    %mul3A_161 = arith.constant 640 : i32
    %mul3A_162 = arith.muli %arg1, %mul3A_161 : i32
    "tpu.region"() ({
      %run_scoped3A_163 = tpu.sem_alloc : memref<!tpu.dma_semaphore, #tpu.memory_space<semaphore_mem>>
      %dma_start3A_164 = arith.constant 0 : i32
      %dma_start3A_165 = tpu.memref_slice %arg5[%arg0, %mul3A_162, %dma_start3A_164] : memref<2x10240x32xf32, #tpu.memory_space<hbm>> -> memref<1x640x32xf32, #tpu.memory_space<hbm>>
      %dma_start3A_166 = tpu.memref_squeeze %dma_start3A_165 : memref<1x640x32xf32, #tpu.memory_space<hbm>> -> memref<640x32xf32, #tpu.memory_space<hbm>>
      %dma_start3A_167 = arith.constant 0 : i32
      %dma_start3A_168 = tpu.memref_slice %arg6[%mul3A_160, %dma_start3A_167] : memref<10240x32xf32, #tpu.memory_space<vmem_shared>> -> memref<640x32xf32, #tpu.memory_space<vmem_shared>>
      tpu.enqueue_dma source(%dma_start3A_168 : memref<640x32xf32, #tpu.memory_space<vmem_shared>>) target(%dma_start3A_166 : memref<640x32xf32, #tpu.memory_space<hbm>>) target_semaphore(%run_scoped3A_163 : memref<!tpu.dma_semaphore, #tpu.memory_space<semaphore_mem>>)
      %dma_wait3A_169 = arith.constant 0 : i32
      %dma_wait3A_170 = tpu.memref_slice %arg5[%arg0, %mul3A_162, %dma_wait3A_169] : memref<2x10240x32xf32, #tpu.memory_space<hbm>> -> memref<1x640x32xf32, #tpu.memory_space<hbm>>
      %dma_wait3A_171 = tpu.memref_squeeze %dma_wait3A_170 : memref<1x640x32xf32, #tpu.memory_space<hbm>> -> memref<640x32xf32, #tpu.memory_space<hbm>>
      %dma_wait3A_172 = arith.constant 0 : i32
      %dma_wait3A_173 = tpu.memref_slice %arg6[%mul3A_160, %dma_wait3A_172] : memref<10240x32xf32, #tpu.memory_space<vmem_shared>> -> memref<640x32xf32, #tpu.memory_space<vmem_shared>>
      tpu.wait_dma2 semaphore(%run_scoped3A_163 : memref<!tpu.dma_semaphore, #tpu.memory_space<semaphore_mem>>) src(%dma_wait3A_173 : memref<640x32xf32, #tpu.memory_space<vmem_shared>>) dst(%dma_wait3A_171 : memref<640x32xf32, #tpu.memory_space<hbm>>)
      tpu.yield
    }) : () -> ()
    return
  }
}

#map = affine_map<(d0, d1) -> (0, 0, 0)>
#map1 = affine_map<(d0, d1) -> (0)>
#map2 = affine_map<(d0, d1) -> (0, 0)>
module attributes {stable_mosaic.version = 14 : i64} {
  func.func @_deg_body(%arg0: i32, %arg1: i32, %arg2: memref<2x320x1000xi32, #tpu.memory_space<hbm>>, %arg3: memref<10240xf32, #tpu.memory_space<hbm>>, %arg4: memref<1000xf32, #tpu.memory_space<hbm>>, %arg5: memref<2x10240xf32, #tpu.memory_space<hbm>>, %arg6: memref<10240xf32, #tpu.memory_space<vmem_shared>>, %arg7: memref<10x1000xi32, #tpu.memory_space<vmem>>, %arg8: memref<1000xf32, #tpu.memory_space<vmem>>) attributes {dimension_semantics = [#tpu.dimension_semantics<core_parallel>, #tpu.dimension_semantics<subcore_parallel>], iteration_bounds = array<i64: 2, 16>, scalar_prefetch = 0 : i64, scratch_operands = 3 : i64, tpu.core_type = #tpu.core_type<sc_vector_subcore>, window_params = [{transform_indices = #map}, {transform_indices = #map1}, {transform_indices = #map1}, {transform_indices = #map2}]} {
    %mul3A = arith.constant 2 : i32
    %mul3A_0 = arith.muli %arg1, %mul3A : i32
    %add3A = arith.addi %mul3A_0, %arg0 : i32
    %mul3A_1 = arith.constant 640 : i32
    %mul3A_2 = arith.muli %arg1, %mul3A_1 : i32
    %mul3A_3 = arith.constant 640 : i32
    %mul3A_4 = arith.muli %arg1, %mul3A_3 : i32
    "tpu.region"() ({
      %run_scoped3A_22 = tpu.sem_alloc : memref<!tpu.dma_semaphore, #tpu.memory_space<semaphore_mem>>
      %dma_start3A = tpu.memref_slice %arg6[%mul3A_4] : memref<10240xf32, #tpu.memory_space<vmem_shared>> -> memref<640xf32, #tpu.memory_space<vmem_shared>>
      %dma_start3A_23 = tpu.memref_slice %arg3[%mul3A_2] : memref<10240xf32, #tpu.memory_space<hbm>> -> memref<640xf32, #tpu.memory_space<hbm>>
      tpu.enqueue_dma source(%dma_start3A_23 : memref<640xf32, #tpu.memory_space<hbm>>) target(%dma_start3A : memref<640xf32, #tpu.memory_space<vmem_shared>>) target_semaphore(%run_scoped3A_22 : memref<!tpu.dma_semaphore, #tpu.memory_space<semaphore_mem>>)
      %dma_wait3A = tpu.memref_slice %arg6[%mul3A_4] : memref<10240xf32, #tpu.memory_space<vmem_shared>> -> memref<640xf32, #tpu.memory_space<vmem_shared>>
      %dma_wait3A_24 = tpu.memref_slice %arg3[%mul3A_2] : memref<10240xf32, #tpu.memory_space<hbm>> -> memref<640xf32, #tpu.memory_space<hbm>>
      tpu.wait_dma2 semaphore(%run_scoped3A_22 : memref<!tpu.dma_semaphore, #tpu.memory_space<semaphore_mem>>) src(%dma_wait3A_24 : memref<640xf32, #tpu.memory_space<hbm>>) dst(%dma_wait3A : memref<640xf32, #tpu.memory_space<vmem_shared>>)
      tpu.yield
    }) : () -> ()
    %mul3A_5 = arith.constant 10 : i32
    %mul3A_6 = arith.muli %add3A, %mul3A_5 : i32
    %run_scoped3A = arith.constant 1 : i32
    "tpu.region"() ({
      %run_scoped3A_22 = tpu.sem_alloc : memref<!tpu.dma_semaphore, #tpu.memory_space<semaphore_mem>>
      %dma_start3A = arith.constant 0 : i32
      %dma_start3A_23 = tpu.memref_slice %arg2[%run_scoped3A, %mul3A_6, %dma_start3A] : memref<2x320x1000xi32, #tpu.memory_space<hbm>> -> memref<1x10x1000xi32, #tpu.memory_space<hbm>>
      %dma_start3A_24 = tpu.memref_squeeze %dma_start3A_23 : memref<1x10x1000xi32, #tpu.memory_space<hbm>> -> memref<10x1000xi32, #tpu.memory_space<hbm>>
      %dma_start3A_25 = arith.constant 0 : i32
      %dma_start3A_26 = tpu.memref_slice %arg2[%run_scoped3A, %mul3A_6, %dma_start3A_25] : memref<2x320x1000xi32, #tpu.memory_space<hbm>> -> memref<1x10x1000xi32, #tpu.memory_space<hbm>>
      %dma_start3A_27 = tpu.memref_squeeze %dma_start3A_26 : memref<1x10x1000xi32, #tpu.memory_space<hbm>> -> memref<10x1000xi32, #tpu.memory_space<hbm>>
      tpu.enqueue_dma source(%dma_start3A_27 : memref<10x1000xi32, #tpu.memory_space<hbm>>) target(%arg7 : memref<10x1000xi32, #tpu.memory_space<vmem>>) target_semaphore(%run_scoped3A_22 : memref<!tpu.dma_semaphore, #tpu.memory_space<semaphore_mem>>)
      %dma_wait3A = arith.constant 0 : i32
      %dma_wait3A_28 = tpu.memref_slice %arg2[%run_scoped3A, %mul3A_6, %dma_wait3A] : memref<2x320x1000xi32, #tpu.memory_space<hbm>> -> memref<1x10x1000xi32, #tpu.memory_space<hbm>>
      %dma_wait3A_29 = tpu.memref_squeeze %dma_wait3A_28 : memref<1x10x1000xi32, #tpu.memory_space<hbm>> -> memref<10x1000xi32, #tpu.memory_space<hbm>>
      %dma_wait3A_30 = arith.constant 0 : i32
      %dma_wait3A_31 = tpu.memref_slice %arg2[%run_scoped3A, %mul3A_6, %dma_wait3A_30] : memref<2x320x1000xi32, #tpu.memory_space<hbm>> -> memref<1x10x1000xi32, #tpu.memory_space<hbm>>
      %dma_wait3A_32 = tpu.memref_squeeze %dma_wait3A_31 : memref<1x10x1000xi32, #tpu.memory_space<hbm>> -> memref<10x1000xi32, #tpu.memory_space<hbm>>
      tpu.wait_dma2 semaphore(%run_scoped3A_22 : memref<!tpu.dma_semaphore, #tpu.memory_space<semaphore_mem>>) src(%dma_wait3A_32 : memref<10x1000xi32, #tpu.memory_space<hbm>>) dst(%arg7 : memref<10x1000xi32, #tpu.memory_space<vmem>>)
      tpu.yield
    }) : () -> ()
    "tpu.region"() ({
      %run_scoped3A_22 = tpu.sem_alloc : memref<!tpu.dma_semaphore, #tpu.memory_space<semaphore_mem>>
      tpu.enqueue_dma source(%arg4 : memref<1000xf32, #tpu.memory_space<hbm>>) target(%arg8 : memref<1000xf32, #tpu.memory_space<vmem>>) target_semaphore(%run_scoped3A_22 : memref<!tpu.dma_semaphore, #tpu.memory_space<semaphore_mem>>)
      tpu.wait_dma2 semaphore(%run_scoped3A_22 : memref<!tpu.dma_semaphore, #tpu.memory_space<semaphore_mem>>) src(%arg4 : memref<1000xf32, #tpu.memory_space<hbm>>) dst(%arg8 : memref<1000xf32, #tpu.memory_space<vmem>>)
      tpu.yield
    }) : () -> ()
    %barrier3A = arith.constant 0 : index
    tpu.barrier barrier_id(%barrier3A)
    %run_scoped3A_7 = arith.constant 0 : i32
    "tpu.region"() ({
      %run_scoped3A_22 = tpu.sem_alloc : memref<!tpu.dma_semaphore, #tpu.memory_space<semaphore_mem>>
      %dma_start3A = arith.constant 0 : i32
      %dma_start3A_23 = tpu.memref_slice %arg7[%run_scoped3A_7, %dma_start3A] : memref<10x1000xi32, #tpu.memory_space<vmem>> -> memref<1x1000xi32, #tpu.memory_space<vmem>>
      %dma_start3A_24 = tpu.memref_squeeze %dma_start3A_23 : memref<1x1000xi32, #tpu.memory_space<vmem>> -> memref<1000xi32, #tpu.memory_space<vmem>>
      %dma_start3A_25 = arith.constant 0 : i32
      %dma_start3A_26 = tpu.memref_slice %arg6[%dma_start3A_25] : memref<10240xf32, #tpu.memory_space<vmem_shared>> -> memref<10240xf32, #tpu.memory_space<vmem_shared>>
      tpu.enqueue_indirect_dma source(%arg8 : memref<1000xf32, #tpu.memory_space<vmem>>) target(%dma_start3A_26 : memref<10240xf32, #tpu.memory_space<vmem_shared>>) offsets(%dma_start3A_24 : memref<1000xi32, #tpu.memory_space<vmem>>) semaphore(%run_scoped3A_22 : memref<!tpu.dma_semaphore, #tpu.memory_space<semaphore_mem>>) {add = true}
      %dma_wait3A = arith.constant 0 : i32
      %dma_wait3A_27 = tpu.memref_slice %arg7[%run_scoped3A_7, %dma_wait3A] : memref<10x1000xi32, #tpu.memory_space<vmem>> -> memref<1x1000xi32, #tpu.memory_space<vmem>>
      %dma_wait3A_28 = tpu.memref_squeeze %dma_wait3A_27 : memref<1x1000xi32, #tpu.memory_space<vmem>> -> memref<1000xi32, #tpu.memory_space<vmem>>
      %dma_wait3A_29 = arith.constant 0 : i32
      %dma_wait3A_30 = tpu.memref_slice %arg6[%dma_wait3A_29] : memref<10240xf32, #tpu.memory_space<vmem_shared>> -> memref<10240xf32, #tpu.memory_space<vmem_shared>>
      tpu.wait_indirect_dma semaphore(%run_scoped3A_22 : memref<!tpu.dma_semaphore, #tpu.memory_space<semaphore_mem>>) src(%arg8 : memref<1000xf32, #tpu.memory_space<vmem>>) dst(%dma_wait3A_30 : memref<10240xf32, #tpu.memory_space<vmem_shared>>)
      tpu.yield
    }) : () -> ()
    %run_scoped3A_8 = arith.constant 1 : i32
    "tpu.region"() ({
      %run_scoped3A_22 = tpu.sem_alloc : memref<!tpu.dma_semaphore, #tpu.memory_space<semaphore_mem>>
      %dma_start3A = arith.constant 0 : i32
      %dma_start3A_23 = tpu.memref_slice %arg7[%run_scoped3A_8, %dma_start3A] : memref<10x1000xi32, #tpu.memory_space<vmem>> -> memref<1x1000xi32, #tpu.memory_space<vmem>>
      %dma_start3A_24 = tpu.memref_squeeze %dma_start3A_23 : memref<1x1000xi32, #tpu.memory_space<vmem>> -> memref<1000xi32, #tpu.memory_space<vmem>>
      %dma_start3A_25 = arith.constant 0 : i32
      %dma_start3A_26 = tpu.memref_slice %arg6[%dma_start3A_25] : memref<10240xf32, #tpu.memory_space<vmem_shared>> -> memref<10240xf32, #tpu.memory_space<vmem_shared>>
      tpu.enqueue_indirect_dma source(%arg8 : memref<1000xf32, #tpu.memory_space<vmem>>) target(%dma_start3A_26 : memref<10240xf32, #tpu.memory_space<vmem_shared>>) offsets(%dma_start3A_24 : memref<1000xi32, #tpu.memory_space<vmem>>) semaphore(%run_scoped3A_22 : memref<!tpu.dma_semaphore, #tpu.memory_space<semaphore_mem>>) {add = true}
      %dma_wait3A = arith.constant 0 : i32
      %dma_wait3A_27 = tpu.memref_slice %arg7[%run_scoped3A_8, %dma_wait3A] : memref<10x1000xi32, #tpu.memory_space<vmem>> -> memref<1x1000xi32, #tpu.memory_space<vmem>>
      %dma_wait3A_28 = tpu.memref_squeeze %dma_wait3A_27 : memref<1x1000xi32, #tpu.memory_space<vmem>> -> memref<1000xi32, #tpu.memory_space<vmem>>
      %dma_wait3A_29 = arith.constant 0 : i32
      %dma_wait3A_30 = tpu.memref_slice %arg6[%dma_wait3A_29] : memref<10240xf32, #tpu.memory_space<vmem_shared>> -> memref<10240xf32, #tpu.memory_space<vmem_shared>>
      tpu.wait_indirect_dma semaphore(%run_scoped3A_22 : memref<!tpu.dma_semaphore, #tpu.memory_space<semaphore_mem>>) src(%arg8 : memref<1000xf32, #tpu.memory_space<vmem>>) dst(%dma_wait3A_30 : memref<10240xf32, #tpu.memory_space<vmem_shared>>)
      tpu.yield
    }) : () -> ()
    %run_scoped3A_9 = arith.constant 2 : i32
    "tpu.region"() ({
      %run_scoped3A_22 = tpu.sem_alloc : memref<!tpu.dma_semaphore, #tpu.memory_space<semaphore_mem>>
      %dma_start3A = arith.constant 0 : i32
      %dma_start3A_23 = tpu.memref_slice %arg7[%run_scoped3A_9, %dma_start3A] : memref<10x1000xi32, #tpu.memory_space<vmem>> -> memref<1x1000xi32, #tpu.memory_space<vmem>>
      %dma_start3A_24 = tpu.memref_squeeze %dma_start3A_23 : memref<1x1000xi32, #tpu.memory_space<vmem>> -> memref<1000xi32, #tpu.memory_space<vmem>>
      %dma_start3A_25 = arith.constant 0 : i32
      %dma_start3A_26 = tpu.memref_slice %arg6[%dma_start3A_25] : memref<10240xf32, #tpu.memory_space<vmem_shared>> -> memref<10240xf32, #tpu.memory_space<vmem_shared>>
      tpu.enqueue_indirect_dma source(%arg8 : memref<1000xf32, #tpu.memory_space<vmem>>) target(%dma_start3A_26 : memref<10240xf32, #tpu.memory_space<vmem_shared>>) offsets(%dma_start3A_24 : memref<1000xi32, #tpu.memory_space<vmem>>) semaphore(%run_scoped3A_22 : memref<!tpu.dma_semaphore, #tpu.memory_space<semaphore_mem>>) {add = true}
      %dma_wait3A = arith.constant 0 : i32
      %dma_wait3A_27 = tpu.memref_slice %arg7[%run_scoped3A_9, %dma_wait3A] : memref<10x1000xi32, #tpu.memory_space<vmem>> -> memref<1x1000xi32, #tpu.memory_space<vmem>>
      %dma_wait3A_28 = tpu.memref_squeeze %dma_wait3A_27 : memref<1x1000xi32, #tpu.memory_space<vmem>> -> memref<1000xi32, #tpu.memory_space<vmem>>
      %dma_wait3A_29 = arith.constant 0 : i32
      %dma_wait3A_30 = tpu.memref_slice %arg6[%dma_wait3A_29] : memref<10240xf32, #tpu.memory_space<vmem_shared>> -> memref<10240xf32, #tpu.memory_space<vmem_shared>>
      tpu.wait_indirect_dma semaphore(%run_scoped3A_22 : memref<!tpu.dma_semaphore, #tpu.memory_space<semaphore_mem>>) src(%arg8 : memref<1000xf32, #tpu.memory_space<vmem>>) dst(%dma_wait3A_30 : memref<10240xf32, #tpu.memory_space<vmem_shared>>)
      tpu.yield
    }) : () -> ()
    %run_scoped3A_10 = arith.constant 3 : i32
    "tpu.region"() ({
      %run_scoped3A_22 = tpu.sem_alloc : memref<!tpu.dma_semaphore, #tpu.memory_space<semaphore_mem>>
      %dma_start3A = arith.constant 0 : i32
      %dma_start3A_23 = tpu.memref_slice %arg7[%run_scoped3A_10, %dma_start3A] : memref<10x1000xi32, #tpu.memory_space<vmem>> -> memref<1x1000xi32, #tpu.memory_space<vmem>>
      %dma_start3A_24 = tpu.memref_squeeze %dma_start3A_23 : memref<1x1000xi32, #tpu.memory_space<vmem>> -> memref<1000xi32, #tpu.memory_space<vmem>>
      %dma_start3A_25 = arith.constant 0 : i32
      %dma_start3A_26 = tpu.memref_slice %arg6[%dma_start3A_25] : memref<10240xf32, #tpu.memory_space<vmem_shared>> -> memref<10240xf32, #tpu.memory_space<vmem_shared>>
      tpu.enqueue_indirect_dma source(%arg8 : memref<1000xf32, #tpu.memory_space<vmem>>) target(%dma_start3A_26 : memref<10240xf32, #tpu.memory_space<vmem_shared>>) offsets(%dma_start3A_24 : memref<1000xi32, #tpu.memory_space<vmem>>) semaphore(%run_scoped3A_22 : memref<!tpu.dma_semaphore, #tpu.memory_space<semaphore_mem>>) {add = true}
      %dma_wait3A = arith.constant 0 : i32
      %dma_wait3A_27 = tpu.memref_slice %arg7[%run_scoped3A_10, %dma_wait3A] : memref<10x1000xi32, #tpu.memory_space<vmem>> -> memref<1x1000xi32, #tpu.memory_space<vmem>>
      %dma_wait3A_28 = tpu.memref_squeeze %dma_wait3A_27 : memref<1x1000xi32, #tpu.memory_space<vmem>> -> memref<1000xi32, #tpu.memory_space<vmem>>
      %dma_wait3A_29 = arith.constant 0 : i32
      %dma_wait3A_30 = tpu.memref_slice %arg6[%dma_wait3A_29] : memref<10240xf32, #tpu.memory_space<vmem_shared>> -> memref<10240xf32, #tpu.memory_space<vmem_shared>>
      tpu.wait_indirect_dma semaphore(%run_scoped3A_22 : memref<!tpu.dma_semaphore, #tpu.memory_space<semaphore_mem>>) src(%arg8 : memref<1000xf32, #tpu.memory_space<vmem>>) dst(%dma_wait3A_30 : memref<10240xf32, #tpu.memory_space<vmem_shared>>)
      tpu.yield
    }) : () -> ()
    %run_scoped3A_11 = arith.constant 4 : i32
    "tpu.region"() ({
      %run_scoped3A_22 = tpu.sem_alloc : memref<!tpu.dma_semaphore, #tpu.memory_space<semaphore_mem>>
      %dma_start3A = arith.constant 0 : i32
      %dma_start3A_23 = tpu.memref_slice %arg7[%run_scoped3A_11, %dma_start3A] : memref<10x1000xi32, #tpu.memory_space<vmem>> -> memref<1x1000xi32, #tpu.memory_space<vmem>>
      %dma_start3A_24 = tpu.memref_squeeze %dma_start3A_23 : memref<1x1000xi32, #tpu.memory_space<vmem>> -> memref<1000xi32, #tpu.memory_space<vmem>>
      %dma_start3A_25 = arith.constant 0 : i32
      %dma_start3A_26 = tpu.memref_slice %arg6[%dma_start3A_25] : memref<10240xf32, #tpu.memory_space<vmem_shared>> -> memref<10240xf32, #tpu.memory_space<vmem_shared>>
      tpu.enqueue_indirect_dma source(%arg8 : memref<1000xf32, #tpu.memory_space<vmem>>) target(%dma_start3A_26 : memref<10240xf32, #tpu.memory_space<vmem_shared>>) offsets(%dma_start3A_24 : memref<1000xi32, #tpu.memory_space<vmem>>) semaphore(%run_scoped3A_22 : memref<!tpu.dma_semaphore, #tpu.memory_space<semaphore_mem>>) {add = true}
      %dma_wait3A = arith.constant 0 : i32
      %dma_wait3A_27 = tpu.memref_slice %arg7[%run_scoped3A_11, %dma_wait3A] : memref<10x1000xi32, #tpu.memory_space<vmem>> -> memref<1x1000xi32, #tpu.memory_space<vmem>>
      %dma_wait3A_28 = tpu.memref_squeeze %dma_wait3A_27 : memref<1x1000xi32, #tpu.memory_space<vmem>> -> memref<1000xi32, #tpu.memory_space<vmem>>
      %dma_wait3A_29 = arith.constant 0 : i32
      %dma_wait3A_30 = tpu.memref_slice %arg6[%dma_wait3A_29] : memref<10240xf32, #tpu.memory_space<vmem_shared>> -> memref<10240xf32, #tpu.memory_space<vmem_shared>>
      tpu.wait_indirect_dma semaphore(%run_scoped3A_22 : memref<!tpu.dma_semaphore, #tpu.memory_space<semaphore_mem>>) src(%arg8 : memref<1000xf32, #tpu.memory_space<vmem>>) dst(%dma_wait3A_30 : memref<10240xf32, #tpu.memory_space<vmem_shared>>)
      tpu.yield
    }) : () -> ()
    %run_scoped3A_12 = arith.constant 5 : i32
    "tpu.region"() ({
      %run_scoped3A_22 = tpu.sem_alloc : memref<!tpu.dma_semaphore, #tpu.memory_space<semaphore_mem>>
      %dma_start3A = arith.constant 0 : i32
      %dma_start3A_23 = tpu.memref_slice %arg7[%run_scoped3A_12, %dma_start3A] : memref<10x1000xi32, #tpu.memory_space<vmem>> -> memref<1x1000xi32, #tpu.memory_space<vmem>>
      %dma_start3A_24 = tpu.memref_squeeze %dma_start3A_23 : memref<1x1000xi32, #tpu.memory_space<vmem>> -> memref<1000xi32, #tpu.memory_space<vmem>>
      %dma_start3A_25 = arith.constant 0 : i32
      %dma_start3A_26 = tpu.memref_slice %arg6[%dma_start3A_25] : memref<10240xf32, #tpu.memory_space<vmem_shared>> -> memref<10240xf32, #tpu.memory_space<vmem_shared>>
      tpu.enqueue_indirect_dma source(%arg8 : memref<1000xf32, #tpu.memory_space<vmem>>) target(%dma_start3A_26 : memref<10240xf32, #tpu.memory_space<vmem_shared>>) offsets(%dma_start3A_24 : memref<1000xi32, #tpu.memory_space<vmem>>) semaphore(%run_scoped3A_22 : memref<!tpu.dma_semaphore, #tpu.memory_space<semaphore_mem>>) {add = true}
      %dma_wait3A = arith.constant 0 : i32
      %dma_wait3A_27 = tpu.memref_slice %arg7[%run_scoped3A_12, %dma_wait3A] : memref<10x1000xi32, #tpu.memory_space<vmem>> -> memref<1x1000xi32, #tpu.memory_space<vmem>>
      %dma_wait3A_28 = tpu.memref_squeeze %dma_wait3A_27 : memref<1x1000xi32, #tpu.memory_space<vmem>> -> memref<1000xi32, #tpu.memory_space<vmem>>
      %dma_wait3A_29 = arith.constant 0 : i32
      %dma_wait3A_30 = tpu.memref_slice %arg6[%dma_wait3A_29] : memref<10240xf32, #tpu.memory_space<vmem_shared>> -> memref<10240xf32, #tpu.memory_space<vmem_shared>>
      tpu.wait_indirect_dma semaphore(%run_scoped3A_22 : memref<!tpu.dma_semaphore, #tpu.memory_space<semaphore_mem>>) src(%arg8 : memref<1000xf32, #tpu.memory_space<vmem>>) dst(%dma_wait3A_30 : memref<10240xf32, #tpu.memory_space<vmem_shared>>)
      tpu.yield
    }) : () -> ()
    %run_scoped3A_13 = arith.constant 6 : i32
    "tpu.region"() ({
      %run_scoped3A_22 = tpu.sem_alloc : memref<!tpu.dma_semaphore, #tpu.memory_space<semaphore_mem>>
      %dma_start3A = arith.constant 0 : i32
      %dma_start3A_23 = tpu.memref_slice %arg7[%run_scoped3A_13, %dma_start3A] : memref<10x1000xi32, #tpu.memory_space<vmem>> -> memref<1x1000xi32, #tpu.memory_space<vmem>>
      %dma_start3A_24 = tpu.memref_squeeze %dma_start3A_23 : memref<1x1000xi32, #tpu.memory_space<vmem>> -> memref<1000xi32, #tpu.memory_space<vmem>>
      %dma_start3A_25 = arith.constant 0 : i32
      %dma_start3A_26 = tpu.memref_slice %arg6[%dma_start3A_25] : memref<10240xf32, #tpu.memory_space<vmem_shared>> -> memref<10240xf32, #tpu.memory_space<vmem_shared>>
      tpu.enqueue_indirect_dma source(%arg8 : memref<1000xf32, #tpu.memory_space<vmem>>) target(%dma_start3A_26 : memref<10240xf32, #tpu.memory_space<vmem_shared>>) offsets(%dma_start3A_24 : memref<1000xi32, #tpu.memory_space<vmem>>) semaphore(%run_scoped3A_22 : memref<!tpu.dma_semaphore, #tpu.memory_space<semaphore_mem>>) {add = true}
      %dma_wait3A = arith.constant 0 : i32
      %dma_wait3A_27 = tpu.memref_slice %arg7[%run_scoped3A_13, %dma_wait3A] : memref<10x1000xi32, #tpu.memory_space<vmem>> -> memref<1x1000xi32, #tpu.memory_space<vmem>>
      %dma_wait3A_28 = tpu.memref_squeeze %dma_wait3A_27 : memref<1x1000xi32, #tpu.memory_space<vmem>> -> memref<1000xi32, #tpu.memory_space<vmem>>
      %dma_wait3A_29 = arith.constant 0 : i32
      %dma_wait3A_30 = tpu.memref_slice %arg6[%dma_wait3A_29] : memref<10240xf32, #tpu.memory_space<vmem_shared>> -> memref<10240xf32, #tpu.memory_space<vmem_shared>>
      tpu.wait_indirect_dma semaphore(%run_scoped3A_22 : memref<!tpu.dma_semaphore, #tpu.memory_space<semaphore_mem>>) src(%arg8 : memref<1000xf32, #tpu.memory_space<vmem>>) dst(%dma_wait3A_30 : memref<10240xf32, #tpu.memory_space<vmem_shared>>)
      tpu.yield
    }) : () -> ()
    %run_scoped3A_14 = arith.constant 7 : i32
    "tpu.region"() ({
      %run_scoped3A_22 = tpu.sem_alloc : memref<!tpu.dma_semaphore, #tpu.memory_space<semaphore_mem>>
      %dma_start3A = arith.constant 0 : i32
      %dma_start3A_23 = tpu.memref_slice %arg7[%run_scoped3A_14, %dma_start3A] : memref<10x1000xi32, #tpu.memory_space<vmem>> -> memref<1x1000xi32, #tpu.memory_space<vmem>>
      %dma_start3A_24 = tpu.memref_squeeze %dma_start3A_23 : memref<1x1000xi32, #tpu.memory_space<vmem>> -> memref<1000xi32, #tpu.memory_space<vmem>>
      %dma_start3A_25 = arith.constant 0 : i32
      %dma_start3A_26 = tpu.memref_slice %arg6[%dma_start3A_25] : memref<10240xf32, #tpu.memory_space<vmem_shared>> -> memref<10240xf32, #tpu.memory_space<vmem_shared>>
      tpu.enqueue_indirect_dma source(%arg8 : memref<1000xf32, #tpu.memory_space<vmem>>) target(%dma_start3A_26 : memref<10240xf32, #tpu.memory_space<vmem_shared>>) offsets(%dma_start3A_24 : memref<1000xi32, #tpu.memory_space<vmem>>) semaphore(%run_scoped3A_22 : memref<!tpu.dma_semaphore, #tpu.memory_space<semaphore_mem>>) {add = true}
      %dma_wait3A = arith.constant 0 : i32
      %dma_wait3A_27 = tpu.memref_slice %arg7[%run_scoped3A_14, %dma_wait3A] : memref<10x1000xi32, #tpu.memory_space<vmem>> -> memref<1x1000xi32, #tpu.memory_space<vmem>>
      %dma_wait3A_28 = tpu.memref_squeeze %dma_wait3A_27 : memref<1x1000xi32, #tpu.memory_space<vmem>> -> memref<1000xi32, #tpu.memory_space<vmem>>
      %dma_wait3A_29 = arith.constant 0 : i32
      %dma_wait3A_30 = tpu.memref_slice %arg6[%dma_wait3A_29] : memref<10240xf32, #tpu.memory_space<vmem_shared>> -> memref<10240xf32, #tpu.memory_space<vmem_shared>>
      tpu.wait_indirect_dma semaphore(%run_scoped3A_22 : memref<!tpu.dma_semaphore, #tpu.memory_space<semaphore_mem>>) src(%arg8 : memref<1000xf32, #tpu.memory_space<vmem>>) dst(%dma_wait3A_30 : memref<10240xf32, #tpu.memory_space<vmem_shared>>)
      tpu.yield
    }) : () -> ()
    %run_scoped3A_15 = arith.constant 8 : i32
    "tpu.region"() ({
      %run_scoped3A_22 = tpu.sem_alloc : memref<!tpu.dma_semaphore, #tpu.memory_space<semaphore_mem>>
      %dma_start3A = arith.constant 0 : i32
      %dma_start3A_23 = tpu.memref_slice %arg7[%run_scoped3A_15, %dma_start3A] : memref<10x1000xi32, #tpu.memory_space<vmem>> -> memref<1x1000xi32, #tpu.memory_space<vmem>>
      %dma_start3A_24 = tpu.memref_squeeze %dma_start3A_23 : memref<1x1000xi32, #tpu.memory_space<vmem>> -> memref<1000xi32, #tpu.memory_space<vmem>>
      %dma_start3A_25 = arith.constant 0 : i32
      %dma_start3A_26 = tpu.memref_slice %arg6[%dma_start3A_25] : memref<10240xf32, #tpu.memory_space<vmem_shared>> -> memref<10240xf32, #tpu.memory_space<vmem_shared>>
      tpu.enqueue_indirect_dma source(%arg8 : memref<1000xf32, #tpu.memory_space<vmem>>) target(%dma_start3A_26 : memref<10240xf32, #tpu.memory_space<vmem_shared>>) offsets(%dma_start3A_24 : memref<1000xi32, #tpu.memory_space<vmem>>) semaphore(%run_scoped3A_22 : memref<!tpu.dma_semaphore, #tpu.memory_space<semaphore_mem>>) {add = true}
      %dma_wait3A = arith.constant 0 : i32
      %dma_wait3A_27 = tpu.memref_slice %arg7[%run_scoped3A_15, %dma_wait3A] : memref<10x1000xi32, #tpu.memory_space<vmem>> -> memref<1x1000xi32, #tpu.memory_space<vmem>>
      %dma_wait3A_28 = tpu.memref_squeeze %dma_wait3A_27 : memref<1x1000xi32, #tpu.memory_space<vmem>> -> memref<1000xi32, #tpu.memory_space<vmem>>
      %dma_wait3A_29 = arith.constant 0 : i32
      %dma_wait3A_30 = tpu.memref_slice %arg6[%dma_wait3A_29] : memref<10240xf32, #tpu.memory_space<vmem_shared>> -> memref<10240xf32, #tpu.memory_space<vmem_shared>>
      tpu.wait_indirect_dma semaphore(%run_scoped3A_22 : memref<!tpu.dma_semaphore, #tpu.memory_space<semaphore_mem>>) src(%arg8 : memref<1000xf32, #tpu.memory_space<vmem>>) dst(%dma_wait3A_30 : memref<10240xf32, #tpu.memory_space<vmem_shared>>)
      tpu.yield
    }) : () -> ()
    %run_scoped3A_16 = arith.constant 9 : i32
    "tpu.region"() ({
      %run_scoped3A_22 = tpu.sem_alloc : memref<!tpu.dma_semaphore, #tpu.memory_space<semaphore_mem>>
      %dma_start3A = arith.constant 0 : i32
      %dma_start3A_23 = tpu.memref_slice %arg7[%run_scoped3A_16, %dma_start3A] : memref<10x1000xi32, #tpu.memory_space<vmem>> -> memref<1x1000xi32, #tpu.memory_space<vmem>>
      %dma_start3A_24 = tpu.memref_squeeze %dma_start3A_23 : memref<1x1000xi32, #tpu.memory_space<vmem>> -> memref<1000xi32, #tpu.memory_space<vmem>>
      %dma_start3A_25 = arith.constant 0 : i32
      %dma_start3A_26 = tpu.memref_slice %arg6[%dma_start3A_25] : memref<10240xf32, #tpu.memory_space<vmem_shared>> -> memref<10240xf32, #tpu.memory_space<vmem_shared>>
      tpu.enqueue_indirect_dma source(%arg8 : memref<1000xf32, #tpu.memory_space<vmem>>) target(%dma_start3A_26 : memref<10240xf32, #tpu.memory_space<vmem_shared>>) offsets(%dma_start3A_24 : memref<1000xi32, #tpu.memory_space<vmem>>) semaphore(%run_scoped3A_22 : memref<!tpu.dma_semaphore, #tpu.memory_space<semaphore_mem>>) {add = true}
      %dma_wait3A = arith.constant 0 : i32
      %dma_wait3A_27 = tpu.memref_slice %arg7[%run_scoped3A_16, %dma_wait3A] : memref<10x1000xi32, #tpu.memory_space<vmem>> -> memref<1x1000xi32, #tpu.memory_space<vmem>>
      %dma_wait3A_28 = tpu.memref_squeeze %dma_wait3A_27 : memref<1x1000xi32, #tpu.memory_space<vmem>> -> memref<1000xi32, #tpu.memory_space<vmem>>
      %dma_wait3A_29 = arith.constant 0 : i32
      %dma_wait3A_30 = tpu.memref_slice %arg6[%dma_wait3A_29] : memref<10240xf32, #tpu.memory_space<vmem_shared>> -> memref<10240xf32, #tpu.memory_space<vmem_shared>>
      tpu.wait_indirect_dma semaphore(%run_scoped3A_22 : memref<!tpu.dma_semaphore, #tpu.memory_space<semaphore_mem>>) src(%arg8 : memref<1000xf32, #tpu.memory_space<vmem>>) dst(%dma_wait3A_30 : memref<10240xf32, #tpu.memory_space<vmem_shared>>)
      tpu.yield
    }) : () -> ()
    %barrier3A_17 = arith.constant 0 : index
    tpu.barrier barrier_id(%barrier3A_17)
    %mul3A_18 = arith.constant 640 : i32
    %mul3A_19 = arith.muli %arg1, %mul3A_18 : i32
    %mul3A_20 = arith.constant 640 : i32
    %mul3A_21 = arith.muli %arg1, %mul3A_20 : i32
    "tpu.region"() ({
      %run_scoped3A_22 = tpu.sem_alloc : memref<!tpu.dma_semaphore, #tpu.memory_space<semaphore_mem>>
      %dma_start3A = tpu.memref_slice %arg5[%arg0, %mul3A_21] : memref<2x10240xf32, #tpu.memory_space<hbm>> -> memref<1x640xf32, #tpu.memory_space<hbm>>
      %dma_start3A_23 = tpu.memref_squeeze %dma_start3A : memref<1x640xf32, #tpu.memory_space<hbm>> -> memref<640xf32, #tpu.memory_space<hbm>>
      %dma_start3A_24 = tpu.memref_slice %arg6[%mul3A_19] : memref<10240xf32, #tpu.memory_space<vmem_shared>> -> memref<640xf32, #tpu.memory_space<vmem_shared>>
      tpu.enqueue_dma source(%dma_start3A_24 : memref<640xf32, #tpu.memory_space<vmem_shared>>) target(%dma_start3A_23 : memref<640xf32, #tpu.memory_space<hbm>>) target_semaphore(%run_scoped3A_22 : memref<!tpu.dma_semaphore, #tpu.memory_space<semaphore_mem>>)
      %dma_wait3A = tpu.memref_slice %arg5[%arg0, %mul3A_21] : memref<2x10240xf32, #tpu.memory_space<hbm>> -> memref<1x640xf32, #tpu.memory_space<hbm>>
      %dma_wait3A_25 = tpu.memref_squeeze %dma_wait3A : memref<1x640xf32, #tpu.memory_space<hbm>> -> memref<640xf32, #tpu.memory_space<hbm>>
      %dma_wait3A_26 = tpu.memref_slice %arg6[%mul3A_19] : memref<10240xf32, #tpu.memory_space<vmem_shared>> -> memref<640xf32, #tpu.memory_space<vmem_shared>>
      tpu.wait_dma2 semaphore(%run_scoped3A_22 : memref<!tpu.dma_semaphore, #tpu.memory_space<semaphore_mem>>) src(%dma_wait3A_26 : memref<640xf32, #tpu.memory_space<vmem_shared>>) dst(%dma_wait3A_25 : memref<640xf32, #tpu.memory_space<hbm>>)
      tpu.yield
    }) : () -> ()
    return
  }
}

#map = affine_map<(d0, d1) -> (0, 0)>
#map1 = affine_map<(d0, d1) -> (0, 0, 0)>
module attributes {stable_mosaic.version = 14 : i64} {
  func.func @_agg_body(%arg0: i32, %arg1: i32, %arg2: memref<10000x32xf32, #tpu.memory_space<hbm>>, %arg3: memref<2x320x1000xi32, #tpu.memory_space<hbm>>, %arg4: memref<10240x32xf32, #tpu.memory_space<hbm>>, %arg5: memref<2x10240x32xf32, #tpu.memory_space<hbm>>, %arg6: memref<10240x32xf32, #tpu.memory_space<vmem_shared>>, %arg7: memref<10x1000xi32, #tpu.memory_space<vmem>>, %arg8: memref<10x1000xi32, #tpu.memory_space<vmem>>, %arg9: memref<1000x32xf32, #tpu.memory_space<vmem>>, %arg10: memref<1000x32xf32, #tpu.memory_space<vmem>>, %arg11: memref<!tpu.dma_semaphore, #tpu.memory_space<semaphore_mem>>, %arg12: memref<!tpu.dma_semaphore, #tpu.memory_space<semaphore_mem>>) attributes {dimension_semantics = [#tpu.dimension_semantics<core_parallel>, #tpu.dimension_semantics<subcore_parallel>], iteration_bounds = array<i64: 2, 16>, scalar_prefetch = 0 : i64, scratch_operands = 7 : i64, tpu.core_type = #tpu.core_type<sc_vector_subcore>, window_params = [{transform_indices = #map}, {transform_indices = #map1}, {transform_indices = #map}, {transform_indices = #map1}]} {
    %mul3A = arith.constant 2 : i32
    %mul3A_0 = arith.muli %arg1, %mul3A : i32
    %add3A = arith.addi %mul3A_0, %arg0 : i32
    %mul3A_1 = arith.constant 640 : i32
    %mul3A_2 = arith.muli %arg1, %mul3A_1 : i32
    %mul3A_3 = arith.constant 640 : i32
    %mul3A_4 = arith.muli %arg1, %mul3A_3 : i32
    "tpu.region"() ({
      %run_scoped3A_163 = tpu.sem_alloc : memref<!tpu.dma_semaphore, #tpu.memory_space<semaphore_mem>>
      %dma_start3A_164 = arith.constant 0 : i32
      %dma_start3A_165 = tpu.memref_slice %arg6[%mul3A_4, %dma_start3A_164] : memref<10240x32xf32, #tpu.memory_space<vmem_shared>> -> memref<640x32xf32, #tpu.memory_space<vmem_shared>>
      %dma_start3A_166 = arith.constant 0 : i32
      %dma_start3A_167 = tpu.memref_slice %arg4[%mul3A_2, %dma_start3A_166] : memref<10240x32xf32, #tpu.memory_space<hbm>> -> memref<640x32xf32, #tpu.memory_space<hbm>>
      tpu.enqueue_dma source(%dma_start3A_167 : memref<640x32xf32, #tpu.memory_space<hbm>>) target(%dma_start3A_165 : memref<640x32xf32, #tpu.memory_space<vmem_shared>>) target_semaphore(%run_scoped3A_163 : memref<!tpu.dma_semaphore, #tpu.memory_space<semaphore_mem>>)
      %dma_wait3A_168 = arith.constant 0 : i32
      %dma_wait3A_169 = tpu.memref_slice %arg6[%mul3A_4, %dma_wait3A_168] : memref<10240x32xf32, #tpu.memory_space<vmem_shared>> -> memref<640x32xf32, #tpu.memory_space<vmem_shared>>
      %dma_wait3A_170 = arith.constant 0 : i32
      %dma_wait3A_171 = tpu.memref_slice %arg4[%mul3A_2, %dma_wait3A_170] : memref<10240x32xf32, #tpu.memory_space<hbm>> -> memref<640x32xf32, #tpu.memory_space<hbm>>
      tpu.wait_dma2 semaphore(%run_scoped3A_163 : memref<!tpu.dma_semaphore, #tpu.memory_space<semaphore_mem>>) src(%dma_wait3A_171 : memref<640x32xf32, #tpu.memory_space<hbm>>) dst(%dma_wait3A_169 : memref<640x32xf32, #tpu.memory_space<vmem_shared>>)
      tpu.yield
    }) : () -> ()
    %mul3A_5 = arith.constant 10 : i32
    %mul3A_6 = arith.muli %add3A, %mul3A_5 : i32
    %run_scoped3A = arith.constant 0 : i32
    "tpu.region"() ({
      %run_scoped3A_163 = tpu.sem_alloc : memref<!tpu.dma_semaphore, #tpu.memory_space<semaphore_mem>>
      %dma_start3A_164 = arith.constant 0 : i32
      %dma_start3A_165 = tpu.memref_slice %arg3[%run_scoped3A, %mul3A_6, %dma_start3A_164] : memref<2x320x1000xi32, #tpu.memory_space<hbm>> -> memref<1x10x1000xi32, #tpu.memory_space<hbm>>
      %dma_start3A_166 = tpu.memref_squeeze %dma_start3A_165 : memref<1x10x1000xi32, #tpu.memory_space<hbm>> -> memref<10x1000xi32, #tpu.memory_space<hbm>>
      %dma_start3A_167 = arith.constant 0 : i32
      %dma_start3A_168 = tpu.memref_slice %arg3[%run_scoped3A, %mul3A_6, %dma_start3A_167] : memref<2x320x1000xi32, #tpu.memory_space<hbm>> -> memref<1x10x1000xi32, #tpu.memory_space<hbm>>
      %dma_start3A_169 = tpu.memref_squeeze %dma_start3A_168 : memref<1x10x1000xi32, #tpu.memory_space<hbm>> -> memref<10x1000xi32, #tpu.memory_space<hbm>>
      tpu.enqueue_dma source(%dma_start3A_169 : memref<10x1000xi32, #tpu.memory_space<hbm>>) target(%arg7 : memref<10x1000xi32, #tpu.memory_space<vmem>>) target_semaphore(%run_scoped3A_163 : memref<!tpu.dma_semaphore, #tpu.memory_space<semaphore_mem>>)
      %dma_wait3A_170 = arith.constant 0 : i32
      %dma_wait3A_171 = tpu.memref_slice %arg3[%run_scoped3A, %mul3A_6, %dma_wait3A_170] : memref<2x320x1000xi32, #tpu.memory_space<hbm>> -> memref<1x10x1000xi32, #tpu.memory_space<hbm>>
      %dma_wait3A_172 = tpu.memref_squeeze %dma_wait3A_171 : memref<1x10x1000xi32, #tpu.memory_space<hbm>> -> memref<10x1000xi32, #tpu.memory_space<hbm>>
      %dma_wait3A_173 = arith.constant 0 : i32
      %dma_wait3A_174 = tpu.memref_slice %arg3[%run_scoped3A, %mul3A_6, %dma_wait3A_173] : memref<2x320x1000xi32, #tpu.memory_space<hbm>> -> memref<1x10x1000xi32, #tpu.memory_space<hbm>>
      %dma_wait3A_175 = tpu.memref_squeeze %dma_wait3A_174 : memref<1x10x1000xi32, #tpu.memory_space<hbm>> -> memref<10x1000xi32, #tpu.memory_space<hbm>>
      tpu.wait_dma2 semaphore(%run_scoped3A_163 : memref<!tpu.dma_semaphore, #tpu.memory_space<semaphore_mem>>) src(%dma_wait3A_175 : memref<10x1000xi32, #tpu.memory_space<hbm>>) dst(%arg7 : memref<10x1000xi32, #tpu.memory_space<vmem>>)
      tpu.yield
    }) : () -> ()
    %mul3A_7 = arith.constant 10 : i32
    %mul3A_8 = arith.muli %add3A, %mul3A_7 : i32
    %run_scoped3A_9 = arith.constant 1 : i32
    "tpu.region"() ({
      %run_scoped3A_163 = tpu.sem_alloc : memref<!tpu.dma_semaphore, #tpu.memory_space<semaphore_mem>>
      %dma_start3A_164 = arith.constant 0 : i32
      %dma_start3A_165 = tpu.memref_slice %arg3[%run_scoped3A_9, %mul3A_8, %dma_start3A_164] : memref<2x320x1000xi32, #tpu.memory_space<hbm>> -> memref<1x10x1000xi32, #tpu.memory_space<hbm>>
      %dma_start3A_166 = tpu.memref_squeeze %dma_start3A_165 : memref<1x10x1000xi32, #tpu.memory_space<hbm>> -> memref<10x1000xi32, #tpu.memory_space<hbm>>
      %dma_start3A_167 = arith.constant 0 : i32
      %dma_start3A_168 = tpu.memref_slice %arg3[%run_scoped3A_9, %mul3A_8, %dma_start3A_167] : memref<2x320x1000xi32, #tpu.memory_space<hbm>> -> memref<1x10x1000xi32, #tpu.memory_space<hbm>>
      %dma_start3A_169 = tpu.memref_squeeze %dma_start3A_168 : memref<1x10x1000xi32, #tpu.memory_space<hbm>> -> memref<10x1000xi32, #tpu.memory_space<hbm>>
      tpu.enqueue_dma source(%dma_start3A_169 : memref<10x1000xi32, #tpu.memory_space<hbm>>) target(%arg8 : memref<10x1000xi32, #tpu.memory_space<vmem>>) target_semaphore(%run_scoped3A_163 : memref<!tpu.dma_semaphore, #tpu.memory_space<semaphore_mem>>)
      %dma_wait3A_170 = arith.constant 0 : i32
      %dma_wait3A_171 = tpu.memref_slice %arg3[%run_scoped3A_9, %mul3A_8, %dma_wait3A_170] : memref<2x320x1000xi32, #tpu.memory_space<hbm>> -> memref<1x10x1000xi32, #tpu.memory_space<hbm>>
      %dma_wait3A_172 = tpu.memref_squeeze %dma_wait3A_171 : memref<1x10x1000xi32, #tpu.memory_space<hbm>> -> memref<10x1000xi32, #tpu.memory_space<hbm>>
      %dma_wait3A_173 = arith.constant 0 : i32
      %dma_wait3A_174 = tpu.memref_slice %arg3[%run_scoped3A_9, %mul3A_8, %dma_wait3A_173] : memref<2x320x1000xi32, #tpu.memory_space<hbm>> -> memref<1x10x1000xi32, #tpu.memory_space<hbm>>
      %dma_wait3A_175 = tpu.memref_squeeze %dma_wait3A_174 : memref<1x10x1000xi32, #tpu.memory_space<hbm>> -> memref<10x1000xi32, #tpu.memory_space<hbm>>
      tpu.wait_dma2 semaphore(%run_scoped3A_163 : memref<!tpu.dma_semaphore, #tpu.memory_space<semaphore_mem>>) src(%dma_wait3A_175 : memref<10x1000xi32, #tpu.memory_space<hbm>>) dst(%arg8 : memref<10x1000xi32, #tpu.memory_space<vmem>>)
      tpu.yield
    }) : () -> ()
    %barrier3A = arith.constant 0 : index
    tpu.barrier barrier_id(%barrier3A)
    %dma_start3A = arith.constant 0 : i32
    %dma_start3A_10 = arith.constant 0 : i32
    %dma_start3A_11 = tpu.memref_slice %arg7[%dma_start3A, %dma_start3A_10] : memref<10x1000xi32, #tpu.memory_space<vmem>> -> memref<1x1000xi32, #tpu.memory_space<vmem>>
    %dma_start3A_12 = tpu.memref_squeeze %dma_start3A_11 : memref<1x1000xi32, #tpu.memory_space<vmem>> -> memref<1000xi32, #tpu.memory_space<vmem>>
    %dma_start3A_13 = arith.constant 0 : i32
    %dma_start3A_14 = arith.constant 0 : i32
    %dma_start3A_15 = tpu.memref_slice %arg2[%dma_start3A_13, %dma_start3A_14] : memref<10000x32xf32, #tpu.memory_space<hbm>> -> memref<10000x32xf32, #tpu.memory_space<hbm>>
    tpu.enqueue_indirect_dma source(%dma_start3A_15 : memref<10000x32xf32, #tpu.memory_space<hbm>>) target(%arg9 : memref<1000x32xf32, #tpu.memory_space<vmem>>) offsets(%dma_start3A_12 : memref<1000xi32, #tpu.memory_space<vmem>>) semaphore(%arg11 : memref<!tpu.dma_semaphore, #tpu.memory_space<semaphore_mem>>)
    %dma_start3A_16 = arith.constant 1 : i32
    %dma_start3A_17 = arith.constant 0 : i32
    %dma_start3A_18 = tpu.memref_slice %arg7[%dma_start3A_16, %dma_start3A_17] : memref<10x1000xi32, #tpu.memory_space<vmem>> -> memref<1x1000xi32, #tpu.memory_space<vmem>>
    %dma_start3A_19 = tpu.memref_squeeze %dma_start3A_18 : memref<1x1000xi32, #tpu.memory_space<vmem>> -> memref<1000xi32, #tpu.memory_space<vmem>>
    %dma_start3A_20 = arith.constant 0 : i32
    %dma_start3A_21 = arith.constant 0 : i32
    %dma_start3A_22 = tpu.memref_slice %arg2[%dma_start3A_20, %dma_start3A_21] : memref<10000x32xf32, #tpu.memory_space<hbm>> -> memref<10000x32xf32, #tpu.memory_space<hbm>>
    tpu.enqueue_indirect_dma source(%dma_start3A_22 : memref<10000x32xf32, #tpu.memory_space<hbm>>) target(%arg10 : memref<1000x32xf32, #tpu.memory_space<vmem>>) offsets(%dma_start3A_19 : memref<1000xi32, #tpu.memory_space<vmem>>) semaphore(%arg12 : memref<!tpu.dma_semaphore, #tpu.memory_space<semaphore_mem>>)
    %dma_wait3A = arith.constant 0 : i32
    %dma_wait3A_23 = arith.constant 0 : i32
    %dma_wait3A_24 = tpu.memref_slice %arg7[%dma_wait3A, %dma_wait3A_23] : memref<10x1000xi32, #tpu.memory_space<vmem>> -> memref<1x1000xi32, #tpu.memory_space<vmem>>
    %dma_wait3A_25 = tpu.memref_squeeze %dma_wait3A_24 : memref<1x1000xi32, #tpu.memory_space<vmem>> -> memref<1000xi32, #tpu.memory_space<vmem>>
    %dma_wait3A_26 = arith.constant 0 : i32
    %dma_wait3A_27 = arith.constant 0 : i32
    %dma_wait3A_28 = tpu.memref_slice %arg2[%dma_wait3A_26, %dma_wait3A_27] : memref<10000x32xf32, #tpu.memory_space<hbm>> -> memref<10000x32xf32, #tpu.memory_space<hbm>>
    tpu.wait_indirect_dma semaphore(%arg11 : memref<!tpu.dma_semaphore, #tpu.memory_space<semaphore_mem>>) src(%dma_wait3A_28 : memref<10000x32xf32, #tpu.memory_space<hbm>>) dst(%arg9 : memref<1000x32xf32, #tpu.memory_space<vmem>>)
    %run_scoped3A_29 = arith.constant 0 : i32
    "tpu.region"() ({
      %run_scoped3A_163 = tpu.sem_alloc : memref<!tpu.dma_semaphore, #tpu.memory_space<semaphore_mem>>
      %dma_start3A_164 = arith.constant 0 : i32
      %dma_start3A_165 = tpu.memref_slice %arg8[%run_scoped3A_29, %dma_start3A_164] : memref<10x1000xi32, #tpu.memory_space<vmem>> -> memref<1x1000xi32, #tpu.memory_space<vmem>>
      %dma_start3A_166 = tpu.memref_squeeze %dma_start3A_165 : memref<1x1000xi32, #tpu.memory_space<vmem>> -> memref<1000xi32, #tpu.memory_space<vmem>>
      %dma_start3A_167 = arith.constant 0 : i32
      %dma_start3A_168 = arith.constant 0 : i32
      %dma_start3A_169 = tpu.memref_slice %arg6[%dma_start3A_167, %dma_start3A_168] : memref<10240x32xf32, #tpu.memory_space<vmem_shared>> -> memref<10240x32xf32, #tpu.memory_space<vmem_shared>>
      tpu.enqueue_indirect_dma source(%arg9 : memref<1000x32xf32, #tpu.memory_space<vmem>>) target(%dma_start3A_169 : memref<10240x32xf32, #tpu.memory_space<vmem_shared>>) offsets(%dma_start3A_166 : memref<1000xi32, #tpu.memory_space<vmem>>) semaphore(%run_scoped3A_163 : memref<!tpu.dma_semaphore, #tpu.memory_space<semaphore_mem>>) {add = true}
      %dma_wait3A_170 = arith.constant 0 : i32
      %dma_wait3A_171 = tpu.memref_slice %arg8[%run_scoped3A_29, %dma_wait3A_170] : memref<10x1000xi32, #tpu.memory_space<vmem>> -> memref<1x1000xi32, #tpu.memory_space<vmem>>
      %dma_wait3A_172 = tpu.memref_squeeze %dma_wait3A_171 : memref<1x1000xi32, #tpu.memory_space<vmem>> -> memref<1000xi32, #tpu.memory_space<vmem>>
      %dma_wait3A_173 = arith.constant 0 : i32
      %dma_wait3A_174 = arith.constant 0 : i32
      %dma_wait3A_175 = tpu.memref_slice %arg6[%dma_wait3A_173, %dma_wait3A_174] : memref<10240x32xf32, #tpu.memory_space<vmem_shared>> -> memref<10240x32xf32, #tpu.memory_space<vmem_shared>>
      tpu.wait_indirect_dma semaphore(%run_scoped3A_163 : memref<!tpu.dma_semaphore, #tpu.memory_space<semaphore_mem>>) src(%arg9 : memref<1000x32xf32, #tpu.memory_space<vmem>>) dst(%dma_wait3A_175 : memref<10240x32xf32, #tpu.memory_space<vmem_shared>>)
      tpu.yield
    }) : () -> ()
    %dma_start3A_30 = arith.constant 2 : i32
    %dma_start3A_31 = arith.constant 0 : i32
    %dma_start3A_32 = tpu.memref_slice %arg7[%dma_start3A_30, %dma_start3A_31] : memref<10x1000xi32, #tpu.memory_space<vmem>> -> memref<1x1000xi32, #tpu.memory_space<vmem>>
    %dma_start3A_33 = tpu.memref_squeeze %dma_start3A_32 : memref<1x1000xi32, #tpu.memory_space<vmem>> -> memref<1000xi32, #tpu.memory_space<vmem>>
    %dma_start3A_34 = arith.constant 0 : i32
    %dma_start3A_35 = arith.constant 0 : i32
    %dma_start3A_36 = tpu.memref_slice %arg2[%dma_start3A_34, %dma_start3A_35] : memref<10000x32xf32, #tpu.memory_space<hbm>> -> memref<10000x32xf32, #tpu.memory_space<hbm>>
    tpu.enqueue_indirect_dma source(%dma_start3A_36 : memref<10000x32xf32, #tpu.memory_space<hbm>>) target(%arg9 : memref<1000x32xf32, #tpu.memory_space<vmem>>) offsets(%dma_start3A_33 : memref<1000xi32, #tpu.memory_space<vmem>>) semaphore(%arg11 : memref<!tpu.dma_semaphore, #tpu.memory_space<semaphore_mem>>)
    %dma_wait3A_37 = arith.constant 1 : i32
    %dma_wait3A_38 = arith.constant 0 : i32
    %dma_wait3A_39 = tpu.memref_slice %arg7[%dma_wait3A_37, %dma_wait3A_38] : memref<10x1000xi32, #tpu.memory_space<vmem>> -> memref<1x1000xi32, #tpu.memory_space<vmem>>
    %dma_wait3A_40 = tpu.memref_squeeze %dma_wait3A_39 : memref<1x1000xi32, #tpu.memory_space<vmem>> -> memref<1000xi32, #tpu.memory_space<vmem>>
    %dma_wait3A_41 = arith.constant 0 : i32
    %dma_wait3A_42 = arith.constant 0 : i32
    %dma_wait3A_43 = tpu.memref_slice %arg2[%dma_wait3A_41, %dma_wait3A_42] : memref<10000x32xf32, #tpu.memory_space<hbm>> -> memref<10000x32xf32, #tpu.memory_space<hbm>>
    tpu.wait_indirect_dma semaphore(%arg12 : memref<!tpu.dma_semaphore, #tpu.memory_space<semaphore_mem>>) src(%dma_wait3A_43 : memref<10000x32xf32, #tpu.memory_space<hbm>>) dst(%arg10 : memref<1000x32xf32, #tpu.memory_space<vmem>>)
    %run_scoped3A_44 = arith.constant 1 : i32
    "tpu.region"() ({
      %run_scoped3A_163 = tpu.sem_alloc : memref<!tpu.dma_semaphore, #tpu.memory_space<semaphore_mem>>
      %dma_start3A_164 = arith.constant 0 : i32
      %dma_start3A_165 = tpu.memref_slice %arg8[%run_scoped3A_44, %dma_start3A_164] : memref<10x1000xi32, #tpu.memory_space<vmem>> -> memref<1x1000xi32, #tpu.memory_space<vmem>>
      %dma_start3A_166 = tpu.memref_squeeze %dma_start3A_165 : memref<1x1000xi32, #tpu.memory_space<vmem>> -> memref<1000xi32, #tpu.memory_space<vmem>>
      %dma_start3A_167 = arith.constant 0 : i32
      %dma_start3A_168 = arith.constant 0 : i32
      %dma_start3A_169 = tpu.memref_slice %arg6[%dma_start3A_167, %dma_start3A_168] : memref<10240x32xf32, #tpu.memory_space<vmem_shared>> -> memref<10240x32xf32, #tpu.memory_space<vmem_shared>>
      tpu.enqueue_indirect_dma source(%arg10 : memref<1000x32xf32, #tpu.memory_space<vmem>>) target(%dma_start3A_169 : memref<10240x32xf32, #tpu.memory_space<vmem_shared>>) offsets(%dma_start3A_166 : memref<1000xi32, #tpu.memory_space<vmem>>) semaphore(%run_scoped3A_163 : memref<!tpu.dma_semaphore, #tpu.memory_space<semaphore_mem>>) {add = true}
      %dma_wait3A_170 = arith.constant 0 : i32
      %dma_wait3A_171 = tpu.memref_slice %arg8[%run_scoped3A_44, %dma_wait3A_170] : memref<10x1000xi32, #tpu.memory_space<vmem>> -> memref<1x1000xi32, #tpu.memory_space<vmem>>
      %dma_wait3A_172 = tpu.memref_squeeze %dma_wait3A_171 : memref<1x1000xi32, #tpu.memory_space<vmem>> -> memref<1000xi32, #tpu.memory_space<vmem>>
      %dma_wait3A_173 = arith.constant 0 : i32
      %dma_wait3A_174 = arith.constant 0 : i32
      %dma_wait3A_175 = tpu.memref_slice %arg6[%dma_wait3A_173, %dma_wait3A_174] : memref<10240x32xf32, #tpu.memory_space<vmem_shared>> -> memref<10240x32xf32, #tpu.memory_space<vmem_shared>>
      tpu.wait_indirect_dma semaphore(%run_scoped3A_163 : memref<!tpu.dma_semaphore, #tpu.memory_space<semaphore_mem>>) src(%arg10 : memref<1000x32xf32, #tpu.memory_space<vmem>>) dst(%dma_wait3A_175 : memref<10240x32xf32, #tpu.memory_space<vmem_shared>>)
      tpu.yield
    }) : () -> ()
    %dma_start3A_45 = arith.constant 3 : i32
    %dma_start3A_46 = arith.constant 0 : i32
    %dma_start3A_47 = tpu.memref_slice %arg7[%dma_start3A_45, %dma_start3A_46] : memref<10x1000xi32, #tpu.memory_space<vmem>> -> memref<1x1000xi32, #tpu.memory_space<vmem>>
    %dma_start3A_48 = tpu.memref_squeeze %dma_start3A_47 : memref<1x1000xi32, #tpu.memory_space<vmem>> -> memref<1000xi32, #tpu.memory_space<vmem>>
    %dma_start3A_49 = arith.constant 0 : i32
    %dma_start3A_50 = arith.constant 0 : i32
    %dma_start3A_51 = tpu.memref_slice %arg2[%dma_start3A_49, %dma_start3A_50] : memref<10000x32xf32, #tpu.memory_space<hbm>> -> memref<10000x32xf32, #tpu.memory_space<hbm>>
    tpu.enqueue_indirect_dma source(%dma_start3A_51 : memref<10000x32xf32, #tpu.memory_space<hbm>>) target(%arg10 : memref<1000x32xf32, #tpu.memory_space<vmem>>) offsets(%dma_start3A_48 : memref<1000xi32, #tpu.memory_space<vmem>>) semaphore(%arg12 : memref<!tpu.dma_semaphore, #tpu.memory_space<semaphore_mem>>)
    %dma_wait3A_52 = arith.constant 2 : i32
    %dma_wait3A_53 = arith.constant 0 : i32
    %dma_wait3A_54 = tpu.memref_slice %arg7[%dma_wait3A_52, %dma_wait3A_53] : memref<10x1000xi32, #tpu.memory_space<vmem>> -> memref<1x1000xi32, #tpu.memory_space<vmem>>
    %dma_wait3A_55 = tpu.memref_squeeze %dma_wait3A_54 : memref<1x1000xi32, #tpu.memory_space<vmem>> -> memref<1000xi32, #tpu.memory_space<vmem>>
    %dma_wait3A_56 = arith.constant 0 : i32
    %dma_wait3A_57 = arith.constant 0 : i32
    %dma_wait3A_58 = tpu.memref_slice %arg2[%dma_wait3A_56, %dma_wait3A_57] : memref<10000x32xf32, #tpu.memory_space<hbm>> -> memref<10000x32xf32, #tpu.memory_space<hbm>>
    tpu.wait_indirect_dma semaphore(%arg11 : memref<!tpu.dma_semaphore, #tpu.memory_space<semaphore_mem>>) src(%dma_wait3A_58 : memref<10000x32xf32, #tpu.memory_space<hbm>>) dst(%arg9 : memref<1000x32xf32, #tpu.memory_space<vmem>>)
    %run_scoped3A_59 = arith.constant 2 : i32
    "tpu.region"() ({
      %run_scoped3A_163 = tpu.sem_alloc : memref<!tpu.dma_semaphore, #tpu.memory_space<semaphore_mem>>
      %dma_start3A_164 = arith.constant 0 : i32
      %dma_start3A_165 = tpu.memref_slice %arg8[%run_scoped3A_59, %dma_start3A_164] : memref<10x1000xi32, #tpu.memory_space<vmem>> -> memref<1x1000xi32, #tpu.memory_space<vmem>>
      %dma_start3A_166 = tpu.memref_squeeze %dma_start3A_165 : memref<1x1000xi32, #tpu.memory_space<vmem>> -> memref<1000xi32, #tpu.memory_space<vmem>>
      %dma_start3A_167 = arith.constant 0 : i32
      %dma_start3A_168 = arith.constant 0 : i32
      %dma_start3A_169 = tpu.memref_slice %arg6[%dma_start3A_167, %dma_start3A_168] : memref<10240x32xf32, #tpu.memory_space<vmem_shared>> -> memref<10240x32xf32, #tpu.memory_space<vmem_shared>>
      tpu.enqueue_indirect_dma source(%arg9 : memref<1000x32xf32, #tpu.memory_space<vmem>>) target(%dma_start3A_169 : memref<10240x32xf32, #tpu.memory_space<vmem_shared>>) offsets(%dma_start3A_166 : memref<1000xi32, #tpu.memory_space<vmem>>) semaphore(%run_scoped3A_163 : memref<!tpu.dma_semaphore, #tpu.memory_space<semaphore_mem>>) {add = true}
      %dma_wait3A_170 = arith.constant 0 : i32
      %dma_wait3A_171 = tpu.memref_slice %arg8[%run_scoped3A_59, %dma_wait3A_170] : memref<10x1000xi32, #tpu.memory_space<vmem>> -> memref<1x1000xi32, #tpu.memory_space<vmem>>
      %dma_wait3A_172 = tpu.memref_squeeze %dma_wait3A_171 : memref<1x1000xi32, #tpu.memory_space<vmem>> -> memref<1000xi32, #tpu.memory_space<vmem>>
      %dma_wait3A_173 = arith.constant 0 : i32
      %dma_wait3A_174 = arith.constant 0 : i32
      %dma_wait3A_175 = tpu.memref_slice %arg6[%dma_wait3A_173, %dma_wait3A_174] : memref<10240x32xf32, #tpu.memory_space<vmem_shared>> -> memref<10240x32xf32, #tpu.memory_space<vmem_shared>>
      tpu.wait_indirect_dma semaphore(%run_scoped3A_163 : memref<!tpu.dma_semaphore, #tpu.memory_space<semaphore_mem>>) src(%arg9 : memref<1000x32xf32, #tpu.memory_space<vmem>>) dst(%dma_wait3A_175 : memref<10240x32xf32, #tpu.memory_space<vmem_shared>>)
      tpu.yield
    }) : () -> ()
    %dma_start3A_60 = arith.constant 4 : i32
    %dma_start3A_61 = arith.constant 0 : i32
    %dma_start3A_62 = tpu.memref_slice %arg7[%dma_start3A_60, %dma_start3A_61] : memref<10x1000xi32, #tpu.memory_space<vmem>> -> memref<1x1000xi32, #tpu.memory_space<vmem>>
    %dma_start3A_63 = tpu.memref_squeeze %dma_start3A_62 : memref<1x1000xi32, #tpu.memory_space<vmem>> -> memref<1000xi32, #tpu.memory_space<vmem>>
    %dma_start3A_64 = arith.constant 0 : i32
    %dma_start3A_65 = arith.constant 0 : i32
    %dma_start3A_66 = tpu.memref_slice %arg2[%dma_start3A_64, %dma_start3A_65] : memref<10000x32xf32, #tpu.memory_space<hbm>> -> memref<10000x32xf32, #tpu.memory_space<hbm>>
    tpu.enqueue_indirect_dma source(%dma_start3A_66 : memref<10000x32xf32, #tpu.memory_space<hbm>>) target(%arg9 : memref<1000x32xf32, #tpu.memory_space<vmem>>) offsets(%dma_start3A_63 : memref<1000xi32, #tpu.memory_space<vmem>>) semaphore(%arg11 : memref<!tpu.dma_semaphore, #tpu.memory_space<semaphore_mem>>)
    %dma_wait3A_67 = arith.constant 3 : i32
    %dma_wait3A_68 = arith.constant 0 : i32
    %dma_wait3A_69 = tpu.memref_slice %arg7[%dma_wait3A_67, %dma_wait3A_68] : memref<10x1000xi32, #tpu.memory_space<vmem>> -> memref<1x1000xi32, #tpu.memory_space<vmem>>
    %dma_wait3A_70 = tpu.memref_squeeze %dma_wait3A_69 : memref<1x1000xi32, #tpu.memory_space<vmem>> -> memref<1000xi32, #tpu.memory_space<vmem>>
    %dma_wait3A_71 = arith.constant 0 : i32
    %dma_wait3A_72 = arith.constant 0 : i32
    %dma_wait3A_73 = tpu.memref_slice %arg2[%dma_wait3A_71, %dma_wait3A_72] : memref<10000x32xf32, #tpu.memory_space<hbm>> -> memref<10000x32xf32, #tpu.memory_space<hbm>>
    tpu.wait_indirect_dma semaphore(%arg12 : memref<!tpu.dma_semaphore, #tpu.memory_space<semaphore_mem>>) src(%dma_wait3A_73 : memref<10000x32xf32, #tpu.memory_space<hbm>>) dst(%arg10 : memref<1000x32xf32, #tpu.memory_space<vmem>>)
    %run_scoped3A_74 = arith.constant 3 : i32
    "tpu.region"() ({
      %run_scoped3A_163 = tpu.sem_alloc : memref<!tpu.dma_semaphore, #tpu.memory_space<semaphore_mem>>
      %dma_start3A_164 = arith.constant 0 : i32
      %dma_start3A_165 = tpu.memref_slice %arg8[%run_scoped3A_74, %dma_start3A_164] : memref<10x1000xi32, #tpu.memory_space<vmem>> -> memref<1x1000xi32, #tpu.memory_space<vmem>>
      %dma_start3A_166 = tpu.memref_squeeze %dma_start3A_165 : memref<1x1000xi32, #tpu.memory_space<vmem>> -> memref<1000xi32, #tpu.memory_space<vmem>>
      %dma_start3A_167 = arith.constant 0 : i32
      %dma_start3A_168 = arith.constant 0 : i32
      %dma_start3A_169 = tpu.memref_slice %arg6[%dma_start3A_167, %dma_start3A_168] : memref<10240x32xf32, #tpu.memory_space<vmem_shared>> -> memref<10240x32xf32, #tpu.memory_space<vmem_shared>>
      tpu.enqueue_indirect_dma source(%arg10 : memref<1000x32xf32, #tpu.memory_space<vmem>>) target(%dma_start3A_169 : memref<10240x32xf32, #tpu.memory_space<vmem_shared>>) offsets(%dma_start3A_166 : memref<1000xi32, #tpu.memory_space<vmem>>) semaphore(%run_scoped3A_163 : memref<!tpu.dma_semaphore, #tpu.memory_space<semaphore_mem>>) {add = true}
      %dma_wait3A_170 = arith.constant 0 : i32
      %dma_wait3A_171 = tpu.memref_slice %arg8[%run_scoped3A_74, %dma_wait3A_170] : memref<10x1000xi32, #tpu.memory_space<vmem>> -> memref<1x1000xi32, #tpu.memory_space<vmem>>
      %dma_wait3A_172 = tpu.memref_squeeze %dma_wait3A_171 : memref<1x1000xi32, #tpu.memory_space<vmem>> -> memref<1000xi32, #tpu.memory_space<vmem>>
      %dma_wait3A_173 = arith.constant 0 : i32
      %dma_wait3A_174 = arith.constant 0 : i32
      %dma_wait3A_175 = tpu.memref_slice %arg6[%dma_wait3A_173, %dma_wait3A_174] : memref<10240x32xf32, #tpu.memory_space<vmem_shared>> -> memref<10240x32xf32, #tpu.memory_space<vmem_shared>>
      tpu.wait_indirect_dma semaphore(%run_scoped3A_163 : memref<!tpu.dma_semaphore, #tpu.memory_space<semaphore_mem>>) src(%arg10 : memref<1000x32xf32, #tpu.memory_space<vmem>>) dst(%dma_wait3A_175 : memref<10240x32xf32, #tpu.memory_space<vmem_shared>>)
      tpu.yield
    }) : () -> ()
    %dma_start3A_75 = arith.constant 5 : i32
    %dma_start3A_76 = arith.constant 0 : i32
    %dma_start3A_77 = tpu.memref_slice %arg7[%dma_start3A_75, %dma_start3A_76] : memref<10x1000xi32, #tpu.memory_space<vmem>> -> memref<1x1000xi32, #tpu.memory_space<vmem>>
    %dma_start3A_78 = tpu.memref_squeeze %dma_start3A_77 : memref<1x1000xi32, #tpu.memory_space<vmem>> -> memref<1000xi32, #tpu.memory_space<vmem>>
    %dma_start3A_79 = arith.constant 0 : i32
    %dma_start3A_80 = arith.constant 0 : i32
    %dma_start3A_81 = tpu.memref_slice %arg2[%dma_start3A_79, %dma_start3A_80] : memref<10000x32xf32, #tpu.memory_space<hbm>> -> memref<10000x32xf32, #tpu.memory_space<hbm>>
    tpu.enqueue_indirect_dma source(%dma_start3A_81 : memref<10000x32xf32, #tpu.memory_space<hbm>>) target(%arg10 : memref<1000x32xf32, #tpu.memory_space<vmem>>) offsets(%dma_start3A_78 : memref<1000xi32, #tpu.memory_space<vmem>>) semaphore(%arg12 : memref<!tpu.dma_semaphore, #tpu.memory_space<semaphore_mem>>)
    %dma_wait3A_82 = arith.constant 4 : i32
    %dma_wait3A_83 = arith.constant 0 : i32
    %dma_wait3A_84 = tpu.memref_slice %arg7[%dma_wait3A_82, %dma_wait3A_83] : memref<10x1000xi32, #tpu.memory_space<vmem>> -> memref<1x1000xi32, #tpu.memory_space<vmem>>
    %dma_wait3A_85 = tpu.memref_squeeze %dma_wait3A_84 : memref<1x1000xi32, #tpu.memory_space<vmem>> -> memref<1000xi32, #tpu.memory_space<vmem>>
    %dma_wait3A_86 = arith.constant 0 : i32
    %dma_wait3A_87 = arith.constant 0 : i32
    %dma_wait3A_88 = tpu.memref_slice %arg2[%dma_wait3A_86, %dma_wait3A_87] : memref<10000x32xf32, #tpu.memory_space<hbm>> -> memref<10000x32xf32, #tpu.memory_space<hbm>>
    tpu.wait_indirect_dma semaphore(%arg11 : memref<!tpu.dma_semaphore, #tpu.memory_space<semaphore_mem>>) src(%dma_wait3A_88 : memref<10000x32xf32, #tpu.memory_space<hbm>>) dst(%arg9 : memref<1000x32xf32, #tpu.memory_space<vmem>>)
    %run_scoped3A_89 = arith.constant 4 : i32
    "tpu.region"() ({
      %run_scoped3A_163 = tpu.sem_alloc : memref<!tpu.dma_semaphore, #tpu.memory_space<semaphore_mem>>
      %dma_start3A_164 = arith.constant 0 : i32
      %dma_start3A_165 = tpu.memref_slice %arg8[%run_scoped3A_89, %dma_start3A_164] : memref<10x1000xi32, #tpu.memory_space<vmem>> -> memref<1x1000xi32, #tpu.memory_space<vmem>>
      %dma_start3A_166 = tpu.memref_squeeze %dma_start3A_165 : memref<1x1000xi32, #tpu.memory_space<vmem>> -> memref<1000xi32, #tpu.memory_space<vmem>>
      %dma_start3A_167 = arith.constant 0 : i32
      %dma_start3A_168 = arith.constant 0 : i32
      %dma_start3A_169 = tpu.memref_slice %arg6[%dma_start3A_167, %dma_start3A_168] : memref<10240x32xf32, #tpu.memory_space<vmem_shared>> -> memref<10240x32xf32, #tpu.memory_space<vmem_shared>>
      tpu.enqueue_indirect_dma source(%arg9 : memref<1000x32xf32, #tpu.memory_space<vmem>>) target(%dma_start3A_169 : memref<10240x32xf32, #tpu.memory_space<vmem_shared>>) offsets(%dma_start3A_166 : memref<1000xi32, #tpu.memory_space<vmem>>) semaphore(%run_scoped3A_163 : memref<!tpu.dma_semaphore, #tpu.memory_space<semaphore_mem>>) {add = true}
      %dma_wait3A_170 = arith.constant 0 : i32
      %dma_wait3A_171 = tpu.memref_slice %arg8[%run_scoped3A_89, %dma_wait3A_170] : memref<10x1000xi32, #tpu.memory_space<vmem>> -> memref<1x1000xi32, #tpu.memory_space<vmem>>
      %dma_wait3A_172 = tpu.memref_squeeze %dma_wait3A_171 : memref<1x1000xi32, #tpu.memory_space<vmem>> -> memref<1000xi32, #tpu.memory_space<vmem>>
      %dma_wait3A_173 = arith.constant 0 : i32
      %dma_wait3A_174 = arith.constant 0 : i32
      %dma_wait3A_175 = tpu.memref_slice %arg6[%dma_wait3A_173, %dma_wait3A_174] : memref<10240x32xf32, #tpu.memory_space<vmem_shared>> -> memref<10240x32xf32, #tpu.memory_space<vmem_shared>>
      tpu.wait_indirect_dma semaphore(%run_scoped3A_163 : memref<!tpu.dma_semaphore, #tpu.memory_space<semaphore_mem>>) src(%arg9 : memref<1000x32xf32, #tpu.memory_space<vmem>>) dst(%dma_wait3A_175 : memref<10240x32xf32, #tpu.memory_space<vmem_shared>>)
      tpu.yield
    }) : () -> ()
    %dma_start3A_90 = arith.constant 6 : i32
    %dma_start3A_91 = arith.constant 0 : i32
    %dma_start3A_92 = tpu.memref_slice %arg7[%dma_start3A_90, %dma_start3A_91] : memref<10x1000xi32, #tpu.memory_space<vmem>> -> memref<1x1000xi32, #tpu.memory_space<vmem>>
    %dma_start3A_93 = tpu.memref_squeeze %dma_start3A_92 : memref<1x1000xi32, #tpu.memory_space<vmem>> -> memref<1000xi32, #tpu.memory_space<vmem>>
    %dma_start3A_94 = arith.constant 0 : i32
    %dma_start3A_95 = arith.constant 0 : i32
    %dma_start3A_96 = tpu.memref_slice %arg2[%dma_start3A_94, %dma_start3A_95] : memref<10000x32xf32, #tpu.memory_space<hbm>> -> memref<10000x32xf32, #tpu.memory_space<hbm>>
    tpu.enqueue_indirect_dma source(%dma_start3A_96 : memref<10000x32xf32, #tpu.memory_space<hbm>>) target(%arg9 : memref<1000x32xf32, #tpu.memory_space<vmem>>) offsets(%dma_start3A_93 : memref<1000xi32, #tpu.memory_space<vmem>>) semaphore(%arg11 : memref<!tpu.dma_semaphore, #tpu.memory_space<semaphore_mem>>)
    %dma_wait3A_97 = arith.constant 5 : i32
    %dma_wait3A_98 = arith.constant 0 : i32
    %dma_wait3A_99 = tpu.memref_slice %arg7[%dma_wait3A_97, %dma_wait3A_98] : memref<10x1000xi32, #tpu.memory_space<vmem>> -> memref<1x1000xi32, #tpu.memory_space<vmem>>
    %dma_wait3A_100 = tpu.memref_squeeze %dma_wait3A_99 : memref<1x1000xi32, #tpu.memory_space<vmem>> -> memref<1000xi32, #tpu.memory_space<vmem>>
    %dma_wait3A_101 = arith.constant 0 : i32
    %dma_wait3A_102 = arith.constant 0 : i32
    %dma_wait3A_103 = tpu.memref_slice %arg2[%dma_wait3A_101, %dma_wait3A_102] : memref<10000x32xf32, #tpu.memory_space<hbm>> -> memref<10000x32xf32, #tpu.memory_space<hbm>>
    tpu.wait_indirect_dma semaphore(%arg12 : memref<!tpu.dma_semaphore, #tpu.memory_space<semaphore_mem>>) src(%dma_wait3A_103 : memref<10000x32xf32, #tpu.memory_space<hbm>>) dst(%arg10 : memref<1000x32xf32, #tpu.memory_space<vmem>>)
    %run_scoped3A_104 = arith.constant 5 : i32
    "tpu.region"() ({
      %run_scoped3A_163 = tpu.sem_alloc : memref<!tpu.dma_semaphore, #tpu.memory_space<semaphore_mem>>
      %dma_start3A_164 = arith.constant 0 : i32
      %dma_start3A_165 = tpu.memref_slice %arg8[%run_scoped3A_104, %dma_start3A_164] : memref<10x1000xi32, #tpu.memory_space<vmem>> -> memref<1x1000xi32, #tpu.memory_space<vmem>>
      %dma_start3A_166 = tpu.memref_squeeze %dma_start3A_165 : memref<1x1000xi32, #tpu.memory_space<vmem>> -> memref<1000xi32, #tpu.memory_space<vmem>>
      %dma_start3A_167 = arith.constant 0 : i32
      %dma_start3A_168 = arith.constant 0 : i32
      %dma_start3A_169 = tpu.memref_slice %arg6[%dma_start3A_167, %dma_start3A_168] : memref<10240x32xf32, #tpu.memory_space<vmem_shared>> -> memref<10240x32xf32, #tpu.memory_space<vmem_shared>>
      tpu.enqueue_indirect_dma source(%arg10 : memref<1000x32xf32, #tpu.memory_space<vmem>>) target(%dma_start3A_169 : memref<10240x32xf32, #tpu.memory_space<vmem_shared>>) offsets(%dma_start3A_166 : memref<1000xi32, #tpu.memory_space<vmem>>) semaphore(%run_scoped3A_163 : memref<!tpu.dma_semaphore, #tpu.memory_space<semaphore_mem>>) {add = true}
      %dma_wait3A_170 = arith.constant 0 : i32
      %dma_wait3A_171 = tpu.memref_slice %arg8[%run_scoped3A_104, %dma_wait3A_170] : memref<10x1000xi32, #tpu.memory_space<vmem>> -> memref<1x1000xi32, #tpu.memory_space<vmem>>
      %dma_wait3A_172 = tpu.memref_squeeze %dma_wait3A_171 : memref<1x1000xi32, #tpu.memory_space<vmem>> -> memref<1000xi32, #tpu.memory_space<vmem>>
      %dma_wait3A_173 = arith.constant 0 : i32
      %dma_wait3A_174 = arith.constant 0 : i32
      %dma_wait3A_175 = tpu.memref_slice %arg6[%dma_wait3A_173, %dma_wait3A_174] : memref<10240x32xf32, #tpu.memory_space<vmem_shared>> -> memref<10240x32xf32, #tpu.memory_space<vmem_shared>>
      tpu.wait_indirect_dma semaphore(%run_scoped3A_163 : memref<!tpu.dma_semaphore, #tpu.memory_space<semaphore_mem>>) src(%arg10 : memref<1000x32xf32, #tpu.memory_space<vmem>>) dst(%dma_wait3A_175 : memref<10240x32xf32, #tpu.memory_space<vmem_shared>>)
      tpu.yield
    }) : () -> ()
    %dma_start3A_105 = arith.constant 7 : i32
    %dma_start3A_106 = arith.constant 0 : i32
    %dma_start3A_107 = tpu.memref_slice %arg7[%dma_start3A_105, %dma_start3A_106] : memref<10x1000xi32, #tpu.memory_space<vmem>> -> memref<1x1000xi32, #tpu.memory_space<vmem>>
    %dma_start3A_108 = tpu.memref_squeeze %dma_start3A_107 : memref<1x1000xi32, #tpu.memory_space<vmem>> -> memref<1000xi32, #tpu.memory_space<vmem>>
    %dma_start3A_109 = arith.constant 0 : i32
    %dma_start3A_110 = arith.constant 0 : i32
    %dma_start3A_111 = tpu.memref_slice %arg2[%dma_start3A_109, %dma_start3A_110] : memref<10000x32xf32, #tpu.memory_space<hbm>> -> memref<10000x32xf32, #tpu.memory_space<hbm>>
    tpu.enqueue_indirect_dma source(%dma_start3A_111 : memref<10000x32xf32, #tpu.memory_space<hbm>>) target(%arg10 : memref<1000x32xf32, #tpu.memory_space<vmem>>) offsets(%dma_start3A_108 : memref<1000xi32, #tpu.memory_space<vmem>>) semaphore(%arg12 : memref<!tpu.dma_semaphore, #tpu.memory_space<semaphore_mem>>)
    %dma_wait3A_112 = arith.constant 6 : i32
    %dma_wait3A_113 = arith.constant 0 : i32
    %dma_wait3A_114 = tpu.memref_slice %arg7[%dma_wait3A_112, %dma_wait3A_113] : memref<10x1000xi32, #tpu.memory_space<vmem>> -> memref<1x1000xi32, #tpu.memory_space<vmem>>
    %dma_wait3A_115 = tpu.memref_squeeze %dma_wait3A_114 : memref<1x1000xi32, #tpu.memory_space<vmem>> -> memref<1000xi32, #tpu.memory_space<vmem>>
    %dma_wait3A_116 = arith.constant 0 : i32
    %dma_wait3A_117 = arith.constant 0 : i32
    %dma_wait3A_118 = tpu.memref_slice %arg2[%dma_wait3A_116, %dma_wait3A_117] : memref<10000x32xf32, #tpu.memory_space<hbm>> -> memref<10000x32xf32, #tpu.memory_space<hbm>>
    tpu.wait_indirect_dma semaphore(%arg11 : memref<!tpu.dma_semaphore, #tpu.memory_space<semaphore_mem>>) src(%dma_wait3A_118 : memref<10000x32xf32, #tpu.memory_space<hbm>>) dst(%arg9 : memref<1000x32xf32, #tpu.memory_space<vmem>>)
    %run_scoped3A_119 = arith.constant 6 : i32
    "tpu.region"() ({
      %run_scoped3A_163 = tpu.sem_alloc : memref<!tpu.dma_semaphore, #tpu.memory_space<semaphore_mem>>
      %dma_start3A_164 = arith.constant 0 : i32
      %dma_start3A_165 = tpu.memref_slice %arg8[%run_scoped3A_119, %dma_start3A_164] : memref<10x1000xi32, #tpu.memory_space<vmem>> -> memref<1x1000xi32, #tpu.memory_space<vmem>>
      %dma_start3A_166 = tpu.memref_squeeze %dma_start3A_165 : memref<1x1000xi32, #tpu.memory_space<vmem>> -> memref<1000xi32, #tpu.memory_space<vmem>>
      %dma_start3A_167 = arith.constant 0 : i32
      %dma_start3A_168 = arith.constant 0 : i32
      %dma_start3A_169 = tpu.memref_slice %arg6[%dma_start3A_167, %dma_start3A_168] : memref<10240x32xf32, #tpu.memory_space<vmem_shared>> -> memref<10240x32xf32, #tpu.memory_space<vmem_shared>>
      tpu.enqueue_indirect_dma source(%arg9 : memref<1000x32xf32, #tpu.memory_space<vmem>>) target(%dma_start3A_169 : memref<10240x32xf32, #tpu.memory_space<vmem_shared>>) offsets(%dma_start3A_166 : memref<1000xi32, #tpu.memory_space<vmem>>) semaphore(%run_scoped3A_163 : memref<!tpu.dma_semaphore, #tpu.memory_space<semaphore_mem>>) {add = true}
      %dma_wait3A_170 = arith.constant 0 : i32
      %dma_wait3A_171 = tpu.memref_slice %arg8[%run_scoped3A_119, %dma_wait3A_170] : memref<10x1000xi32, #tpu.memory_space<vmem>> -> memref<1x1000xi32, #tpu.memory_space<vmem>>
      %dma_wait3A_172 = tpu.memref_squeeze %dma_wait3A_171 : memref<1x1000xi32, #tpu.memory_space<vmem>> -> memref<1000xi32, #tpu.memory_space<vmem>>
      %dma_wait3A_173 = arith.constant 0 : i32
      %dma_wait3A_174 = arith.constant 0 : i32
      %dma_wait3A_175 = tpu.memref_slice %arg6[%dma_wait3A_173, %dma_wait3A_174] : memref<10240x32xf32, #tpu.memory_space<vmem_shared>> -> memref<10240x32xf32, #tpu.memory_space<vmem_shared>>
      tpu.wait_indirect_dma semaphore(%run_scoped3A_163 : memref<!tpu.dma_semaphore, #tpu.memory_space<semaphore_mem>>) src(%arg9 : memref<1000x32xf32, #tpu.memory_space<vmem>>) dst(%dma_wait3A_175 : memref<10240x32xf32, #tpu.memory_space<vmem_shared>>)
      tpu.yield
    }) : () -> ()
    %dma_start3A_120 = arith.constant 8 : i32
    %dma_start3A_121 = arith.constant 0 : i32
    %dma_start3A_122 = tpu.memref_slice %arg7[%dma_start3A_120, %dma_start3A_121] : memref<10x1000xi32, #tpu.memory_space<vmem>> -> memref<1x1000xi32, #tpu.memory_space<vmem>>
    %dma_start3A_123 = tpu.memref_squeeze %dma_start3A_122 : memref<1x1000xi32, #tpu.memory_space<vmem>> -> memref<1000xi32, #tpu.memory_space<vmem>>
    %dma_start3A_124 = arith.constant 0 : i32
    %dma_start3A_125 = arith.constant 0 : i32
    %dma_start3A_126 = tpu.memref_slice %arg2[%dma_start3A_124, %dma_start3A_125] : memref<10000x32xf32, #tpu.memory_space<hbm>> -> memref<10000x32xf32, #tpu.memory_space<hbm>>
    tpu.enqueue_indirect_dma source(%dma_start3A_126 : memref<10000x32xf32, #tpu.memory_space<hbm>>) target(%arg9 : memref<1000x32xf32, #tpu.memory_space<vmem>>) offsets(%dma_start3A_123 : memref<1000xi32, #tpu.memory_space<vmem>>) semaphore(%arg11 : memref<!tpu.dma_semaphore, #tpu.memory_space<semaphore_mem>>)
    %dma_wait3A_127 = arith.constant 7 : i32
    %dma_wait3A_128 = arith.constant 0 : i32
    %dma_wait3A_129 = tpu.memref_slice %arg7[%dma_wait3A_127, %dma_wait3A_128] : memref<10x1000xi32, #tpu.memory_space<vmem>> -> memref<1x1000xi32, #tpu.memory_space<vmem>>
    %dma_wait3A_130 = tpu.memref_squeeze %dma_wait3A_129 : memref<1x1000xi32, #tpu.memory_space<vmem>> -> memref<1000xi32, #tpu.memory_space<vmem>>
    %dma_wait3A_131 = arith.constant 0 : i32
    %dma_wait3A_132 = arith.constant 0 : i32
    %dma_wait3A_133 = tpu.memref_slice %arg2[%dma_wait3A_131, %dma_wait3A_132] : memref<10000x32xf32, #tpu.memory_space<hbm>> -> memref<10000x32xf32, #tpu.memory_space<hbm>>
    tpu.wait_indirect_dma semaphore(%arg12 : memref<!tpu.dma_semaphore, #tpu.memory_space<semaphore_mem>>) src(%dma_wait3A_133 : memref<10000x32xf32, #tpu.memory_space<hbm>>) dst(%arg10 : memref<1000x32xf32, #tpu.memory_space<vmem>>)
    %run_scoped3A_134 = arith.constant 7 : i32
    "tpu.region"() ({
      %run_scoped3A_163 = tpu.sem_alloc : memref<!tpu.dma_semaphore, #tpu.memory_space<semaphore_mem>>
      %dma_start3A_164 = arith.constant 0 : i32
      %dma_start3A_165 = tpu.memref_slice %arg8[%run_scoped3A_134, %dma_start3A_164] : memref<10x1000xi32, #tpu.memory_space<vmem>> -> memref<1x1000xi32, #tpu.memory_space<vmem>>
      %dma_start3A_166 = tpu.memref_squeeze %dma_start3A_165 : memref<1x1000xi32, #tpu.memory_space<vmem>> -> memref<1000xi32, #tpu.memory_space<vmem>>
      %dma_start3A_167 = arith.constant 0 : i32
      %dma_start3A_168 = arith.constant 0 : i32
      %dma_start3A_169 = tpu.memref_slice %arg6[%dma_start3A_167, %dma_start3A_168] : memref<10240x32xf32, #tpu.memory_space<vmem_shared>> -> memref<10240x32xf32, #tpu.memory_space<vmem_shared>>
      tpu.enqueue_indirect_dma source(%arg10 : memref<1000x32xf32, #tpu.memory_space<vmem>>) target(%dma_start3A_169 : memref<10240x32xf32, #tpu.memory_space<vmem_shared>>) offsets(%dma_start3A_166 : memref<1000xi32, #tpu.memory_space<vmem>>) semaphore(%run_scoped3A_163 : memref<!tpu.dma_semaphore, #tpu.memory_space<semaphore_mem>>) {add = true}
      %dma_wait3A_170 = arith.constant 0 : i32
      %dma_wait3A_171 = tpu.memref_slice %arg8[%run_scoped3A_134, %dma_wait3A_170] : memref<10x1000xi32, #tpu.memory_space<vmem>> -> memref<1x1000xi32, #tpu.memory_space<vmem>>
      %dma_wait3A_172 = tpu.memref_squeeze %dma_wait3A_171 : memref<1x1000xi32, #tpu.memory_space<vmem>> -> memref<1000xi32, #tpu.memory_space<vmem>>
      %dma_wait3A_173 = arith.constant 0 : i32
      %dma_wait3A_174 = arith.constant 0 : i32
      %dma_wait3A_175 = tpu.memref_slice %arg6[%dma_wait3A_173, %dma_wait3A_174] : memref<10240x32xf32, #tpu.memory_space<vmem_shared>> -> memref<10240x32xf32, #tpu.memory_space<vmem_shared>>
      tpu.wait_indirect_dma semaphore(%run_scoped3A_163 : memref<!tpu.dma_semaphore, #tpu.memory_space<semaphore_mem>>) src(%arg10 : memref<1000x32xf32, #tpu.memory_space<vmem>>) dst(%dma_wait3A_175 : memref<10240x32xf32, #tpu.memory_space<vmem_shared>>)
      tpu.yield
    }) : () -> ()
    %dma_start3A_135 = arith.constant 9 : i32
    %dma_start3A_136 = arith.constant 0 : i32
    %dma_start3A_137 = tpu.memref_slice %arg7[%dma_start3A_135, %dma_start3A_136] : memref<10x1000xi32, #tpu.memory_space<vmem>> -> memref<1x1000xi32, #tpu.memory_space<vmem>>
    %dma_start3A_138 = tpu.memref_squeeze %dma_start3A_137 : memref<1x1000xi32, #tpu.memory_space<vmem>> -> memref<1000xi32, #tpu.memory_space<vmem>>
    %dma_start3A_139 = arith.constant 0 : i32
    %dma_start3A_140 = arith.constant 0 : i32
    %dma_start3A_141 = tpu.memref_slice %arg2[%dma_start3A_139, %dma_start3A_140] : memref<10000x32xf32, #tpu.memory_space<hbm>> -> memref<10000x32xf32, #tpu.memory_space<hbm>>
    tpu.enqueue_indirect_dma source(%dma_start3A_141 : memref<10000x32xf32, #tpu.memory_space<hbm>>) target(%arg10 : memref<1000x32xf32, #tpu.memory_space<vmem>>) offsets(%dma_start3A_138 : memref<1000xi32, #tpu.memory_space<vmem>>) semaphore(%arg12 : memref<!tpu.dma_semaphore, #tpu.memory_space<semaphore_mem>>)
    %dma_wait3A_142 = arith.constant 8 : i32
    %dma_wait3A_143 = arith.constant 0 : i32
    %dma_wait3A_144 = tpu.memref_slice %arg7[%dma_wait3A_142, %dma_wait3A_143] : memref<10x1000xi32, #tpu.memory_space<vmem>> -> memref<1x1000xi32, #tpu.memory_space<vmem>>
    %dma_wait3A_145 = tpu.memref_squeeze %dma_wait3A_144 : memref<1x1000xi32, #tpu.memory_space<vmem>> -> memref<1000xi32, #tpu.memory_space<vmem>>
    %dma_wait3A_146 = arith.constant 0 : i32
    %dma_wait3A_147 = arith.constant 0 : i32
    %dma_wait3A_148 = tpu.memref_slice %arg2[%dma_wait3A_146, %dma_wait3A_147] : memref<10000x32xf32, #tpu.memory_space<hbm>> -> memref<10000x32xf32, #tpu.memory_space<hbm>>
    tpu.wait_indirect_dma semaphore(%arg11 : memref<!tpu.dma_semaphore, #tpu.memory_space<semaphore_mem>>) src(%dma_wait3A_148 : memref<10000x32xf32, #tpu.memory_space<hbm>>) dst(%arg9 : memref<1000x32xf32, #tpu.memory_space<vmem>>)
    %run_scoped3A_149 = arith.constant 8 : i32
    "tpu.region"() ({
      %run_scoped3A_163 = tpu.sem_alloc : memref<!tpu.dma_semaphore, #tpu.memory_space<semaphore_mem>>
      %dma_start3A_164 = arith.constant 0 : i32
      %dma_start3A_165 = tpu.memref_slice %arg8[%run_scoped3A_149, %dma_start3A_164] : memref<10x1000xi32, #tpu.memory_space<vmem>> -> memref<1x1000xi32, #tpu.memory_space<vmem>>
      %dma_start3A_166 = tpu.memref_squeeze %dma_start3A_165 : memref<1x1000xi32, #tpu.memory_space<vmem>> -> memref<1000xi32, #tpu.memory_space<vmem>>
      %dma_start3A_167 = arith.constant 0 : i32
      %dma_start3A_168 = arith.constant 0 : i32
      %dma_start3A_169 = tpu.memref_slice %arg6[%dma_start3A_167, %dma_start3A_168] : memref<10240x32xf32, #tpu.memory_space<vmem_shared>> -> memref<10240x32xf32, #tpu.memory_space<vmem_shared>>
      tpu.enqueue_indirect_dma source(%arg9 : memref<1000x32xf32, #tpu.memory_space<vmem>>) target(%dma_start3A_169 : memref<10240x32xf32, #tpu.memory_space<vmem_shared>>) offsets(%dma_start3A_166 : memref<1000xi32, #tpu.memory_space<vmem>>) semaphore(%run_scoped3A_163 : memref<!tpu.dma_semaphore, #tpu.memory_space<semaphore_mem>>) {add = true}
      %dma_wait3A_170 = arith.constant 0 : i32
      %dma_wait3A_171 = tpu.memref_slice %arg8[%run_scoped3A_149, %dma_wait3A_170] : memref<10x1000xi32, #tpu.memory_space<vmem>> -> memref<1x1000xi32, #tpu.memory_space<vmem>>
      %dma_wait3A_172 = tpu.memref_squeeze %dma_wait3A_171 : memref<1x1000xi32, #tpu.memory_space<vmem>> -> memref<1000xi32, #tpu.memory_space<vmem>>
      %dma_wait3A_173 = arith.constant 0 : i32
      %dma_wait3A_174 = arith.constant 0 : i32
      %dma_wait3A_175 = tpu.memref_slice %arg6[%dma_wait3A_173, %dma_wait3A_174] : memref<10240x32xf32, #tpu.memory_space<vmem_shared>> -> memref<10240x32xf32, #tpu.memory_space<vmem_shared>>
      tpu.wait_indirect_dma semaphore(%run_scoped3A_163 : memref<!tpu.dma_semaphore, #tpu.memory_space<semaphore_mem>>) src(%arg9 : memref<1000x32xf32, #tpu.memory_space<vmem>>) dst(%dma_wait3A_175 : memref<10240x32xf32, #tpu.memory_space<vmem_shared>>)
      tpu.yield
    }) : () -> ()
    %dma_wait3A_150 = arith.constant 9 : i32
    %dma_wait3A_151 = arith.constant 0 : i32
    %dma_wait3A_152 = tpu.memref_slice %arg7[%dma_wait3A_150, %dma_wait3A_151] : memref<10x1000xi32, #tpu.memory_space<vmem>> -> memref<1x1000xi32, #tpu.memory_space<vmem>>
    %dma_wait3A_153 = tpu.memref_squeeze %dma_wait3A_152 : memref<1x1000xi32, #tpu.memory_space<vmem>> -> memref<1000xi32, #tpu.memory_space<vmem>>
    %dma_wait3A_154 = arith.constant 0 : i32
    %dma_wait3A_155 = arith.constant 0 : i32
    %dma_wait3A_156 = tpu.memref_slice %arg2[%dma_wait3A_154, %dma_wait3A_155] : memref<10000x32xf32, #tpu.memory_space<hbm>> -> memref<10000x32xf32, #tpu.memory_space<hbm>>
    tpu.wait_indirect_dma semaphore(%arg12 : memref<!tpu.dma_semaphore, #tpu.memory_space<semaphore_mem>>) src(%dma_wait3A_156 : memref<10000x32xf32, #tpu.memory_space<hbm>>) dst(%arg10 : memref<1000x32xf32, #tpu.memory_space<vmem>>)
    %run_scoped3A_157 = arith.constant 9 : i32
    "tpu.region"() ({
      %run_scoped3A_163 = tpu.sem_alloc : memref<!tpu.dma_semaphore, #tpu.memory_space<semaphore_mem>>
      %dma_start3A_164 = arith.constant 0 : i32
      %dma_start3A_165 = tpu.memref_slice %arg8[%run_scoped3A_157, %dma_start3A_164] : memref<10x1000xi32, #tpu.memory_space<vmem>> -> memref<1x1000xi32, #tpu.memory_space<vmem>>
      %dma_start3A_166 = tpu.memref_squeeze %dma_start3A_165 : memref<1x1000xi32, #tpu.memory_space<vmem>> -> memref<1000xi32, #tpu.memory_space<vmem>>
      %dma_start3A_167 = arith.constant 0 : i32
      %dma_start3A_168 = arith.constant 0 : i32
      %dma_start3A_169 = tpu.memref_slice %arg6[%dma_start3A_167, %dma_start3A_168] : memref<10240x32xf32, #tpu.memory_space<vmem_shared>> -> memref<10240x32xf32, #tpu.memory_space<vmem_shared>>
      tpu.enqueue_indirect_dma source(%arg10 : memref<1000x32xf32, #tpu.memory_space<vmem>>) target(%dma_start3A_169 : memref<10240x32xf32, #tpu.memory_space<vmem_shared>>) offsets(%dma_start3A_166 : memref<1000xi32, #tpu.memory_space<vmem>>) semaphore(%run_scoped3A_163 : memref<!tpu.dma_semaphore, #tpu.memory_space<semaphore_mem>>) {add = true}
      %dma_wait3A_170 = arith.constant 0 : i32
      %dma_wait3A_171 = tpu.memref_slice %arg8[%run_scoped3A_157, %dma_wait3A_170] : memref<10x1000xi32, #tpu.memory_space<vmem>> -> memref<1x1000xi32, #tpu.memory_space<vmem>>
      %dma_wait3A_172 = tpu.memref_squeeze %dma_wait3A_171 : memref<1x1000xi32, #tpu.memory_space<vmem>> -> memref<1000xi32, #tpu.memory_space<vmem>>
      %dma_wait3A_173 = arith.constant 0 : i32
      %dma_wait3A_174 = arith.constant 0 : i32
      %dma_wait3A_175 = tpu.memref_slice %arg6[%dma_wait3A_173, %dma_wait3A_174] : memref<10240x32xf32, #tpu.memory_space<vmem_shared>> -> memref<10240x32xf32, #tpu.memory_space<vmem_shared>>
      tpu.wait_indirect_dma semaphore(%run_scoped3A_163 : memref<!tpu.dma_semaphore, #tpu.memory_space<semaphore_mem>>) src(%arg10 : memref<1000x32xf32, #tpu.memory_space<vmem>>) dst(%dma_wait3A_175 : memref<10240x32xf32, #tpu.memory_space<vmem_shared>>)
      tpu.yield
    }) : () -> ()
    %barrier3A_158 = arith.constant 0 : index
    tpu.barrier barrier_id(%barrier3A_158)
    %mul3A_159 = arith.constant 640 : i32
    %mul3A_160 = arith.muli %arg1, %mul3A_159 : i32
    %mul3A_161 = arith.constant 640 : i32
    %mul3A_162 = arith.muli %arg1, %mul3A_161 : i32
    "tpu.region"() ({
      %run_scoped3A_163 = tpu.sem_alloc : memref<!tpu.dma_semaphore, #tpu.memory_space<semaphore_mem>>
      %dma_start3A_164 = arith.constant 0 : i32
      %dma_start3A_165 = tpu.memref_slice %arg5[%arg0, %mul3A_162, %dma_start3A_164] : memref<2x10240x32xf32, #tpu.memory_space<hbm>> -> memref<1x640x32xf32, #tpu.memory_space<hbm>>
      %dma_start3A_166 = tpu.memref_squeeze %dma_start3A_165 : memref<1x640x32xf32, #tpu.memory_space<hbm>> -> memref<640x32xf32, #tpu.memory_space<hbm>>
      %dma_start3A_167 = arith.constant 0 : i32
      %dma_start3A_168 = tpu.memref_slice %arg6[%mul3A_160, %dma_start3A_167] : memref<10240x32xf32, #tpu.memory_space<vmem_shared>> -> memref<640x32xf32, #tpu.memory_space<vmem_shared>>
      tpu.enqueue_dma source(%dma_start3A_168 : memref<640x32xf32, #tpu.memory_space<vmem_shared>>) target(%dma_start3A_166 : memref<640x32xf32, #tpu.memory_space<hbm>>) target_semaphore(%run_scoped3A_163 : memref<!tpu.dma_semaphore, #tpu.memory_space<semaphore_mem>>)
      %dma_wait3A_169 = arith.constant 0 : i32
      %dma_wait3A_170 = tpu.memref_slice %arg5[%arg0, %mul3A_162, %dma_wait3A_169] : memref<2x10240x32xf32, #tpu.memory_space<hbm>> -> memref<1x640x32xf32, #tpu.memory_space<hbm>>
      %dma_wait3A_171 = tpu.memref_squeeze %dma_wait3A_170 : memref<1x640x32xf32, #tpu.memory_space<hbm>> -> memref<640x32xf32, #tpu.memory_space<hbm>>
      %dma_wait3A_172 = arith.constant 0 : i32
      %dma_wait3A_173 = tpu.memref_slice %arg6[%mul3A_160, %dma_wait3A_172] : memref<10240x32xf32, #tpu.memory_space<vmem_shared>> -> memref<640x32xf32, #tpu.memory_space<vmem_shared>>
      tpu.wait_dma2 semaphore(%run_scoped3A_163 : memref<!tpu.dma_semaphore, #tpu.memory_space<semaphore_mem>>) src(%dma_wait3A_173 : memref<640x32xf32, #tpu.memory_space<vmem_shared>>) dst(%dma_wait3A_171 : memref<640x32xf32, #tpu.memory_space<hbm>>)
      tpu.yield
    }) : () -> ()
    return
  }
}

module attributes {stable_mosaic.version = 14 : i64} {
  func.func @_tcr_body(%arg0: memref<2x320000xi32, #tpu.memory_space<vmem>>, %arg1: memref<2x2500x128xi32, #tpu.memory_space<vmem>>) attributes {dimension_semantics = [], scalar_prefetch = 0 : i64, scratch_operands = 0 : i64, tpu.core_type = #tpu.core_type<tc>} {
    %get3A = arith.constant 0 : index
    %get3A_0 = arith.constant 0 : index
    %get3A_1 = vector.load %arg0[%get3A, %get3A_0] : memref<2x320000xi32, #tpu.memory_space<vmem>>, vector<2x320000xi32>
    %slice3A = vector.extract_strided_slice %get3A_1 {offsets = [0, 0], sizes = [1, 320000], strides = [1, 1]} : vector<2x320000xi32> to vector<1x320000xi32>
    %squeeze3A = vector.shape_cast %slice3A : vector<1x320000xi32> to vector<320000xi32>
    %reshape3A = vector.shape_cast %squeeze3A : vector<320000xi32> to vector<2500x128xi32>
    %slice3A_2 = vector.extract_strided_slice %get3A_1 {offsets = [1, 0], sizes = [1, 320000], strides = [1, 1]} : vector<2x320000xi32> to vector<1x320000xi32>
    %squeeze3A_3 = vector.shape_cast %slice3A_2 : vector<1x320000xi32> to vector<320000xi32>
    %reshape3A_4 = vector.shape_cast %squeeze3A_3 : vector<320000xi32> to vector<2500x128xi32>
    %reshape3A_5 = vector.shape_cast %reshape3A : vector<2500x128xi32> to vector<1x2500x128xi32>
    %reshape3A_6 = vector.shape_cast %reshape3A_4 : vector<2500x128xi32> to vector<1x2500x128xi32>
    %concatenate3A = tpu.concatenate %reshape3A_5, %reshape3A_6 in 0 : vector<1x2500x128xi32>, vector<1x2500x128xi32> -> vector<2x2500x128xi32>
    %swap3A = arith.constant 0 : index
    %swap3A_7 = arith.constant 0 : index
    %swap3A_8 = arith.constant 0 : index
    %swap3A_9 = vector.load %arg1[%swap3A, %swap3A_7, %swap3A_8] : memref<2x2500x128xi32, #tpu.memory_space<vmem>>, vector<2x2500x128xi32>
    tpu.vector_store %arg1[%swap3A, %swap3A_7, %swap3A_8], %concatenate3A {strides = array<i32>} : memref<2x2500x128xi32, #tpu.memory_space<vmem>>, vector<2x2500x128xi32>,
    return
  }
}

module attributes {stable_mosaic.version = 14 : i64} {
  func.func @_tc1b_body(%arg0: memref<2500x128xf32, #tpu.memory_space<vmem>>, %arg1: memref<2x80x128xf32, #tpu.memory_space<vmem>>, %arg2: memref<2500x128xf32, #tpu.memory_space<vmem>>, %arg3: memref<2500x128xf32, #tpu.memory_space<vmem>>) attributes {dimension_semantics = [], scalar_prefetch = 0 : i64, scratch_operands = 0 : i64, tpu.core_type = #tpu.core_type<tc>} {
    %get3A = arith.constant 0 : index
    %get3A_0 = arith.constant 0 : index
    %get3A_1 = arith.constant 0 : index
    %get3A_2 = vector.load %arg1[%get3A, %get3A_0, %get3A_1] : memref<2x80x128xf32, #tpu.memory_space<vmem>>, vector<2x80x128xf32>
    %slice3A = vector.extract_strided_slice %get3A_2 {offsets = [0, 0, 0], sizes = [1, 80, 128], strides = [1, 1, 1]} : vector<2x80x128xf32> to vector<1x80x128xf32>
    %squeeze3A = vector.shape_cast %slice3A : vector<1x80x128xf32> to vector<80x128xf32>
    %slice3A_3 = vector.extract_strided_slice %get3A_2 {offsets = [1, 0, 0], sizes = [1, 80, 128], strides = [1, 1, 1]} : vector<2x80x128xf32> to vector<1x80x128xf32>
    %squeeze3A_4 = vector.shape_cast %slice3A_3 : vector<1x80x128xf32> to vector<80x128xf32>
    %add3A = arith.addf %squeeze3A, %squeeze3A_4 : vector<80x128xf32>
    %add3A_5 = arith.constant 1.000000e+00 : f32
    %add3A_6 = vector.broadcast %add3A_5 : f32 to vector<80x128xf32>
    %add3A_7 = arith.addf %add3A, %add3A_6 : vector<80x128xf32>
    %rsqrt3A = math.rsqrt %add3A_7 : vector<80x128xf32>
    %broadcast_in_dim3A = vector.shape_cast %rsqrt3A : vector<80x128xf32> to vector<80x1x128xf32>
    %broadcast_in_dim3A_8 = vector.shape_cast %broadcast_in_dim3A : vector<80x1x128xf32> to vector<80x1x128xf32>
    %broadcast_in_dim3A_9 = vector.broadcast %broadcast_in_dim3A_8 : vector<80x1x128xf32> to vector<80x128x128xf32>
    %reshape3A = vector.shape_cast %broadcast_in_dim3A_9 : vector<80x128x128xf32> to vector<10240x128xf32>
    %iota3A = tpu.iota {dimensions = array<i32: 1>} : vector<10240x128xi32>
    %iota3A_10 = tpu.iota {dimensions = array<i32: 0>} : vector<10240x128xi32>
    %jit3A = arith.constant 128 : i32
    %eq3A = arith.constant 0 : i32
    %eq3A_11 = arith.cmpi eq, %jit3A, %eq3A : i32
    %jit3A_12 = arith.constant 1 : i32
    %select_n3A = arith.select %eq3A_11, %jit3A_12, %jit3A : i32
    %rem3A = vector.broadcast %select_n3A : i32 to vector<10240x128xi32>
    %rem3A_13 = arith.remsi %iota3A_10, %rem3A : vector<10240x128xi32>
    %ne3A = arith.constant 0 : i32
    %ne3A_14 = vector.broadcast %ne3A : i32 to vector<10240x128xi32>
    %ne3A_15 = arith.cmpi ne, %rem3A_13, %ne3A_14 : vector<10240x128xi32>
    %lt3A = arith.constant 0 : i32
    %lt3A_16 = vector.broadcast %lt3A : i32 to vector<10240x128xi32>
    %lt3A_17 = arith.cmpi slt, %rem3A_13, %lt3A_16 : vector<10240x128xi32>
    %lt3A_18 = arith.constant 0 : i32
    %lt3A_19 = arith.cmpi slt, %select_n3A, %lt3A_18 : i32
    %ne3A_20 = vector.broadcast %lt3A_19 : i1 to vector<10240x128xi1>
    %ne3A_21 = vector.broadcast %ne3A_20 : vector<10240x128xi1> to vector<10240x128xi1>
    %ne3A_22 = arith.xori %lt3A_17, %ne3A_21 : vector<10240x128xi1>
    %and3A = arith.andi %ne3A_22, %ne3A_15 : vector<10240x128xi1>
    %add3A_23 = vector.broadcast %select_n3A : i32 to vector<10240x128xi32>
    %add3A_24 = arith.addi %rem3A_13, %add3A_23 : vector<10240x128xi32>
    %select_n3A_25 = arith.select %and3A, %add3A_24, %rem3A_13 : vector<10240x128xi1>, vector<10240x128xi32>
    %eq3A_26 = arith.cmpi eq, %iota3A, %select_n3A_25 : vector<10240x128xi32>
    %jit3A_27 = arith.constant 0.000000e+00 : f32
    %broadcast_in_dim3A_28 = vector.broadcast %jit3A_27 : f32 to vector<10240x128xf32>
    %select_n3A_29 = arith.select %eq3A_26, %reshape3A, %broadcast_in_dim3A_28 : vector<10240x128xi1>, vector<10240x128xf32>
    %reduce_sum3A = arith.constant dense<0.000000e+00> : vector<10240xf32>
    %reduce_sum3A_30 = vector.multi_reduction <add>, %select_n3A_29, %reduce_sum3A [1] : vector<10240x128xf32> to vector<10240xf32>
    %broadcast_in_dim3A_31 = vector.shape_cast %reduce_sum3A_30 : vector<10240xf32> to vector<10240x1xf32>
    %slice3A_32 = vector.extract_strided_slice %broadcast_in_dim3A_31 {offsets = [0, 0], sizes = [10000, 1], strides = [1, 1]} : vector<10240x1xf32> to vector<10000x1xf32>
    %broadcast_in_dim3A_33 = vector.shape_cast %slice3A_32 : vector<10000x1xf32> to vector<10000x1xf32>
    %broadcast_in_dim3A_34 = vector.broadcast %broadcast_in_dim3A_33 : vector<10000x1xf32> to vector<10000x32xf32>
    %concatenate3A = tpu.concatenate %broadcast_in_dim3A_34, %broadcast_in_dim3A_34, %broadcast_in_dim3A_34, %broadcast_in_dim3A_34 in 1 : vector<10000x32xf32>, vector<10000x32xf32>, vector<10000x32xf32>, vector<10000x32xf32> -> vector<10000x128xf32>
    %iota3A_35 = tpu.iota {dimensions = array<i32: 1>} : vector<10000x128xi32>
    %jit3A_36 = arith.constant 32 : i32
    %div3A = vector.broadcast %jit3A_36 : i32 to vector<10000x128xi32>
    %div3A_37 = arith.divsi %iota3A_35, %div3A : vector<10000x128xi32>
    %sign3A = arith.constant 0 : i32
    %sign3A_38 = vector.broadcast %sign3A : i32 to vector<10000x128xi32>
    %sign3A_39 = arith.cmpi sgt, %iota3A_35, %sign3A_38 : vector<10000x128xi32>
    %sign3A_40 = arith.extui %sign3A_39 : vector<10000x128xi1> to vector<10000x128xi32>
    %sign3A_41 = arith.constant 0 : i32
    %sign3A_42 = vector.broadcast %sign3A_41 : i32 to vector<10000x128xi32>
    %sign3A_43 = arith.cmpi slt, %iota3A_35, %sign3A_42 : vector<10000x128xi32>
    %sign3A_44 = arith.extui %sign3A_43 : vector<10000x128xi1> to vector<10000x128xi32>
    %sign3A_45 = arith.subi %sign3A_40, %sign3A_44 : vector<10000x128xi32>
    %sign3A_46 = arith.constant 0 : i32
    %sign3A_47 = arith.cmpi sgt, %jit3A_36, %sign3A_46 : i32
    %sign3A_48 = arith.extui %sign3A_47 : i1 to i32
    %sign3A_49 = arith.constant 0 : i32
    %sign3A_50 = arith.cmpi slt, %jit3A_36, %sign3A_49 : i32
    %sign3A_51 = arith.extui %sign3A_50 : i1 to i32
    %sign3A_52 = arith.subi %sign3A_48, %sign3A_51 : i32
    %ne3A_53 = vector.broadcast %sign3A_52 : i32 to vector<10000x128xi32>
    %ne3A_54 = arith.cmpi ne, %sign3A_45, %ne3A_53 : vector<10000x128xi32>
    %rem3A_55 = vector.broadcast %jit3A_36 : i32 to vector<10000x128xi32>
    %rem3A_56 = arith.remsi %iota3A_35, %rem3A_55 : vector<10000x128xi32>
    %ne3A_57 = arith.constant 0 : i32
    %ne3A_58 = vector.broadcast %ne3A_57 : i32 to vector<10000x128xi32>
    %ne3A_59 = arith.cmpi ne, %rem3A_56, %ne3A_58 : vector<10000x128xi32>
    %and3A_60 = arith.andi %ne3A_54, %ne3A_59 : vector<10000x128xi1>
    %sub3A = arith.constant 1 : i32
    %sub3A_61 = vector.broadcast %sub3A : i32 to vector<10000x128xi32>
    %sub3A_62 = arith.subi %div3A_37, %sub3A_61 : vector<10000x128xi32>
    %select_n3A_63 = arith.select %and3A_60, %sub3A_62, %div3A_37 : vector<10000x128xi1>, vector<10000x128xi32>
    %iota3A_64 = tpu.iota {dimensions = array<i32: 0>} : vector<10000x128xi32>
    %jit3A_65 = arith.constant 4 : i32
    %eq3A_66 = arith.constant 0 : i32
    %eq3A_67 = arith.cmpi eq, %jit3A_65, %eq3A_66 : i32
    %jit3A_68 = arith.constant 1 : i32
    %select_n3A_69 = arith.select %eq3A_67, %jit3A_68, %jit3A_65 : i32
    %rem3A_70 = vector.broadcast %select_n3A_69 : i32 to vector<10000x128xi32>
    %rem3A_71 = arith.remsi %iota3A_64, %rem3A_70 : vector<10000x128xi32>
    %ne3A_72 = arith.constant 0 : i32
    %ne3A_73 = vector.broadcast %ne3A_72 : i32 to vector<10000x128xi32>
    %ne3A_74 = arith.cmpi ne, %rem3A_71, %ne3A_73 : vector<10000x128xi32>
    %lt3A_75 = arith.constant 0 : i32
    %lt3A_76 = vector.broadcast %lt3A_75 : i32 to vector<10000x128xi32>
    %lt3A_77 = arith.cmpi slt, %rem3A_71, %lt3A_76 : vector<10000x128xi32>
    %lt3A_78 = arith.constant 0 : i32
    %lt3A_79 = arith.cmpi slt, %select_n3A_69, %lt3A_78 : i32
    %ne3A_80 = vector.broadcast %lt3A_79 : i1 to vector<10000x128xi1>
    %ne3A_81 = vector.broadcast %ne3A_80 : vector<10000x128xi1> to vector<10000x128xi1>
    %ne3A_82 = arith.xori %lt3A_77, %ne3A_81 : vector<10000x128xi1>
    %and3A_83 = arith.andi %ne3A_82, %ne3A_74 : vector<10000x128xi1>
    %add3A_84 = vector.broadcast %select_n3A_69 : i32 to vector<10000x128xi32>
    %add3A_85 = arith.addi %rem3A_71, %add3A_84 : vector<10000x128xi32>
    %select_n3A_86 = arith.select %and3A_83, %add3A_85, %rem3A_71 : vector<10000x128xi1>, vector<10000x128xi32>
    %eq3A_87 = arith.cmpi eq, %select_n3A_63, %select_n3A_86 : vector<10000x128xi32>
    %jit3A_88 = arith.constant 0.000000e+00 : f32
    %broadcast_in_dim3A_89 = vector.broadcast %jit3A_88 : f32 to vector<10000x128xf32>
    %select_n3A_90 = arith.select %eq3A_87, %concatenate3A, %broadcast_in_dim3A_89 : vector<10000x128xi1>, vector<10000x128xf32>
    %reshape3A_91 = vector.shape_cast %select_n3A_90 : vector<10000x128xf32> to vector<2500x4x128xf32>
    %reduce_sum3A_92 = arith.constant dense<0.000000e+00> : vector<2500x128xf32>
    %reduce_sum3A_93 = vector.multi_reduction <add>, %reshape3A_91, %reduce_sum3A_92 [1] : vector<2500x4x128xf32> to vector<2500x128xf32>
    %swap3A = arith.constant 0 : index
    %swap3A_94 = arith.constant 0 : index
    %swap3A_95 = vector.load %arg3[%swap3A, %swap3A_94] : memref<2500x128xf32, #tpu.memory_space<vmem>>, vector<2500x128xf32>
    tpu.vector_store %arg3[%swap3A, %swap3A_94], %reduce_sum3A_93 {strides = array<i32>} : memref<2500x128xf32, #tpu.memory_space<vmem>>, vector<2500x128xf32>,
    %get3A_96 = arith.constant 0 : index
    %get3A_97 = arith.constant 0 : index
    %get3A_98 = vector.load %arg0[%get3A_96, %get3A_97] : memref<2500x128xf32, #tpu.memory_space<vmem>>, vector<2500x128xf32>
    %mul3A = arith.mulf %get3A_98, %reduce_sum3A_93 : vector<2500x128xf32>
    %swap3A_99 = arith.constant 0 : index
    %swap3A_100 = arith.constant 0 : index
    %swap3A_101 = vector.load %arg2[%swap3A_99, %swap3A_100] : memref<2500x128xf32, #tpu.memory_space<vmem>>, vector<2500x128xf32>
    tpu.vector_store %arg2[%swap3A_99, %swap3A_100], %mul3A {strides = array<i32>} : memref<2500x128xf32, #tpu.memory_space<vmem>>, vector<2500x128xf32>,
    return
  }
}

module attributes {stable_mosaic.version = 14 : i64} {
  func.func @_tc1a_body(%arg0: memref<10000x128xf32, #tpu.memory_space<vmem>>, %arg1: memref<128x32xf32, #tpu.memory_space<vmem>>, %arg2: memref<2500x128xf32, #tpu.memory_space<vmem>>) attributes {dimension_semantics = [], scalar_prefetch = 0 : i64, scratch_operands = 0 : i64, tpu.core_type = #tpu.core_type<tc>} {
    %get3A = arith.constant 0 : index
    %get3A_0 = arith.constant 0 : index
    %get3A_1 = vector.load %arg0[%get3A, %get3A_0] : memref<10000x128xf32, #tpu.memory_space<vmem>>, vector<10000x128xf32>
    %get3A_2 = arith.constant 0 : index
    %get3A_3 = arith.constant 0 : index
    %get3A_4 = vector.load %arg1[%get3A_2, %get3A_3] : memref<128x32xf32, #tpu.memory_space<vmem>>, vector<128x32xf32>
    %dot_general3A = arith.constant dense<0.000000e+00> : vector<10000x32xf32>
    %dot_general3A_5 = tpu.matmul %get3A_1, %get3A_4, %dot_general3A {dimension_numbers = #tpu.dot_dimension_numbers<[1], [0], [0], [1], [0, 0, 1, 1], [], []>, transpose_lhs_hint = false} : vector<10000x128xf32>, vector<128x32xf32>, vector<10000x32xf32> -> vector<10000x32xf32>
    %concatenate3A = tpu.concatenate %dot_general3A_5, %dot_general3A_5, %dot_general3A_5, %dot_general3A_5 in 1 : vector<10000x32xf32>, vector<10000x32xf32>, vector<10000x32xf32>, vector<10000x32xf32> -> vector<10000x128xf32>
    %iota3A = tpu.iota {dimensions = array<i32: 1>} : vector<10000x128xi32>
    %jit3A = arith.constant 32 : i32
    %div3A = vector.broadcast %jit3A : i32 to vector<10000x128xi32>
    %div3A_6 = arith.divsi %iota3A, %div3A : vector<10000x128xi32>
    %sign3A = arith.constant 0 : i32
    %sign3A_7 = vector.broadcast %sign3A : i32 to vector<10000x128xi32>
    %sign3A_8 = arith.cmpi sgt, %iota3A, %sign3A_7 : vector<10000x128xi32>
    %sign3A_9 = arith.extui %sign3A_8 : vector<10000x128xi1> to vector<10000x128xi32>
    %sign3A_10 = arith.constant 0 : i32
    %sign3A_11 = vector.broadcast %sign3A_10 : i32 to vector<10000x128xi32>
    %sign3A_12 = arith.cmpi slt, %iota3A, %sign3A_11 : vector<10000x128xi32>
    %sign3A_13 = arith.extui %sign3A_12 : vector<10000x128xi1> to vector<10000x128xi32>
    %sign3A_14 = arith.subi %sign3A_9, %sign3A_13 : vector<10000x128xi32>
    %sign3A_15 = arith.constant 0 : i32
    %sign3A_16 = arith.cmpi sgt, %jit3A, %sign3A_15 : i32
    %sign3A_17 = arith.extui %sign3A_16 : i1 to i32
    %sign3A_18 = arith.constant 0 : i32
    %sign3A_19 = arith.cmpi slt, %jit3A, %sign3A_18 : i32
    %sign3A_20 = arith.extui %sign3A_19 : i1 to i32
    %sign3A_21 = arith.subi %sign3A_17, %sign3A_20 : i32
    %ne3A = vector.broadcast %sign3A_21 : i32 to vector<10000x128xi32>
    %ne3A_22 = arith.cmpi ne, %sign3A_14, %ne3A : vector<10000x128xi32>
    %rem3A = vector.broadcast %jit3A : i32 to vector<10000x128xi32>
    %rem3A_23 = arith.remsi %iota3A, %rem3A : vector<10000x128xi32>
    %ne3A_24 = arith.constant 0 : i32
    %ne3A_25 = vector.broadcast %ne3A_24 : i32 to vector<10000x128xi32>
    %ne3A_26 = arith.cmpi ne, %rem3A_23, %ne3A_25 : vector<10000x128xi32>
    %and3A = arith.andi %ne3A_22, %ne3A_26 : vector<10000x128xi1>
    %sub3A = arith.constant 1 : i32
    %sub3A_27 = vector.broadcast %sub3A : i32 to vector<10000x128xi32>
    %sub3A_28 = arith.subi %div3A_6, %sub3A_27 : vector<10000x128xi32>
    %select_n3A = arith.select %and3A, %sub3A_28, %div3A_6 : vector<10000x128xi1>, vector<10000x128xi32>
    %iota3A_29 = tpu.iota {dimensions = array<i32: 0>} : vector<10000x128xi32>
    %jit3A_30 = arith.constant 4 : i32
    %eq3A = arith.constant 0 : i32
    %eq3A_31 = arith.cmpi eq, %jit3A_30, %eq3A : i32
    %jit3A_32 = arith.constant 1 : i32
    %select_n3A_33 = arith.select %eq3A_31, %jit3A_32, %jit3A_30 : i32
    %rem3A_34 = vector.broadcast %select_n3A_33 : i32 to vector<10000x128xi32>
    %rem3A_35 = arith.remsi %iota3A_29, %rem3A_34 : vector<10000x128xi32>
    %ne3A_36 = arith.constant 0 : i32
    %ne3A_37 = vector.broadcast %ne3A_36 : i32 to vector<10000x128xi32>
    %ne3A_38 = arith.cmpi ne, %rem3A_35, %ne3A_37 : vector<10000x128xi32>
    %lt3A = arith.constant 0 : i32
    %lt3A_39 = vector.broadcast %lt3A : i32 to vector<10000x128xi32>
    %lt3A_40 = arith.cmpi slt, %rem3A_35, %lt3A_39 : vector<10000x128xi32>
    %lt3A_41 = arith.constant 0 : i32
    %lt3A_42 = arith.cmpi slt, %select_n3A_33, %lt3A_41 : i32
    %ne3A_43 = vector.broadcast %lt3A_42 : i1 to vector<10000x128xi1>
    %ne3A_44 = vector.broadcast %ne3A_43 : vector<10000x128xi1> to vector<10000x128xi1>
    %ne3A_45 = arith.xori %lt3A_40, %ne3A_44 : vector<10000x128xi1>
    %and3A_46 = arith.andi %ne3A_45, %ne3A_38 : vector<10000x128xi1>
    %add3A = vector.broadcast %select_n3A_33 : i32 to vector<10000x128xi32>
    %add3A_47 = arith.addi %rem3A_35, %add3A : vector<10000x128xi32>
    %select_n3A_48 = arith.select %and3A_46, %add3A_47, %rem3A_35 : vector<10000x128xi1>, vector<10000x128xi32>
    %eq3A_49 = arith.cmpi eq, %select_n3A, %select_n3A_48 : vector<10000x128xi32>
    %jit3A_50 = arith.constant 0.000000e+00 : f32
    %broadcast_in_dim3A = vector.broadcast %jit3A_50 : f32 to vector<10000x128xf32>
    %select_n3A_51 = arith.select %eq3A_49, %concatenate3A, %broadcast_in_dim3A : vector<10000x128xi1>, vector<10000x128xf32>
    %reshape3A = vector.shape_cast %select_n3A_51 : vector<10000x128xf32> to vector<2500x4x128xf32>
    %reduce_sum3A = arith.constant dense<0.000000e+00> : vector<2500x128xf32>
    %reduce_sum3A_52 = vector.multi_reduction <add>, %reshape3A, %reduce_sum3A [1] : vector<2500x4x128xf32> to vector<2500x128xf32>
    %swap3A = arith.constant 0 : index
    %swap3A_53 = arith.constant 0 : index
    %swap3A_54 = vector.load %arg2[%swap3A, %swap3A_53] : memref<2500x128xf32, #tpu.memory_space<vmem>>, vector<2500x128xf32>
    tpu.vector_store %arg2[%swap3A, %swap3A_53], %reduce_sum3A_52 {strides = array<i32>} : memref<2500x128xf32, #tpu.memory_space<vmem>>, vector<2500x128xf32>,
    return
  }
}

module attributes {stable_mosaic.version = 14 : i64} {
  func.func @_tc2_body(%arg0: memref<2x2560x128xf32, #tpu.memory_space<vmem>>, %arg1: memref<2500x128xf32, #tpu.memory_space<vmem>>, %arg2: memref<2500x128xf32, #tpu.memory_space<vmem>>, %arg3: memref<1x32xf32, #tpu.memory_space<vmem>>, %arg4: memref<32x32xf32, #tpu.memory_space<vmem>>, %arg5: memref<2500x128xf32, #tpu.memory_space<vmem>>) attributes {dimension_semantics = [], scalar_prefetch = 0 : i64, scratch_operands = 0 : i64, tpu.core_type = #tpu.core_type<tc>} {
    %get3A = arith.constant 0 : index
    %get3A_0 = arith.constant 0 : index
    %get3A_1 = arith.constant 0 : index
    %get3A_2 = vector.load %arg0[%get3A, %get3A_0, %get3A_1] : memref<2x2560x128xf32, #tpu.memory_space<vmem>>, vector<2x2560x128xf32>
    %get3A_3 = arith.constant 0 : index
    %get3A_4 = arith.constant 0 : index
    %get3A_5 = vector.load %arg2[%get3A_3, %get3A_4] : memref<2500x128xf32, #tpu.memory_space<vmem>>, vector<2500x128xf32>
    %slice3A = vector.extract_strided_slice %get3A_2 {offsets = [0, 0, 0], sizes = [1, 2500, 128], strides = [1, 1, 1]} : vector<2x2560x128xf32> to vector<1x2500x128xf32>
    %squeeze3A = vector.shape_cast %slice3A : vector<1x2500x128xf32> to vector<2500x128xf32>
    %slice3A_6 = vector.extract_strided_slice %get3A_2 {offsets = [1, 0, 0], sizes = [1, 2500, 128], strides = [1, 1, 1]} : vector<2x2560x128xf32> to vector<1x2500x128xf32>
    %squeeze3A_7 = vector.shape_cast %slice3A_6 : vector<1x2500x128xf32> to vector<2500x128xf32>
    %add3A = arith.addf %squeeze3A, %squeeze3A_7 : vector<2500x128xf32>
    %get3A_8 = arith.constant 0 : index
    %get3A_9 = arith.constant 0 : index
    %get3A_10 = vector.load %arg1[%get3A_8, %get3A_9] : memref<2500x128xf32, #tpu.memory_space<vmem>>, vector<2500x128xf32>
    %add3A_11 = arith.addf %add3A, %get3A_10 : vector<2500x128xf32>
    %mul3A = arith.mulf %add3A_11, %get3A_5 : vector<2500x128xf32>
    %get3A_12 = arith.constant 0 : index
    %get3A_13 = arith.constant 0 : index
    %get3A_14 = vector.load %arg3[%get3A_12, %get3A_13] : memref<1x32xf32, #tpu.memory_space<vmem>>, vector<1x32xf32>
    %concatenate3A = tpu.concatenate %get3A_14, %get3A_14, %get3A_14, %get3A_14 in 1 : vector<1x32xf32>, vector<1x32xf32>, vector<1x32xf32>, vector<1x32xf32> -> vector<1x128xf32>
    %add3A_15 = vector.broadcast %concatenate3A : vector<1x128xf32> to vector<2500x128xf32>
    %add3A_16 = arith.addf %mul3A, %add3A_15 : vector<2500x128xf32>
    %max3A = arith.constant 0.000000e+00 : f32
    %max3A_17 = vector.broadcast %max3A : f32 to vector<2500x128xf32>
    %max3A_18 = arith.maximumf %add3A_16, %max3A_17 : vector<2500x128xf32>
    %get3A_19 = arith.constant 0 : index
    %get3A_20 = arith.constant 0 : index
    %get3A_21 = vector.load %arg4[%get3A_19, %get3A_20] : memref<32x32xf32, #tpu.memory_space<vmem>>, vector<32x32xf32>
    %broadcast_in_dim3A = arith.constant 0.000000e+00 : f32
    %broadcast_in_dim3A_22 = vector.broadcast %broadcast_in_dim3A : f32 to vector<32x32xf32>
    %concatenate3A_23 = tpu.concatenate %get3A_21, %broadcast_in_dim3A_22, %broadcast_in_dim3A_22, %broadcast_in_dim3A_22 in 1 : vector<32x32xf32>, vector<32x32xf32>, vector<32x32xf32>, vector<32x32xf32> -> vector<32x128xf32>
    %concatenate3A_24 = tpu.concatenate %broadcast_in_dim3A_22, %get3A_21, %broadcast_in_dim3A_22, %broadcast_in_dim3A_22 in 1 : vector<32x32xf32>, vector<32x32xf32>, vector<32x32xf32>, vector<32x32xf32> -> vector<32x128xf32>
    %concatenate3A_25 = tpu.concatenate %broadcast_in_dim3A_22, %broadcast_in_dim3A_22, %get3A_21, %broadcast_in_dim3A_22 in 1 : vector<32x32xf32>, vector<32x32xf32>, vector<32x32xf32>, vector<32x32xf32> -> vector<32x128xf32>
    %concatenate3A_26 = tpu.concatenate %broadcast_in_dim3A_22, %broadcast_in_dim3A_22, %broadcast_in_dim3A_22, %get3A_21 in 1 : vector<32x32xf32>, vector<32x32xf32>, vector<32x32xf32>, vector<32x32xf32> -> vector<32x128xf32>
    %concatenate3A_27 = tpu.concatenate %concatenate3A_23, %concatenate3A_24, %concatenate3A_25, %concatenate3A_26 in 0 : vector<32x128xf32>, vector<32x128xf32>, vector<32x128xf32>, vector<32x128xf32> -> vector<128x128xf32>
    %dot_general3A = arith.constant dense<0.000000e+00> : vector<2500x128xf32>
    %dot_general3A_28 = tpu.matmul %max3A_18, %concatenate3A_27, %dot_general3A {dimension_numbers = #tpu.dot_dimension_numbers<[1], [0], [0], [1], [0, 0, 1, 1], [], []>, transpose_lhs_hint = false} : vector<2500x128xf32>, vector<128x128xf32>, vector<2500x128xf32> -> vector<2500x128xf32>
    %mul3A_29 = arith.mulf %dot_general3A_28, %get3A_5 : vector<2500x128xf32>
    %swap3A = arith.constant 0 : index
    %swap3A_30 = arith.constant 0 : index
    %swap3A_31 = vector.load %arg5[%swap3A, %swap3A_30] : memref<2500x128xf32, #tpu.memory_space<vmem>>, vector<2500x128xf32>
    tpu.vector_store %arg5[%swap3A, %swap3A_30], %mul3A_29 {strides = array<i32>} : memref<2500x128xf32, #tpu.memory_space<vmem>>, vector<2500x128xf32>,
    return
  }
}

module attributes {stable_mosaic.version = 14 : i64} {
  func.func @_tc3_body(%arg0: memref<2x2560x128xf32, #tpu.memory_space<vmem>>, %arg1: memref<2500x128xf32, #tpu.memory_space<vmem>>, %arg2: memref<2500x128xf32, #tpu.memory_space<vmem>>, %arg3: memref<1x32xf32, #tpu.memory_space<vmem>>, %arg4: memref<1x10000xi32, #tpu.memory_space<vmem>>, %arg5: memref<32x2xf32, #tpu.memory_space<vmem>>, %arg6: memref<1x2xf32, #tpu.memory_space<vmem>>, %arg7: memref<64x2xf32, #tpu.memory_space<vmem>>) attributes {dimension_semantics = [], scalar_prefetch = 0 : i64, scratch_operands = 0 : i64, tpu.core_type = #tpu.core_type<tc>} {
    %get3A = arith.constant 0 : index
    %get3A_0 = arith.constant 0 : index
    %get3A_1 = arith.constant 0 : index
    %get3A_2 = vector.load %arg0[%get3A, %get3A_0, %get3A_1] : memref<2x2560x128xf32, #tpu.memory_space<vmem>>, vector<2x2560x128xf32>
    %slice3A = vector.extract_strided_slice %get3A_2 {offsets = [0, 0, 0], sizes = [1, 2500, 128], strides = [1, 1, 1]} : vector<2x2560x128xf32> to vector<1x2500x128xf32>
    %squeeze3A = vector.shape_cast %slice3A : vector<1x2500x128xf32> to vector<2500x128xf32>
    %slice3A_3 = vector.extract_strided_slice %get3A_2 {offsets = [1, 0, 0], sizes = [1, 2500, 128], strides = [1, 1, 1]} : vector<2x2560x128xf32> to vector<1x2500x128xf32>
    %squeeze3A_4 = vector.shape_cast %slice3A_3 : vector<1x2500x128xf32> to vector<2500x128xf32>
    %add3A = arith.addf %squeeze3A, %squeeze3A_4 : vector<2500x128xf32>
    %get3A_5 = arith.constant 0 : index
    %get3A_6 = arith.constant 0 : index
    %get3A_7 = vector.load %arg1[%get3A_5, %get3A_6] : memref<2500x128xf32, #tpu.memory_space<vmem>>, vector<2500x128xf32>
    %add3A_8 = arith.addf %add3A, %get3A_7 : vector<2500x128xf32>
    %get3A_9 = arith.constant 0 : index
    %get3A_10 = arith.constant 0 : index
    %get3A_11 = vector.load %arg2[%get3A_9, %get3A_10] : memref<2500x128xf32, #tpu.memory_space<vmem>>, vector<2500x128xf32>
    %mul3A = arith.mulf %add3A_8, %get3A_11 : vector<2500x128xf32>
    %get3A_12 = arith.constant 0 : index
    %get3A_13 = arith.constant 0 : index
    %get3A_14 = vector.load %arg3[%get3A_12, %get3A_13] : memref<1x32xf32, #tpu.memory_space<vmem>>, vector<1x32xf32>
    %concatenate3A = tpu.concatenate %get3A_14, %get3A_14, %get3A_14, %get3A_14 in 1 : vector<1x32xf32>, vector<1x32xf32>, vector<1x32xf32>, vector<1x32xf32> -> vector<1x128xf32>
    %add3A_15 = vector.broadcast %concatenate3A : vector<1x128xf32> to vector<2500x128xf32>
    %add3A_16 = arith.addf %mul3A, %add3A_15 : vector<2500x128xf32>
    %max3A = arith.constant 0.000000e+00 : f32
    %max3A_17 = vector.broadcast %max3A : f32 to vector<2500x128xf32>
    %max3A_18 = arith.maximumf %add3A_16, %max3A_17 : vector<2500x128xf32>
    %broadcast_in_dim3A = vector.shape_cast %max3A_18 : vector<2500x128xf32> to vector<2500x1x128xf32>
    %broadcast_in_dim3A_19 = vector.shape_cast %broadcast_in_dim3A : vector<2500x1x128xf32> to vector<2500x1x128xf32>
    %broadcast_in_dim3A_20 = vector.broadcast %broadcast_in_dim3A_19 : vector<2500x1x128xf32> to vector<2500x4x128xf32>
    %reshape3A = vector.shape_cast %broadcast_in_dim3A_20 : vector<2500x4x128xf32> to vector<10000x128xf32>
    %iota3A = tpu.iota {dimensions = array<i32: 0>} : vector<10000x1xi32>
    %jit3A = arith.constant 4 : i32
    %eq3A = arith.constant 0 : i32
    %eq3A_21 = arith.cmpi eq, %jit3A, %eq3A : i32
    %jit3A_22 = arith.constant 1 : i32
    %select_n3A = arith.select %eq3A_21, %jit3A_22, %jit3A : i32
    %rem3A = vector.broadcast %select_n3A : i32 to vector<10000x1xi32>
    %rem3A_23 = arith.remsi %iota3A, %rem3A : vector<10000x1xi32>
    %ne3A = arith.constant 0 : i32
    %ne3A_24 = vector.broadcast %ne3A : i32 to vector<10000x1xi32>
    %ne3A_25 = arith.cmpi ne, %rem3A_23, %ne3A_24 : vector<10000x1xi32>
    %lt3A = arith.constant 0 : i32
    %lt3A_26 = vector.broadcast %lt3A : i32 to vector<10000x1xi32>
    %lt3A_27 = arith.cmpi slt, %rem3A_23, %lt3A_26 : vector<10000x1xi32>
    %lt3A_28 = arith.constant 0 : i32
    %lt3A_29 = arith.cmpi slt, %select_n3A, %lt3A_28 : i32
    %ne3A_30 = vector.broadcast %lt3A_29 : i1 to vector<10000x1xi1>
    %ne3A_31 = vector.broadcast %ne3A_30 : vector<10000x1xi1> to vector<10000x1xi1>
    %ne3A_32 = arith.xori %lt3A_27, %ne3A_31 : vector<10000x1xi1>
    %and3A = arith.andi %ne3A_32, %ne3A_25 : vector<10000x1xi1>
    %add3A_33 = vector.broadcast %select_n3A : i32 to vector<10000x1xi32>
    %add3A_34 = arith.addi %rem3A_23, %add3A_33 : vector<10000x1xi32>
    %select_n3A_35 = arith.select %and3A, %add3A_34, %rem3A_23 : vector<10000x1xi1>, vector<10000x1xi32>
    %eq3A_36 = arith.constant 0 : i32
    %eq3A_37 = vector.broadcast %eq3A_36 : i32 to vector<10000x1xi32>
    %eq3A_38 = arith.cmpi eq, %select_n3A_35, %eq3A_37 : vector<10000x1xi32>
    %jit3A_39 = arith.constant 1.000000e+00 : f32
    %jit3A_40 = arith.constant 0.000000e+00 : f32
    %broadcast_in_dim3A_41 = vector.broadcast %jit3A_39 : f32 to vector<10000x1xf32>
    %broadcast_in_dim3A_42 = vector.broadcast %jit3A_40 : f32 to vector<10000x1xf32>
    %select_n3A_43 = arith.select %eq3A_38, %broadcast_in_dim3A_41, %broadcast_in_dim3A_42 : vector<10000x1xi1>, vector<10000x1xf32>
    %slice3A_44 = vector.extract_strided_slice %reshape3A {offsets = [0, 0], sizes = [10000, 32], strides = [1, 1]} : vector<10000x128xf32> to vector<10000x32xf32>
    %mul3A_45 = vector.broadcast %select_n3A_43 : vector<10000x1xf32> to vector<10000x32xf32>
    %mul3A_46 = arith.mulf %mul3A_45, %slice3A_44 : vector<10000x32xf32>
    %eq3A_47 = arith.constant 1 : i32
    %eq3A_48 = vector.broadcast %eq3A_47 : i32 to vector<10000x1xi32>
    %eq3A_49 = arith.cmpi eq, %select_n3A_35, %eq3A_48 : vector<10000x1xi32>
    %jit3A_50 = arith.constant 1.000000e+00 : f32
    %jit3A_51 = arith.constant 0.000000e+00 : f32
    %broadcast_in_dim3A_52 = vector.broadcast %jit3A_50 : f32 to vector<10000x1xf32>
    %broadcast_in_dim3A_53 = vector.broadcast %jit3A_51 : f32 to vector<10000x1xf32>
    %select_n3A_54 = arith.select %eq3A_49, %broadcast_in_dim3A_52, %broadcast_in_dim3A_53 : vector<10000x1xi1>, vector<10000x1xf32>
    %slice3A_55 = vector.extract_strided_slice %reshape3A {offsets = [0, 32], sizes = [10000, 32], strides = [1, 1]} : vector<10000x128xf32> to vector<10000x32xf32>
    %mul3A_56 = vector.broadcast %select_n3A_54 : vector<10000x1xf32> to vector<10000x32xf32>
    %mul3A_57 = arith.mulf %mul3A_56, %slice3A_55 : vector<10000x32xf32>
    %add3A_58 = arith.addf %mul3A_46, %mul3A_57 : vector<10000x32xf32>
    %eq3A_59 = arith.constant 2 : i32
    %eq3A_60 = vector.broadcast %eq3A_59 : i32 to vector<10000x1xi32>
    %eq3A_61 = arith.cmpi eq, %select_n3A_35, %eq3A_60 : vector<10000x1xi32>
    %jit3A_62 = arith.constant 1.000000e+00 : f32
    %jit3A_63 = arith.constant 0.000000e+00 : f32
    %broadcast_in_dim3A_64 = vector.broadcast %jit3A_62 : f32 to vector<10000x1xf32>
    %broadcast_in_dim3A_65 = vector.broadcast %jit3A_63 : f32 to vector<10000x1xf32>
    %select_n3A_66 = arith.select %eq3A_61, %broadcast_in_dim3A_64, %broadcast_in_dim3A_65 : vector<10000x1xi1>, vector<10000x1xf32>
    %slice3A_67 = vector.extract_strided_slice %reshape3A {offsets = [0, 64], sizes = [10000, 32], strides = [1, 1]} : vector<10000x128xf32> to vector<10000x32xf32>
    %mul3A_68 = vector.broadcast %select_n3A_66 : vector<10000x1xf32> to vector<10000x32xf32>
    %mul3A_69 = arith.mulf %mul3A_68, %slice3A_67 : vector<10000x32xf32>
    %add3A_70 = arith.addf %add3A_58, %mul3A_69 : vector<10000x32xf32>
    %eq3A_71 = arith.constant 3 : i32
    %eq3A_72 = vector.broadcast %eq3A_71 : i32 to vector<10000x1xi32>
    %eq3A_73 = arith.cmpi eq, %select_n3A_35, %eq3A_72 : vector<10000x1xi32>
    %jit3A_74 = arith.constant 1.000000e+00 : f32
    %jit3A_75 = arith.constant 0.000000e+00 : f32
    %broadcast_in_dim3A_76 = vector.broadcast %jit3A_74 : f32 to vector<10000x1xf32>
    %broadcast_in_dim3A_77 = vector.broadcast %jit3A_75 : f32 to vector<10000x1xf32>
    %select_n3A_78 = arith.select %eq3A_73, %broadcast_in_dim3A_76, %broadcast_in_dim3A_77 : vector<10000x1xi1>, vector<10000x1xf32>
    %slice3A_79 = vector.extract_strided_slice %reshape3A {offsets = [0, 96], sizes = [10000, 32], strides = [1, 1]} : vector<10000x128xf32> to vector<10000x32xf32>
    %mul3A_80 = vector.broadcast %select_n3A_78 : vector<10000x1xf32> to vector<10000x32xf32>
    %mul3A_81 = arith.mulf %mul3A_80, %slice3A_79 : vector<10000x32xf32>
    %add3A_82 = arith.addf %add3A_70, %mul3A_81 : vector<10000x32xf32>
    %get3A_83 = arith.constant 0 : index
    %get3A_84 = arith.constant 0 : index
    %get3A_85 = vector.load %arg4[%get3A_83, %get3A_84] : memref<1x10000xi32, #tpu.memory_space<vmem>>, vector<1x10000xi32>
    %iota3A_86 = tpu.iota {dimensions = array<i32: 0>} : vector<64x10000xi32>
    %eq3A_87 = vector.broadcast %get3A_85 : vector<1x10000xi32> to vector<64x10000xi32>
    %eq3A_88 = arith.cmpi eq, %iota3A_86, %eq3A_87 : vector<64x10000xi32>
    %convert_element_type3A = arith.extui %eq3A_88 : vector<64x10000xi1> to vector<64x10000xi32>
    %convert_element_type3A_89 = arith.sitofp %convert_element_type3A : vector<64x10000xi32> to vector<64x10000xf32>
    %dot_general3A = arith.constant dense<0.000000e+00> : vector<64x32xf32>
    %dot_general3A_90 = tpu.matmul %convert_element_type3A_89, %add3A_82, %dot_general3A {dimension_numbers = #tpu.dot_dimension_numbers<[1], [0], [0], [1], [0, 0, 1, 1], [], []>, transpose_lhs_hint = false} : vector<64x10000xf32>, vector<10000x32xf32>, vector<64x32xf32> -> vector<64x32xf32>
    %reduce_sum3A = arith.constant dense<0.000000e+00> : vector<64xf32>
    %reduce_sum3A_91 = vector.multi_reduction <add>, %convert_element_type3A_89, %reduce_sum3A [1] : vector<64x10000xf32> to vector<64xf32>
    %broadcast_in_dim3A_92 = vector.shape_cast %reduce_sum3A_91 : vector<64xf32> to vector<64x1xf32>
    %max3A_93 = arith.constant 1.000000e+00 : f32
    %max3A_94 = vector.broadcast %max3A_93 : f32 to vector<64x1xf32>
    %max3A_95 = arith.maximumf %broadcast_in_dim3A_92, %max3A_94 : vector<64x1xf32>
    %div3A = vector.broadcast %max3A_95 : vector<64x1xf32> to vector<64x32xf32>
    %div3A_96 = arith.divf %dot_general3A_90, %div3A : vector<64x32xf32>
    %get3A_97 = arith.constant 0 : index
    %get3A_98 = arith.constant 0 : index
    %get3A_99 = vector.load %arg5[%get3A_97, %get3A_98] : memref<32x2xf32, #tpu.memory_space<vmem>>, vector<32x2xf32>
    %dot_general3A_100 = arith.constant dense<0.000000e+00> : vector<64x2xf32>
    %dot_general3A_101 = tpu.matmul %div3A_96, %get3A_99, %dot_general3A_100 {dimension_numbers = #tpu.dot_dimension_numbers<[1], [0], [0], [1], [0, 0, 1, 1], [], []>, transpose_lhs_hint = false} : vector<64x32xf32>, vector<32x2xf32>, vector<64x2xf32> -> vector<64x2xf32>
    %get3A_102 = arith.constant 0 : index
    %get3A_103 = arith.constant 0 : index
    %get3A_104 = vector.load %arg6[%get3A_102, %get3A_103] : memref<1x2xf32, #tpu.memory_space<vmem>>, vector<1x2xf32>
    %add3A_105 = vector.broadcast %get3A_104 : vector<1x2xf32> to vector<64x2xf32>
    %add3A_106 = arith.addf %dot_general3A_101, %add3A_105 : vector<64x2xf32>
    %swap3A = arith.constant 0 : index
    %swap3A_107 = arith.constant 0 : index
    %swap3A_108 = vector.load %arg7[%swap3A, %swap3A_107] : memref<64x2xf32, #tpu.memory_space<vmem>>, vector<64x2xf32>
    tpu.vector_store %arg7[%swap3A, %swap3A_107], %add3A_106 {strides = array<i32>} : memref<64x2xf32, #tpu.memory_space<vmem>>, vector<64x2xf32>,
    return
  }
}

</mosaic_0001>

<sc_bundles>
// kernel: kernel.10.cloned.1.call-start
scs
__scs_entry_jumppad:
0x0: {  	(pc) =	sbr.rel $0x88, $3  }
0x1: {  	(tag) =	ssettag $0x0;
	lr =	simm.s32 $0x1  }
0x2: {  	[smem:$0x3F98] =	sst lr;
	_ =	strace $0xD0000000  }
0x3: {  	_ = 	snop  }
0x4: {  	_ = 	snop  }
0x5: {  	_ = 	snop  }
0x6: {  	_ = 	snop  }
0x7: {  	_ = 	snop  }
__scs_overlays_trampoline_lowered:
0x8: {  	[smem:$0x3FA7] =	sst s0  }
0x9: {  	[smem:$0x3FA8] =	sst s1  }
0xa: {  	[smem:$0x3FA9] =	sst s2  }
0xb: {  	[smem:$0x3FAA] =	sst s3  }
0xc: {  	[smem:$0x3FAB] =	sst s4  }
0xd: {  	[smem:$0x3FAC] =	sst s5  }
0xe: {  	[smem:$0x3FAD] =	sst s6  }
0xf: {  	[smem:$0x3FAE] =	sst s7  }
0x10: {  	[smem:$0x3FAF] =	sst s8  }
0x11: {  	[smem:$0x3FB0] =	sst s9;
	s0 =	simm.s32 @!p0 $0x0  }
0x12: {  	s1 =	sld [smem:$0x3F96];
	s0 =	simm.s32 @p0 $0x1  }
0x13: {  	[smem:$0x3FB1] =	sst s0;
	s0 =	simm.s32 @!p1 $0x0  }
0x14: {  	s2 =	sld [smem:$0x3F95];
	s0 =	simm.s32 @p1 $0x1  }
0x15: {  	[smem:$0x3FB2] =	sst s0;
	s0 =	simm.s32 @!p2 $0x0  }
0x16: {  	s3 =	sld [smem:$0x3FDB];
	s0 =	simm.s32 @p2 $0x1  }
0x17: {  	s4 =	simm.s32 $0x1BF5;
	[smem:$0x3FB4] =	sst s0  }
0x18: {  	s0 =	sld [smem:$0x3F97];
	_ =	swait.ge [sflag:s4], $0x0  }
0x19: {  	s7 =	sld [smem:$0x3F98]  }
0x1a: {  	s8 =	sadd.s32 $0xFFFFE003, lr  }
0x1b: {  	s9 =	sadd.s32 $0xFFFFFEF7, lr;
	s5 =	simm.s32 $0xFFFFFFFF;
	p2 =	slt.u32 s8, $0xFFFFF086  }
0x1c: {  	p1 =	slt.u32 s9, $0xF7A;
	s5 =	simm.s32 @!p2 $0x0  }
0x1d: {  	s5 =	simm.s32 @p1 $0x1;
	p0 =	seq.s32 s7, s2  }
0x1e: {  	s7 =	smul.u32 @!p0 $0xF7A, s2;
	p2 =	seq.s32 @!p0 s5, $0x0  }
0x1f: {  	s9 =	smul.u32 $0xF7A, s1;
	s8 =	simm.s32 @!p0 $0x1BF5;
	p2 =	por !p2, p0  }
0x20: {  	[sflag:s8] =	ssyncset.s32 @!p0 $0xFFFFF086;
	s6 =	sadd.s32 @!p0 s3, s7;
	s7 =	simm.s32 @!p0 $0x108  }
0x21: {  	s3 =	sadd.s32 s3, s9;
	s6 =	sadd.s32 @!p0 $0x88, s6;
	s7 =	simm.s32 @p2 $0x1082  }
0x22: {  	[simem:s7], [sflag:s8] =	dma.local @!p0 [hbm:s6], $0xF7A  }
0x23: {  	s9 =	sor.u32 $0xD0000000, s2;
	s6 =	simm.s32 $0x108;
	_ =	swait.ge @!p0 [sflag:s8], $0x0  }
0x24: {  	s3 =	sadd.s32 $0x88, s3;
	s6 =	simm.s32 @!p1 $0x1082;
	[sflag:s4] =	ssyncset.s32 $0xFFFFF086  }
0x25: {  	[simem:s6], [sflag:s4] =	dma.local [hbm:s3], $0xF7A  }
0x26: {  	[smem:$0x3F98] =	sst s1;
	(tag) =	ssettag s2;
	_ =	strace s9  }
0x27: {  	s1 =	sld [smem:$0x3FA8]  }
0x28: {  	s2 =	sld [smem:$0x3FA9]  }
0x29: {  	s4 =	sld [smem:$0x3FAB]  }
0x2a: {  	p0 =	seq.s32 s5, $0x0;
	s5 =	sld [smem:$0x3FAC]  }
0x2b: {  	s6 =	sld [smem:$0x3FAD]  }
0x2c: {  	s7 =	sld [smem:$0x3FAE]  }
0x2d: {  	s3 =	simm.s32 $0x108;
	s8 =	sld [smem:$0x3FAF]  }
0x2e: {  	s3 =	simm.s32 @!p0 $0x1082;
	s9 =	sld [smem:$0x3FB0]  }
0x2f: {  	lr =	sadd.s32 s0, s3;
	s0 =	sld [smem:$0x3FA7]  }
0x30: {  	s3 =	sld [smem:$0x3FAA]  }
0x31: {  	[smem:$0x3FB3] =	sst s10  }
0x32: {  	s10 =	sld [smem:$0x3FB1];
	_ =	sdelay $0x3  }
0x33: {  	p0 =	seq.s32 s10, $0x1;
	s10 =	sld [smem:$0x3FB3];
	_ =	sdelay $0x3  }
0x34: {  	[smem:$0x3FB3] =	sst s10  }
0x35: {  	s10 =	sld [smem:$0x3FB2];
	_ =	sdelay $0x3  }
0x36: {  	p1 =	seq.s32 s10, $0x1;
	s10 =	sld [smem:$0x3FB3];
	_ =	sdelay $0x3  }
0x37: {  	[smem:$0x3FB3] =	sst s10  }
0x38: {  	s10 =	sld [smem:$0x3FB4]  }
0x39: {  	_ = 	snop;
	(pc) =	sbr.ind lr, $3  }
0x3a: {  	_ = 	snop  }
0x3b: {  	_ = 	snop  }
0x3c: {  	p2 =	seq.s32 s10, $0x1;
	s10 =	sld [smem:$0x3FB3]  }
0x3d: {  	_ =	shalt  }
0x3e: {  	_ =	shalt  }
0x3f: {  	_ =	shalt  }
0x40: {  	_ =	shalt  }
0x41: {  	_ =	shalt  }
0x42: {  	_ =	shalt  }
0x43: {  	_ =	shalt  }
0x44: {  	_ =	shalt  }
0x45: {  	_ =	shalt  }
0x46: {  	_ =	shalt  }
0x47: {  	_ =	shalt  }
0x48: {  	_ =	shalt  }
0x49: {  	_ =	shalt  }
0x4a: {  	_ =	shalt  }
0x4b: {  	_ =	shalt  }
0x4c: {  	_ =	shalt  }
0x4d: {  	_ =	shalt  }
0x4e: {  	_ =	shalt  }
0x4f: {  	_ =	shalt  }
0x50: {  	_ =	shalt  }
0x51: {  	_ =	shalt  }
0x52: {  	_ =	shalt  }
0x53: {  	_ =	shalt  }
0x54: {  	_ =	shalt  }
0x55: {  	_ =	shalt  }
0x56: {  	_ =	shalt  }
0x57: {  	_ =	shalt  }
0x58: {  	_ =	shalt  }
0x59: {  	_ =	shalt  }
0x5a: {  	_ =	shalt  }
0x5b: {  	_ =	shalt  }
0x5c: {  	_ =	shalt  }
0x5d: {  	_ =	shalt  }
0x5e: {  	_ =	shalt  }
0x5f: {  	_ =	shalt  }
0x60: {  	_ =	shalt  }
0x61: {  	_ =	shalt  }
0x62: {  	_ =	shalt  }
0x63: {  	_ =	shalt  }
0x64: {  	_ =	shalt  }
0x65: {  	_ =	shalt  }
0x66: {  	_ =	shalt  }
0x67: {  	_ =	shalt  }
0x68: {  	_ =	shalt  }
0x69: {  	_ =	shalt  }
0x6a: {  	_ =	shalt  }
0x6b: {  	_ =	shalt  }
0x6c: {  	_ =	shalt  }
0x6d: {  	_ =	shalt  }
0x6e: {  	_ =	shalt  }
0x6f: {  	_ =	shalt  }
0x70: {  	_ =	shalt  }
0x71: {  	_ =	shalt  }
0x72: {  	_ =	shalt  }
0x73: {  	_ =	shalt  }
0x74: {  	_ =	shalt  }
0x75: {  	_ =	shalt  }
0x76: {  	_ =	shalt  }
0x77: {  	_ =	shalt  }
0x78: {  	_ =	shalt  }
0x79: {  	_ =	shalt  }
0x7a: {  	_ =	shalt  }
0x7b: {  	_ =	shalt  }
0x7c: {  	_ =	shalt  }
0x7d: {  	_ =	shalt  }
0x7e: {  	_ =	shalt  }
0x7f: {  	_ =	shalt  }
0x80: {  	_ =	shalt  }
0x81: {  	_ =	shalt  }
0x82: {  	_ =	shalt  }
0x83: {  	_ =	shalt  }
0x84: {  	_ =	shalt  }
0x85: {  	_ =	shalt  }
0x86: {  	_ =	shalt  }
0x87: {  	_ =	shalt  }
.Lfunc_end0:
.L_simem_size_0:
called_computation_lowered:
.L_overlay_start_0:
0x88: {  	s2 =	sld [smem:$0x3FD9]  }
0x89: {  	s3 =	sld [smem:$0x3FFE];
	_ =	sdelay $0x1  }
0x8a: {  	s1 =	srdreg.scid  }
0x8b: {  	s0 =	sand.u32 $0x1, s1  }
0x8c: {  	s16 =	sshll.u32 s0, $0xA;
	s2 =	sadd.s32 s3, s2  }
0x8d: {  	s2 =	sadd.s32 s2, s16  }
0x8e: {  	[smem:$0x3FBF] =	sst s2  }
0x8f: {  	_ = 	snop  }
0x90: {  	(tm) =	ssettm $0x1  }
0x91: {  	s17 =	sld [smem:$0x3FFB];
	_ =	sdelay $0x3  }
0x92: {  	_ =	strace s17  }
0x93: {  	s2 =	sld [smem:$0x3FFC];
	_ =	sdelay $0x3  }
0x94: {  	_ =	strace s2  }
0x95: {  	s2 =	sld [smem:$0x3FFD];
	_ =	sdelay $0x3  }
0x96: {  	_ =	strace s2  }
0x97: {  	_ =	strace $0x8FFFFFFF  }
0x98: {  	s18 =	sld [smem:$0x3FDB];
	_ =	sdelay $0x1  }
0x99: {  	s19 =	simm.s32 $_scs_section_size  }
0x9a: {  	s4 =	simm.s32 $_size__tile_overlayer_lowered;
	s5 =	simm.s32 $_tile_overlayer_lowered  }
0x9b: {  	s22 =	simm.s32 $0x1BFF;
	s21 =	sshll.u32 s5, $0x1;
	s2 =	sadd.s32 s19, s18  }
0x9c: {  	s6 =	simm.s32 $0x0;
	s20 =	sshll.u32 s4, $0x1;
	s4 =	sadd.s32 s21, s2  }
0x9d: {  	[timem:s6], [sflag:s22] =	dma.local [hbm:s4], s20  }
0x9e: {  	_ =	swait.ge [sflag:s22], s20  }
0x9f: {  	s3 =	ssub.s32 $0x0, s20;
	[sflag:s22] =	ssyncset.done $0x0  }
0xa0: {  	[sflag:s22] =	ssyncadd.s32 s3;
	_ =	sdelay $0x1  }
0xa1: {  	s23 =	simm.s32 $0x1B8B  }
0xa2: {  	_ =	swait.ge [sflag:s23], $0x1  }
0xa3: {  	[sflag:s23] =	ssyncset.done $0x0  }
0xa4: {  	s25 =	simm.s32 $0x1B8E;
	s24 =	sld [smem:$0x3FFE];
	[sflag:s23] =	ssyncadd.s32 $0xFFFFFFFF  }
0xa5: {  	s26 =	simm.s32 $execute0_lowered;
	[smem:$0x3FD2] =	sst s25  }
0xa6: {  	s4 =	sshll.u32 s26, $0x1;
	_ =	strace $0x80000046;
	[dreg:$0x1] =	wrdreg $0xFFFFFFFF  }
0xa7: {  	s28 =	simm.s32 $_size_execute0_lowered;
	s2 =	sadd.s32 s2, s4;
	[dreg:$0x0] =	wrdreg $0x0  }
0xa8: {  	s4 =	sshll.u32 s28, $0x1;
	[dreg:$0x2] =	wrdreg s2  }
0xa9: {  	[dreg:$0x3] =	wrdreg s4  }
0xaa: {  	[dreg:$0x4] =	wrdreg $0xC0  }
0xab: {  	_ =	task [dreg:s6], $0x5FFFF  }
0xac: {  	[dreg:$0x1] =	wrdreg $0xFFFFFFFF  }
0xad: {  	[dreg:$0x0] =	wrdreg $0x60  }
0xae: {  	[dreg:$0x2] =	wrdreg s24  }
0xaf: {  	[dreg:$0x3] =	wrdreg $0x0  }
0xb0: {  	[dreg:$0x4] =	wrdreg $0x9  }
0xb1: {  	_ =	task.clear_ibuf [dreg:s6], $0x5FFFF;
	_ =	strace $0x90000046  }
0xb2: {  	s29 =	simm.s32 $0x9;
	_ =	strace $0x80000048  }
0xb3: {  	_ =	swait.ge [sflag:s29], $0x1  }
0xb4: {  	[sflag:s29] =	ssyncadd.s32 $0xFFFFFFFF  }
0xb5: {  	_ =	strace $0x90000048  }
0xb6: {  	_ =	sfence  }
0xb7: {  	s30 =	sld [smem:$0x0];
	_ =	sdelay $0x2  }
0xb8: {  	s31 =	sshll.u32 s1, $0xD;
	s1 =	sshrl.u32 s1, $0x2  }
0xb9: {  	s3 =	sand.u32 $0x4000, s31;
	s1 =	sadd.s32 s1, s30  }
0xba: {  	s0 =	sor.u32 s3, s0;
	s1 =	sshll.u32 s1, $0x11  }
0xbb: {  	s0 =	sor.u32 s1, s0  }
0xbc: {  	s0 =	sadd.s32 $0x8F2B, s0  }
0xbd: {  	[sflag:s0] =	ssyncadd.remote.s32 $0x1  }
0xbe: {  	_ =	sfence.sel $0xFFFF  }
0xbf: {  	[dreg:$0x0] =	wrdreg $0xFFFFFFFF;
	(pc) =	sbr.abs _section_cstart, $3  }
0xc0: {  	[dreg:$0x1] =	wrdreg $0xFFFFFFFF  }
0xc1: {  	_ =	task.clear_ibuf [dreg:s6], $0x2FFFF;
	_ =	strace $0x9FFFFFFF  }
0xc2: {  	(tm) =	ssettm $0x7FFFFFFF  }
0xc3: {  	_ =	shalt  }
tec
execute0_lowered:
.L_overlay_start_1:
0x0: {  	(tag) =	ssettag $0x1  }
0x1: {  	s22 =	rddreg [dreg:$0x0]  }
0x2: {  	s0 =	stileid.u32;
	s2 =	rddreg [dreg:$0x1]  }
0x3: {  	s1 =	rddreg [dreg:$0x2];
	s3 =	simm.s32 $0x0;
	s5 =	srdreg.scid  }
0x4: {  	s23 =	smul.u32 $0x280, s0;
	[smem:$0x7FF] =	sst s3;
	s24 =	sand.u32 $0x1, s5  }
0x5: {  	s29 =	sshll.u32 s0, $0x6;
	s7 =	sshll.u32 s0, $0x1;
	_ =	strace $0x80000047  }
0x6: {  	s5 =	sor.u32 $0x1C01, s29;
	s7 =	sor.u32 s24, s7;
	s4 =	sshrl.u32 s23, $0x3  }
0x7: {  	s6 =	sadd.s32 s23, s2;
	s8 =	smul.u32 $0x2710, s7;
	s4 =	sadd.s32 s4, s22  }
0x8: {  	s7 =	sshrl.u32 s6, $0x3;
	s6 =	simm.s32 $0x1;
	s4 =	sadd.s32 $0x16E00, s4  }
0x9: {  	[spmem:s7], [sflag:s5] =	dma.local [hbm:s4], $0x50  }
0xa: {  	s8 =	sshrl.u32 s8, $0x3;
	_ =	swait.ge [sflag:s6], $0x50  }
0xb: {  	s8 =	sadd.s32 s22, s8;
	[sflag:s6] =	ssyncset.done $0x0  }
0xc: {  	s9 =	simm.s32 $0x280;
	s8 =	sadd.s32 $0xD040, s8;
	[sflag:s6] =	ssyncadd.s32 $0xFFFFFFB0  }
0xd: {  	[tilespmem:s9], [sflag:$0x1] =	stream.linear.gather [hbm4b:s8+s3], $0x2710, $0x38;
	[tilespmem:$0x2D78] =	vst v63  }
0xe: {  	_ =	swait.ge [sflag:s6], $0x2710  }
0xf: {  	[sflag:s6] =	ssyncset.done $0x0  }
0x10: {  	s11 =	simm.s32 $0x2990;
	s10 =	sadd.s32 $0x17400, s22;
	[sflag:s6] =	ssyncadd.s32 $0xFFFFD8F0  }
0x11: {  	[tilespmem:s11], [sflag:$0x1] =	stream.linear.gather [hbm4b:s10+s3], $0x3E8, $0x38;
	[tilespmem:$0x2D78] =	vst v63  }
0x12: {  	_ =	swait.ge [sflag:s6], $0x3E8  }
0x13: {  	[sflag:s6] =	ssyncset.done $0x0  }
0x14: {  	[sflag:s6] =	ssyncadd.s32 $0xFFFFFC18  }
0x15: {  	s12 =	simm.s32 $0x3E8;
	[bflag:$0x0] =	sbarrier.arrive $0xFFFF  }
0x16: {  	[spmem:s2] =	stream.indirect.scatter.add.f32 [tilespmem:s11], [sflag:$0x1], $0x1, s9, s12, $0xb8;
	[tilespmem:$0x2D78] =	vst v63  }
0x17: {  	_ =	swait.ge [sflag:s6], $0x3E8  }
0x18: {  	[sflag:s6] =	ssyncset.done $0x0  }
0x19: {  	s13 =	simm.s32 $0x668;
	[sflag:s6] =	ssyncadd.s32 $0xFFFFFC18  }
0x1a: {  	[spmem:s2] =	stream.indirect.scatter.add.f32 [tilespmem:s11], [sflag:$0x1], $0x1, s13, s12, $0xb8;
	[tilespmem:$0x2D78] =	vst v63  }
0x1b: {  	_ =	swait.ge [sflag:s6], $0x3E8  }
0x1c: {  	[sflag:s6] =	ssyncset.done $0x0  }
0x1d: {  	s14 =	simm.s32 $0xA50;
	[sflag:s6] =	ssyncadd.s32 $0xFFFFFC18  }
0x1e: {  	[spmem:s2] =	stream.indirect.scatter.add.f32 [tilespmem:s11], [sflag:$0x1], $0x1, s14, s12, $0xb8;
	[tilespmem:$0x2D78] =	vst v63  }
0x1f: {  	_ =	swait.ge [sflag:s6], $0x3E8  }
0x20: {  	[sflag:s6] =	ssyncset.done $0x0  }
0x21: {  	s15 =	simm.s32 $0xE38;
	[sflag:s6] =	ssyncadd.s32 $0xFFFFFC18  }
0x22: {  	[spmem:s2] =	stream.indirect.scatter.add.f32 [tilespmem:s11], [sflag:$0x1], $0x1, s15, s12, $0xb8;
	[tilespmem:$0x2D78] =	vst v63  }
0x23: {  	_ =	swait.ge [sflag:s6], $0x3E8  }
0x24: {  	[sflag:s6] =	ssyncset.done $0x0  }
0x25: {  	s16 =	simm.s32 $0x1220;
	[sflag:s6] =	ssyncadd.s32 $0xFFFFFC18  }
0x26: {  	[spmem:s2] =	stream.indirect.scatter.add.f32 [tilespmem:s11], [sflag:$0x1], $0x1, s16, s12, $0xb8;
	[tilespmem:$0x2D78] =	vst v63  }
0x27: {  	_ =	swait.ge [sflag:s6], $0x3E8  }
0x28: {  	[sflag:s6] =	ssyncset.done $0x0  }
0x29: {  	s17 =	simm.s32 $0x1608;
	[sflag:s6] =	ssyncadd.s32 $0xFFFFFC18  }
0x2a: {  	[spmem:s2] =	stream.indirect.scatter.add.f32 [tilespmem:s11], [sflag:$0x1], $0x1, s17, s12, $0xb8;
	[tilespmem:$0x2D78] =	vst v63  }
0x2b: {  	_ =	swait.ge [sflag:s6], $0x3E8  }
0x2c: {  	[sflag:s6] =	ssyncset.done $0x0  }
0x2d: {  	s18 =	simm.s32 $0x19F0;
	[sflag:s6] =	ssyncadd.s32 $0xFFFFFC18  }
0x2e: {  	[spmem:s2] =	stream.indirect.scatter.add.f32 [tilespmem:s11], [sflag:$0x1], $0x1, s18, s12, $0xb8;
	[tilespmem:$0x2D78] =	vst v63  }
0x2f: {  	_ =	swait.ge [sflag:s6], $0x3E8  }
0x30: {  	[sflag:s6] =	ssyncset.done $0x0  }
0x31: {  	s19 =	simm.s32 $0x1DD8;
	[sflag:s6] =	ssyncadd.s32 $0xFFFFFC18  }
0x32: {  	[spmem:s2] =	stream.indirect.scatter.add.f32 [tilespmem:s11], [sflag:$0x1], $0x1, s19, s12, $0xb8;
	[tilespmem:$0x2D78] =	vst v63  }
0x33: {  	_ =	swait.ge [sflag:s6], $0x3E8  }
0x34: {  	[sflag:s6] =	ssyncset.done $0x0  }
0x35: {  	s20 =	simm.s32 $0x21C0;
	s25 =	smul.u32 $0x2800, s24;
	[sflag:s6] =	ssyncadd.s32 $0xFFFFFC18  }
0x36: {  	[spmem:s2] =	stream.indirect.scatter.add.f32 [tilespmem:s11], [sflag:$0x1], $0x1, s20, s12, $0xb8;
	[tilespmem:$0x2D78] =	vst v63  }
0x37: {  	s21 =	simm.s32 $0x25A8;
	s24 =	ssub.s32 $0x2, s24;
	_ =	swait.ge [sflag:s6], $0x3E8  }
0x38: {  	s30 =	sshrl.u32 s24, $0x1;
	s23 =	sadd.s32 s23, s25;
	[sflag:s6] =	ssyncset.done $0x0  }
0x39: {  	s31 =	ssub.s32 s24, s30;
	s23 =	sshrl.u32 s23, $0x3;
	[sflag:s6] =	ssyncadd.s32 $0xFFFFFC18  }
0x3a: {  	[spmem:s2] =	stream.indirect.scatter.add.f32 [tilespmem:s11], [sflag:$0x1], $0x1, s21, s12, $0xb8;
	[tilespmem:$0x2D78] =	vst v63  }
0x3b: {  	s22 =	sadd.s32 s23, s22;
	s23 =	smax.u32 s31, $0x1;
	_ =	swait.ge [sflag:s6], $0x3E8  }
0x3c: {  	p0 =	sne.s32 s23, $0x1;
	[sflag:s6] =	ssyncset.done $0x0  }
.Ltmp0:
0x3d: {  	[sflag:s6] =	ssyncadd.s32 $0xFFFFFC18;
	(pc) =	sbr.rel @!p0 .LBB2_2-.Ltmp0, $4  }
0x3e: {  	s22 =	sadd.s32 $0x17600, s22;
	[bflag:$0x0] =	sbarrier.arrive $0xFFFF  }
0x3f: {  	[hbm:s22], [sflag:s5] =	dma.local [spmem:s7], $0x50  }
0x40: {  	_ =	swait.ge [sflag:s6], $0x50  }
0x41: {  	s23 =	sadd.s32 $0xFFFFFFFF, s23;
	[sflag:s6] =	ssyncset.done $0x0  }
.LBB2_1:
0x42: {  	p0 =	sne.s32 s23, $0x1;
	s23 =	sadd.s32 $0xFFFFFFFF, s23;
	[sflag:s6] =	ssyncadd.s32 $0xFFFFFFB0  }
0x43: {  	[spmem:s7], [sflag:s5] =	dma.local [hbm:s4], $0x50  }
0x44: {  	_ =	swait.ge [sflag:s6], $0x50  }
0x45: {  	[sflag:s6] =	ssyncset.done $0x0  }
0x46: {  	[sflag:s6] =	ssyncadd.s32 $0xFFFFFFB0  }
0x47: {  	[tilespmem:s9], [sflag:$0x1] =	stream.linear.gather [hbm4b:s8+s3], $0x2710, $0x38;
	[tilespmem:$0x2D78] =	vst v63  }
0x48: {  	_ =	swait.ge [sflag:s6], $0x2710  }
0x49: {  	[sflag:s6] =	ssyncset.done $0x0  }
0x4a: {  	[sflag:s6] =	ssyncadd.s32 $0xFFFFD8F0  }
0x4b: {  	[tilespmem:s11], [sflag:$0x1] =	stream.linear.gather [hbm4b:s10+s3], $0x3E8, $0x38;
	[tilespmem:$0x2D78] =	vst v63  }
0x4c: {  	_ =	swait.ge [sflag:s6], $0x3E8  }
0x4d: {  	[sflag:s6] =	ssyncset.done $0x0  }
0x4e: {  	[sflag:s6] =	ssyncadd.s32 $0xFFFFFC18  }
0x4f: {  	[bflag:$0x0] =	sbarrier.arrive $0xFFFF  }
0x50: {  	[spmem:s2] =	stream.indirect.scatter.add.f32 [tilespmem:s11], [sflag:$0x1], $0x1, s9, s12, $0xb8;
	[tilespmem:$0x2D78] =	vst v63  }
0x51: {  	_ =	swait.ge [sflag:s6], $0x3E8  }
0x52: {  	[sflag:s6] =	ssyncset.done $0x0  }
0x53: {  	[sflag:s6] =	ssyncadd.s32 $0xFFFFFC18  }
0x54: {  	[spmem:s2] =	stream.indirect.scatter.add.f32 [tilespmem:s11], [sflag:$0x1], $0x1, s13, s12, $0xb8;
	[tilespmem:$0x2D78] =	vst v63  }
0x55: {  	_ =	swait.ge [sflag:s6], $0x3E8  }
0x56: {  	[sflag:s6] =	ssyncset.done $0x0  }
0x57: {  	[sflag:s6] =	ssyncadd.s32 $0xFFFFFC18  }
0x58: {  	[spmem:s2] =	stream.indirect.scatter.add.f32 [tilespmem:s11], [sflag:$0x1], $0x1, s14, s12, $0xb8;
	[tilespmem:$0x2D78] =	vst v63  }
0x59: {  	_ =	swait.ge [sflag:s6], $0x3E8  }
0x5a: {  	[sflag:s6] =	ssyncset.done $0x0  }
0x5b: {  	[sflag:s6] =	ssyncadd.s32 $0xFFFFFC18  }
0x5c: {  	[spmem:s2] =	stream.indirect.scatter.add.f32 [tilespmem:s11], [sflag:$0x1], $0x1, s15, s12, $0xb8;
	[tilespmem:$0x2D78] =	vst v63  }
0x5d: {  	_ =	swait.ge [sflag:s6], $0x3E8  }
0x5e: {  	[sflag:s6] =	ssyncset.done $0x0  }
0x5f: {  	[sflag:s6] =	ssyncadd.s32 $0xFFFFFC18  }
0x60: {  	[spmem:s2] =	stream.indirect.scatter.add.f32 [tilespmem:s11], [sflag:$0x1], $0x1, s16, s12, $0xb8;
	[tilespmem:$0x2D78] =	vst v63  }
0x61: {  	_ =	swait.ge [sflag:s6], $0x3E8  }
0x62: {  	[sflag:s6] =	ssyncset.done $0x0  }
0x63: {  	[sflag:s6] =	ssyncadd.s32 $0xFFFFFC18  }
0x64: {  	[spmem:s2] =	stream.indirect.scatter.add.f32 [tilespmem:s11], [sflag:$0x1], $0x1, s17, s12, $0xb8;
	[tilespmem:$0x2D78] =	vst v63  }
0x65: {  	_ =	swait.ge [sflag:s6], $0x3E8  }
0x66: {  	[sflag:s6] =	ssyncset.done $0x0  }
0x67: {  	[sflag:s6] =	ssyncadd.s32 $0xFFFFFC18  }
0x68: {  	[spmem:s2] =	stream.indirect.scatter.add.f32 [tilespmem:s11], [sflag:$0x1], $0x1, s18, s12, $0xb8;
	[tilespmem:$0x2D78] =	vst v63  }
0x69: {  	_ =	swait.ge [sflag:s6], $0x3E8  }
0x6a: {  	[sflag:s6] =	ssyncset.done $0x0  }
0x6b: {  	[sflag:s6] =	ssyncadd.s32 $0xFFFFFC18  }
0x6c: {  	[spmem:s2] =	stream.indirect.scatter.add.f32 [tilespmem:s11], [sflag:$0x1], $0x1, s19, s12, $0xb8;
	[tilespmem:$0x2D78] =	vst v63  }
0x6d: {  	_ =	swait.ge [sflag:s6], $0x3E8  }
0x6e: {  	[sflag:s6] =	ssyncset.done $0x0  }
0x6f: {  	[sflag:s6] =	ssyncadd.s32 $0xFFFFFC18  }
0x70: {  	[spmem:s2] =	stream.indirect.scatter.add.f32 [tilespmem:s11], [sflag:$0x1], $0x1, s20, s12, $0xb8;
	[tilespmem:$0x2D78] =	vst v63  }
0x71: {  	_ =	swait.ge [sflag:s6], $0x3E8  }
0x72: {  	[sflag:s6] =	ssyncset.done $0x0  }
0x73: {  	[sflag:s6] =	ssyncadd.s32 $0xFFFFFC18  }
0x74: {  	[spmem:s2] =	stream.indirect.scatter.add.f32 [tilespmem:s11], [sflag:$0x1], $0x1, s21, s12, $0xb8;
	[tilespmem:$0x2D78] =	vst v63  }
0x75: {  	_ =	swait.ge [sflag:s6], $0x3E8  }
0x76: {  	[sflag:s6] =	ssyncset.done $0x0  }
.Ltmp1:
0x77: {  	[sflag:s6] =	ssyncadd.s32 $0xFFFFFC18;
	(pc) =	sbr.rel @p0 .LBB2_1-.Ltmp1, $4  }
0x78: {  	[bflag:$0x0] =	sbarrier.arrive $0xFFFF  }
0x79: {  	[hbm:s22], [sflag:s5] =	dma.local [spmem:s7], $0x50  }
0x7a: {  	_ =	swait.ge [sflag:s6], $0x50  }
0x7b: {  	[sflag:s6] =	ssyncset.done $0x0  }
.LBB2_2:
0x7c: {  	[sflag:s6] =	ssyncadd.s32 $0xFFFFFFB0  }
0x7d: {  	_ =	sfence.sel $0x180000  }
0x7e: {  	[bflag:$0x0] =	sbarrier.arrive $0xFFFF  }
0x7f: {  	p0 =	sne.s32 s0, $0x0;
	_ =	strace $0x90000047  }
0x80: {  	s0 =	sadd.s32 @!p0 $0x100000, s1;
	[bflag:$0x2] =	sbarrier.arrive $0xFFFF  }
0x81: {  	[sflag:s0] =	ssyncadd.tile.s32 @!p0 $0x1;
	_ =	shalt  }
.Lfunc_end2:
_tile_overlayer_lowered:
.L_overlay_start_2:
0x82: {  	(tag) =	ssettag $0x2  }
0x83: {  	s0 =	rddreg [dreg:$0x0];
	s2 =	stileid.u32  }
0x84: {  	s1 =	rddreg [dreg:$0x1];
	p0 =	sne.s32 s2, $0x0  }
0x85: {  	s3 =	rddreg [dreg:$0x2];
	[bflag:$0x3] =	sbarrier.arrive $0xFFFF;
	s2 =	simm.s32 @!p0 $0x1C01  }
0x86: {  	[timem:s3], [sflag:s2] =	dma.local @!p0 [hbm:s0], s1  }
0x87: {  	s0 =	simm.s32 @!p0 $0x1  }
0x88: {  	_ =	swait.ge @!p0 [sflag:s0], s1  }
0x89: {  	s1 =	ssub.s32 @!p0 $0x0, s1;
	[sflag:s0] =	ssyncset.done @!p0 $0x0  }
0x8a: {  	[sflag:s0] =	ssyncadd.s32 @!p0 s1  }
0x8b: {  	[bflag:$0x3] =	sbarrier.arrive $0xFFFF  }
0x8c: {  	_ =	shalt  }

// kernel: kernel.13.cloned.1.call-start
scs
__scs_entry_jumppad:
0x0: {  	(pc) =	sbr.rel $0x88, $3  }
0x1: {  	(tag) =	ssettag $0x0;
	lr =	simm.s32 $0x1  }
0x2: {  	[smem:$0x3F98] =	sst lr;
	_ =	strace $0xD0000000  }
0x3: {  	_ = 	snop  }
0x4: {  	_ = 	snop  }
0x5: {  	_ = 	snop  }
0x6: {  	_ = 	snop  }
0x7: {  	_ = 	snop  }
__scs_overlays_trampoline_lowered:
0x8: {  	[smem:$0x3FA7] =	sst s0  }
0x9: {  	[smem:$0x3FA8] =	sst s1  }
0xa: {  	[smem:$0x3FA9] =	sst s2  }
0xb: {  	[smem:$0x3FAA] =	sst s3  }
0xc: {  	[smem:$0x3FAB] =	sst s4  }
0xd: {  	[smem:$0x3FAC] =	sst s5  }
0xe: {  	[smem:$0x3FAD] =	sst s6  }
0xf: {  	[smem:$0x3FAE] =	sst s7  }
0x10: {  	[smem:$0x3FAF] =	sst s8  }
0x11: {  	[smem:$0x3FB0] =	sst s9;
	s0 =	simm.s32 @!p0 $0x0  }
0x12: {  	s1 =	sld [smem:$0x3F96];
	s0 =	simm.s32 @p0 $0x1  }
0x13: {  	[smem:$0x3FB1] =	sst s0;
	s0 =	simm.s32 @!p1 $0x0  }
0x14: {  	s2 =	sld [smem:$0x3F95];
	s0 =	simm.s32 @p1 $0x1  }
0x15: {  	[smem:$0x3FB2] =	sst s0;
	s0 =	simm.s32 @!p2 $0x0  }
0x16: {  	s3 =	sld [smem:$0x3FDB];
	s0 =	simm.s32 @p2 $0x1  }
0x17: {  	s4 =	simm.s32 $0x1BF5;
	[smem:$0x3FB4] =	sst s0  }
0x18: {  	s0 =	sld [smem:$0x3F97];
	_ =	swait.ge [sflag:s4], $0x0  }
0x19: {  	s7 =	sld [smem:$0x3F98]  }
0x1a: {  	s8 =	sadd.s32 $0xFFFFE003, lr  }
0x1b: {  	s9 =	sadd.s32 $0xFFFFFEF7, lr;
	s5 =	simm.s32 $0xFFFFFFFF;
	p2 =	slt.u32 s8, $0xFFFFF086  }
0x1c: {  	p1 =	slt.u32 s9, $0xF7A;
	s5 =	simm.s32 @!p2 $0x0  }
0x1d: {  	s5 =	simm.s32 @p1 $0x1;
	p0 =	seq.s32 s7, s2  }
0x1e: {  	s7 =	smul.u32 @!p0 $0xF7A, s2;
	p2 =	seq.s32 @!p0 s5, $0x0  }
0x1f: {  	s9 =	smul.u32 $0xF7A, s1;
	s8 =	simm.s32 @!p0 $0x1BF5;
	p2 =	por !p2, p0  }
0x20: {  	[sflag:s8] =	ssyncset.s32 @!p0 $0xFFFFF086;
	s6 =	sadd.s32 @!p0 s3, s7;
	s7 =	simm.s32 @!p0 $0x108  }
0x21: {  	s3 =	sadd.s32 s3, s9;
	s6 =	sadd.s32 @!p0 $0x88, s6;
	s7 =	simm.s32 @p2 $0x1082  }
0x22: {  	[simem:s7], [sflag:s8] =	dma.local @!p0 [hbm:s6], $0xF7A  }
0x23: {  	s9 =	sor.u32 $0xD0000000, s2;
	s6 =	simm.s32 $0x108;
	_ =	swait.ge @!p0 [sflag:s8], $0x0  }
0x24: {  	s3 =	sadd.s32 $0x88, s3;
	s6 =	simm.s32 @!p1 $0x1082;
	[sflag:s4] =	ssyncset.s32 $0xFFFFF086  }
0x25: {  	[simem:s6], [sflag:s4] =	dma.local [hbm:s3], $0xF7A  }
0x26: {  	[smem:$0x3F98] =	sst s1;
	(tag) =	ssettag s2;
	_ =	strace s9  }
0x27: {  	s1 =	sld [smem:$0x3FA8]  }
0x28: {  	s2 =	sld [smem:$0x3FA9]  }
0x29: {  	s4 =	sld [smem:$0x3FAB]  }
0x2a: {  	p0 =	seq.s32 s5, $0x0;
	s5 =	sld [smem:$0x3FAC]  }
0x2b: {  	s6 =	sld [smem:$0x3FAD]  }
0x2c: {  	s7 =	sld [smem:$0x3FAE]  }
0x2d: {  	s3 =	simm.s32 $0x108;
	s8 =	sld [smem:$0x3FAF]  }
0x2e: {  	s3 =	simm.s32 @!p0 $0x1082;
	s9 =	sld [smem:$0x3FB0]  }
0x2f: {  	lr =	sadd.s32 s0, s3;
	s0 =	sld [smem:$0x3FA7]  }
0x30: {  	s3 =	sld [smem:$0x3FAA]  }
0x31: {  	[smem:$0x3FB3] =	sst s10  }
0x32: {  	s10 =	sld [smem:$0x3FB1];
	_ =	sdelay $0x3  }
0x33: {  	p0 =	seq.s32 s10, $0x1;
	s10 =	sld [smem:$0x3FB3];
	_ =	sdelay $0x3  }
0x34: {  	[smem:$0x3FB3] =	sst s10  }
0x35: {  	s10 =	sld [smem:$0x3FB2];
	_ =	sdelay $0x3  }
0x36: {  	p1 =	seq.s32 s10, $0x1;
	s10 =	sld [smem:$0x3FB3];
	_ =	sdelay $0x3  }
0x37: {  	[smem:$0x3FB3] =	sst s10  }
0x38: {  	s10 =	sld [smem:$0x3FB4]  }
0x39: {  	_ = 	snop;
	(pc) =	sbr.ind lr, $3  }
0x3a: {  	_ = 	snop  }
0x3b: {  	_ = 	snop  }
0x3c: {  	p2 =	seq.s32 s10, $0x1;
	s10 =	sld [smem:$0x3FB3]  }
0x3d: {  	_ =	shalt  }
0x3e: {  	_ =	shalt  }
0x3f: {  	_ =	shalt  }
0x40: {  	_ =	shalt  }
0x41: {  	_ =	shalt  }
0x42: {  	_ =	shalt  }
0x43: {  	_ =	shalt  }
0x44: {  	_ =	shalt  }
0x45: {  	_ =	shalt  }
0x46: {  	_ =	shalt  }
0x47: {  	_ =	shalt  }
0x48: {  	_ =	shalt  }
0x49: {  	_ =	shalt  }
0x4a: {  	_ =	shalt  }
0x4b: {  	_ =	shalt  }
0x4c: {  	_ =	shalt  }
0x4d: {  	_ =	shalt  }
0x4e: {  	_ =	shalt  }
0x4f: {  	_ =	shalt  }
0x50: {  	_ =	shalt  }
0x51: {  	_ =	shalt  }
0x52: {  	_ =	shalt  }
0x53: {  	_ =	shalt  }
0x54: {  	_ =	shalt  }
0x55: {  	_ =	shalt  }
0x56: {  	_ =	shalt  }
0x57: {  	_ =	shalt  }
0x58: {  	_ =	shalt  }
0x59: {  	_ =	shalt  }
0x5a: {  	_ =	shalt  }
0x5b: {  	_ =	shalt  }
0x5c: {  	_ =	shalt  }
0x5d: {  	_ =	shalt  }
0x5e: {  	_ =	shalt  }
0x5f: {  	_ =	shalt  }
0x60: {  	_ =	shalt  }
0x61: {  	_ =	shalt  }
0x62: {  	_ =	shalt  }
0x63: {  	_ =	shalt  }
0x64: {  	_ =	shalt  }
0x65: {  	_ =	shalt  }
0x66: {  	_ =	shalt  }
0x67: {  	_ =	shalt  }
0x68: {  	_ =	shalt  }
0x69: {  	_ =	shalt  }
0x6a: {  	_ =	shalt  }
0x6b: {  	_ =	shalt  }
0x6c: {  	_ =	shalt  }
0x6d: {  	_ =	shalt  }
0x6e: {  	_ =	shalt  }
0x6f: {  	_ =	shalt  }
0x70: {  	_ =	shalt  }
0x71: {  	_ =	shalt  }
0x72: {  	_ =	shalt  }
0x73: {  	_ =	shalt  }
0x74: {  	_ =	shalt  }
0x75: {  	_ =	shalt  }
0x76: {  	_ =	shalt  }
0x77: {  	_ =	shalt  }
0x78: {  	_ =	shalt  }
0x79: {  	_ =	shalt  }
0x7a: {  	_ =	shalt  }
0x7b: {  	_ =	shalt  }
0x7c: {  	_ =	shalt  }
0x7d: {  	_ =	shalt  }
0x7e: {  	_ =	shalt  }
0x7f: {  	_ =	shalt  }
0x80: {  	_ =	shalt  }
0x81: {  	_ =	shalt  }
0x82: {  	_ =	shalt  }
0x83: {  	_ =	shalt  }
0x84: {  	_ =	shalt  }
0x85: {  	_ =	shalt  }
0x86: {  	_ =	shalt  }
0x87: {  	_ =	shalt  }
.Lfunc_end0:
.L_simem_size_0:
called_computation.1_lowered:
.L_overlay_start_0:
0x88: {  	s2 =	sld [smem:$0x3FD9]  }
0x89: {  	s3 =	sld [smem:$0x3FFE];
	_ =	sdelay $0x1  }
0x8a: {  	s1 =	srdreg.scid  }
0x8b: {  	s0 =	sand.u32 $0x1, s1  }
0x8c: {  	s16 =	sshll.u32 s0, $0xA;
	s2 =	sadd.s32 s3, s2  }
0x8d: {  	s2 =	sadd.s32 s2, s16  }
0x8e: {  	[smem:$0x3FBF] =	sst s2  }
0x8f: {  	_ = 	snop  }
0x90: {  	(tm) =	ssettm $0x1  }
0x91: {  	s17 =	sld [smem:$0x3FFB];
	_ =	sdelay $0x3  }
0x92: {  	_ =	strace s17  }
0x93: {  	s2 =	sld [smem:$0x3FFC];
	_ =	sdelay $0x3  }
0x94: {  	_ =	strace s2  }
0x95: {  	s2 =	sld [smem:$0x3FFD];
	_ =	sdelay $0x3  }
0x96: {  	_ =	strace s2  }
0x97: {  	_ =	strace $0x8FFFFFFF  }
0x98: {  	s18 =	sld [smem:$0x3FDB];
	_ =	sdelay $0x1  }
0x99: {  	s19 =	simm.s32 $_scs_section_size  }
0x9a: {  	s4 =	simm.s32 $_size__tile_overlayer_lowered;
	s5 =	simm.s32 $_tile_overlayer_lowered  }
0x9b: {  	s22 =	simm.s32 $0x1BFF;
	s21 =	sshll.u32 s5, $0x1;
	s2 =	sadd.s32 s19, s18  }
0x9c: {  	s6 =	simm.s32 $0x0;
	s20 =	sshll.u32 s4, $0x1;
	s4 =	sadd.s32 s21, s2  }
0x9d: {  	[timem:s6], [sflag:s22] =	dma.local [hbm:s4], s20  }
0x9e: {  	_ =	swait.ge [sflag:s22], s20  }
0x9f: {  	s3 =	ssub.s32 $0x0, s20;
	[sflag:s22] =	ssyncset.done $0x0  }
0xa0: {  	[sflag:s22] =	ssyncadd.s32 s3;
	_ =	sdelay $0x1  }
0xa1: {  	s23 =	simm.s32 $0x1B8B  }
0xa2: {  	_ =	swait.ge [sflag:s23], $0x1  }
0xa3: {  	[sflag:s23] =	ssyncset.done $0x0  }
0xa4: {  	s25 =	simm.s32 $0x1B8E;
	s24 =	sld [smem:$0x3FFE];
	[sflag:s23] =	ssyncadd.s32 $0xFFFFFFFF  }
0xa5: {  	s26 =	simm.s32 $execute0_lowered;
	[smem:$0x3FD2] =	sst s25  }
0xa6: {  	s4 =	sshll.u32 s26, $0x1;
	_ =	strace $0x80000049;
	[dreg:$0x1] =	wrdreg $0xFFFFFFFF  }
0xa7: {  	s28 =	simm.s32 $_size_execute0_lowered;
	s2 =	sadd.s32 s2, s4;
	[dreg:$0x0] =	wrdreg $0x0  }
0xa8: {  	s4 =	sshll.u32 s28, $0x1;
	[dreg:$0x2] =	wrdreg s2  }
0xa9: {  	[dreg:$0x3] =	wrdreg s4  }
0xaa: {  	[dreg:$0x4] =	wrdreg $0xC0  }
0xab: {  	_ =	task [dreg:s6], $0x5FFFF  }
0xac: {  	[dreg:$0x1] =	wrdreg $0xFFFFFFFF  }
0xad: {  	[dreg:$0x0] =	wrdreg $0x60  }
0xae: {  	[dreg:$0x2] =	wrdreg s24  }
0xaf: {  	[dreg:$0x3] =	wrdreg $0x0  }
0xb0: {  	[dreg:$0x4] =	wrdreg $0x9  }
0xb1: {  	_ =	task.clear_ibuf [dreg:s6], $0x5FFFF;
	_ =	strace $0x90000049  }
0xb2: {  	s29 =	simm.s32 $0x9;
	_ =	strace $0x8000004B  }
0xb3: {  	_ =	swait.ge [sflag:s29], $0x1  }
0xb4: {  	[sflag:s29] =	ssyncadd.s32 $0xFFFFFFFF  }
0xb5: {  	_ =	strace $0x9000004B  }
0xb6: {  	_ =	sfence  }
0xb7: {  	s30 =	sld [smem:$0x0];
	_ =	sdelay $0x2  }
0xb8: {  	s31 =	sshll.u32 s1, $0xD;
	s1 =	sshrl.u32 s1, $0x2  }
0xb9: {  	s3 =	sand.u32 $0x4000, s31;
	s1 =	sadd.s32 s1, s30  }
0xba: {  	s0 =	sor.u32 s3, s0;
	s1 =	sshll.u32 s1, $0x11  }
0xbb: {  	s0 =	sor.u32 s1, s0  }
0xbc: {  	s0 =	sadd.s32 $0x8F2B, s0  }
0xbd: {  	[sflag:s0] =	ssyncadd.remote.s32 $0x1  }
0xbe: {  	_ =	sfence.sel $0xFFFF  }
0xbf: {  	[dreg:$0x0] =	wrdreg $0xFFFFFFFF;
	(pc) =	sbr.abs _section_cstart, $3  }
0xc0: {  	[dreg:$0x1] =	wrdreg $0xFFFFFFFF  }
0xc1: {  	_ =	task.clear_ibuf [dreg:s6], $0x2FFFF;
	_ =	strace $0x9FFFFFFF  }
0xc2: {  	(tm) =	ssettm $0x7FFFFFFF  }
0xc3: {  	_ =	shalt  }
tec
execute0_lowered:
.L_overlay_start_1:
0x0: {  	(tag) =	ssettag $0x1  }
0x1: {  	s1 =	srdreg.scid;
	s9 =	rddreg [dreg:$0x0]  }
0x2: {  	s0 =	stileid.u32;
	s2 =	rddreg [dreg:$0x1];
	s24 =	simm.s32 $0x53E8  }
0x3: {  	s8 =	simm.s32 $0x57D0;
	s1 =	sand.u32 $0x1, s1;
	s3 =	sshll.u32 s0, $0x1  }
0x4: {  	s5 =	smul.u32 $0x5000, s0;
	s4 =	sor.u32 s1, s3;
	s3 =	simm.s32 $0x0  }
0x5: {  	s23 =	sshll.u32 s0, $0x6;
	s7 =	smul.u32 $0x50000, s1;
	[smem:$0x7FF] =	sst s3  }
0x6: {  	s4 =	smul.u32 $0x2710, s4;
	s6 =	sshrl.u32 s5, $0x3;
	_ =	strace $0x8000004A  }
0x7: {  	s6 =	sadd.s32 s6, s9;
	s7 =	sadd.s32 s5, s7;
	[dreg:$0x7] =	wrdreg s24  }
0x8: {  	[dreg:$0x8] =	wrdreg s8;
	s4 =	sshrl.u32 s4, $0x3;
	s6 =	sadd.s32 $0x20C00, s6  }
0x9: {  	s5 =	sadd.s32 s5, s2;
	s4 =	sadd.s32 s4, s9;
	[dreg:$0x3] =	wrdreg s6  }
0xa: {  	s7 =	sshrl.u32 s7, $0x3;
	s21 =	sadd.s32 $0x3400, s4;
	s25 =	rddreg [dreg:$0x3]  }
0xb: {  	s7 =	sadd.s32 s7, s9;
	s4 =	sadd.s32 $0xD040, s4;
	[dreg:$0x4] =	wrdreg s21  }
0xc: {  	s6 =	sshrl.u32 s5, $0x3;
	s22 =	sadd.s32 $0x2AC00, s7;
	[dreg:$0x5] =	wrdreg s4  }
0xd: {  	s5 =	simm.s32 $0x3;
	[dreg:$0x6] =	wrdreg s22;
	s4 =	sor.u32 $0x1C03, s23  }
0xe: {  	[spmem:s6], [sflag:s4] =	dma.local [hbm:s25], $0xA00  }
0xf: {  	_ =	swait.ge [sflag:s5], $0xA00  }
0x10: {  	[sflag:s5] =	ssyncset.done $0x0  }
0x11: {  	s7 =	simm.s32 $0x5000;
	s26 =	rddreg [dreg:$0x4];
	[sflag:s5] =	ssyncadd.s32 $0xFFFFF600  }
0x12: {  	[tilespmem:s7], [sflag:$0x3] =	stream.linear.gather [hbm4b:s26+s3], $0x2710, $0x38;
	[tilespmem:$0x19820] =	vst v63  }
0x13: {  	_ =	swait.ge [sflag:s5], $0x2710  }
0x14: {  	[sflag:s5] =	ssyncset.done $0x0  }
0x15: {  	s8 =	simm.s32 $0x7710;
	s10 =	rddreg [dreg:$0x5];
	[sflag:s5] =	ssyncadd.s32 $0xFFFFD8F0  }
0x16: {  	[tilespmem:s8], [sflag:$0x3] =	stream.linear.gather [hbm4b:s10+s3], $0x2710, $0x38;
	[tilespmem:$0x19820] =	vst v63  }
0x17: {  	_ =	swait.ge [sflag:s5], $0x2710  }
0x18: {  	[sflag:s5] =	ssyncset.done $0x0  }
0x19: {  	s11 =	simm.s32 $0x9E20;
	[sflag:s5] =	ssyncadd.s32 $0xFFFFD8F0  }
0x1a: {  	s9 =	sadd.s32 $0x16E00, s9;
	s10 =	simm.s32 $0x3E8;
	[bflag:$0x0] =	sbarrier.arrive $0xFFFF  }
0x1b: {  	[tilespmem:s11], [sflag:$0x1] =	stream.indirect.gather [hbm4b:s9+s10], $0x20, s7, s10, $0xb8;
	[tilespmem:$0x19820] =	vst v63  }
0x1c: {  	s12 =	simm.s32 $0x11B20;
	s13 =	simm.s32 $0x1;
	s14 =	rddreg [dreg:$0x7]  }
0x1d: {  	[tilespmem:s12], [sflag:$0x2] =	stream.indirect.gather [hbm4b:s9+s10], $0x20, s14, s10, $0xb8;
	[tilespmem:$0x19820] =	vst v63  }
0x1e: {  	_ =	swait.ge [sflag:s13], $0x7D00  }
0x1f: {  	[sflag:s13] =	ssyncset.done $0x0  }
0x20: {  	[sflag:s13] =	ssyncadd.s32 $0xFFFF8300  }
0x21: {  	[spmem:s2] =	stream.indirect.scatter.add.f32 [tilespmem:s11], [sflag:$0x3], $0x20, s8, s10, $0xb8;
	[tilespmem:$0x19820] =	vst v63  }
0x22: {  	_ =	swait.ge [sflag:s5], $0x7D00  }
0x23: {  	[sflag:s5] =	ssyncset.done $0x0  }
0x24: {  	s14 =	simm.s32 $0x2;
	s15 =	rddreg [dreg:$0x8];
	[sflag:s5] =	ssyncadd.s32 $0xFFFF8300  }
0x25: {  	[tilespmem:s11], [sflag:$0x1] =	stream.indirect.gather [hbm4b:s9+s10], $0x20, s15, s10, $0xb8;
	[tilespmem:$0x19820] =	vst v63  }
0x26: {  	_ =	swait.ge [sflag:s14], $0x7D00  }
0x27: {  	[sflag:s14] =	ssyncset.done $0x0  }
0x28: {  	s15 =	simm.s32 $0x7AF8;
	[sflag:s14] =	ssyncadd.s32 $0xFFFF8300  }
0x29: {  	[spmem:s2] =	stream.indirect.scatter.add.f32 [tilespmem:s12], [sflag:$0x3], $0x20, s15, s10, $0xb8;
	[tilespmem:$0x19820] =	vst v63  }
0x2a: {  	_ =	swait.ge [sflag:s5], $0x7D00  }
0x2b: {  	[sflag:s5] =	ssyncset.done $0x0  }
0x2c: {  	s16 =	simm.s32 $0x5BB8;
	[sflag:s5] =	ssyncadd.s32 $0xFFFF8300  }
0x2d: {  	[tilespmem:s12], [sflag:$0x2] =	stream.indirect.gather [hbm4b:s9+s10], $0x20, s16, s10, $0xb8;
	[tilespmem:$0x19820] =	vst v63  }
0x2e: {  	_ =	swait.ge [sflag:s13], $0x7D00  }
0x2f: {  	[sflag:s13] =	ssyncset.done $0x0  }
0x30: {  	s17 =	simm.s32 $0x7EE0;
	[sflag:s13] =	ssyncadd.s32 $0xFFFF8300  }
0x31: {  	[spmem:s2] =	stream.indirect.scatter.add.f32 [tilespmem:s11], [sflag:$0x3], $0x20, s17, s10, $0xb8;
	[tilespmem:$0x19820] =	vst v63  }
0x32: {  	_ =	swait.ge [sflag:s5], $0x7D00  }
0x33: {  	[sflag:s5] =	ssyncset.done $0x0  }
0x34: {  	s18 =	simm.s32 $0x5FA0;
	[sflag:s5] =	ssyncadd.s32 $0xFFFF8300  }
0x35: {  	[tilespmem:s11], [sflag:$0x1] =	stream.indirect.gather [hbm4b:s9+s10], $0x20, s18, s10, $0xb8;
	[tilespmem:$0x19820] =	vst v63  }
0x36: {  	_ =	swait.ge [sflag:s14], $0x7D00  }
0x37: {  	[sflag:s14] =	ssyncset.done $0x0  }
0x38: {  	s19 =	simm.s32 $0x82C8;
	[sflag:s14] =	ssyncadd.s32 $0xFFFF8300  }
0x39: {  	[spmem:s2] =	stream.indirect.scatter.add.f32 [tilespmem:s12], [sflag:$0x3], $0x20, s19, s10, $0xb8;
	[tilespmem:$0x19820] =	vst v63  }
0x3a: {  	_ =	swait.ge [sflag:s5], $0x7D00  }
0x3b: {  	[sflag:s5] =	ssyncset.done $0x0  }
0x3c: {  	s20 =	simm.s32 $0x6388;
	[sflag:s5] =	ssyncadd.s32 $0xFFFF8300  }
0x3d: {  	[tilespmem:s12], [sflag:$0x2] =	stream.indirect.gather [hbm4b:s9+s10], $0x20, s20, s10, $0xb8;
	[tilespmem:$0x19820] =	vst v63  }
0x3e: {  	_ =	swait.ge [sflag:s13], $0x7D00  }
0x3f: {  	[sflag:s13] =	ssyncset.done $0x0  }
0x40: {  	s21 =	simm.s32 $0x86B0;
	[sflag:s13] =	ssyncadd.s32 $0xFFFF8300  }
0x41: {  	[spmem:s2] =	stream.indirect.scatter.add.f32 [tilespmem:s11], [sflag:$0x3], $0x20, s21, s10, $0xb8;
	[tilespmem:$0x19820] =	vst v63  }
0x42: {  	_ =	swait.ge [sflag:s5], $0x7D00  }
0x43: {  	[sflag:s5] =	ssyncset.done $0x0  }
0x44: {  	s22 =	simm.s32 $0x6770;
	[sflag:s5] =	ssyncadd.s32 $0xFFFF8300  }
0x45: {  	[tilespmem:s11], [sflag:$0x1] =	stream.indirect.gather [hbm4b:s9+s10], $0x20, s22, s10, $0xb8;
	[tilespmem:$0x19820] =	vst v63  }
0x46: {  	_ =	swait.ge [sflag:s14], $0x7D00  }
0x47: {  	[sflag:s14] =	ssyncset.done $0x0  }
0x48: {  	s23 =	simm.s32 $0x8A98;
	[sflag:s14] =	ssyncadd.s32 $0xFFFF8300  }
0x49: {  	[spmem:s2] =	stream.indirect.scatter.add.f32 [tilespmem:s12], [sflag:$0x3], $0x20, s23, s10, $0xb8;
	[tilespmem:$0x19820] =	vst v63  }
0x4a: {  	_ =	swait.ge [sflag:s5], $0x7D00  }
0x4b: {  	[sflag:s5] =	ssyncset.done $0x0  }
0x4c: {  	s24 =	simm.s32 $0x6B58;
	[sflag:s5] =	ssyncadd.s32 $0xFFFF8300  }
0x4d: {  	[tilespmem:s12], [sflag:$0x2] =	stream.indirect.gather [hbm4b:s9+s10], $0x20, s24, s10, $0xb8;
	[tilespmem:$0x19820] =	vst v63  }
0x4e: {  	_ =	swait.ge [sflag:s13], $0x7D00  }
0x4f: {  	[sflag:s13] =	ssyncset.done $0x0  }
0x50: {  	s25 =	simm.s32 $0x8E80;
	[sflag:s13] =	ssyncadd.s32 $0xFFFF8300  }
0x51: {  	[spmem:s2] =	stream.indirect.scatter.add.f32 [tilespmem:s11], [sflag:$0x3], $0x20, s25, s10, $0xb8;
	[tilespmem:$0x19820] =	vst v63  }
0x52: {  	_ =	swait.ge [sflag:s5], $0x7D00  }
0x53: {  	[sflag:s5] =	ssyncset.done $0x0  }
0x54: {  	s26 =	simm.s32 $0x6F40;
	[sflag:s5] =	ssyncadd.s32 $0xFFFF8300  }
0x55: {  	[tilespmem:s11], [sflag:$0x1] =	stream.indirect.gather [hbm4b:s9+s10], $0x20, s26, s10, $0xb8;
	[tilespmem:$0x19820] =	vst v63  }
0x56: {  	_ =	swait.ge [sflag:s14], $0x7D00  }
0x57: {  	[sflag:s14] =	ssyncset.done $0x0  }
0x58: {  	s28 =	simm.s32 $0x9268;
	[sflag:s14] =	ssyncadd.s32 $0xFFFF8300  }
0x59: {  	[spmem:s2] =	stream.indirect.scatter.add.f32 [tilespmem:s12], [sflag:$0x3], $0x20, s28, s10, $0xb8;
	[tilespmem:$0x19820] =	vst v63  }
0x5a: {  	_ =	swait.ge [sflag:s5], $0x7D00  }
0x5b: {  	[sflag:s5] =	ssyncset.done $0x0  }
0x5c: {  	s29 =	simm.s32 $0x7328;
	[sflag:s5] =	ssyncadd.s32 $0xFFFF8300  }
0x5d: {  	[tilespmem:s12], [sflag:$0x2] =	stream.indirect.gather [hbm4b:s9+s10], $0x20, s29, s10, $0xb8;
	[tilespmem:$0x19820] =	vst v63  }
0x5e: {  	_ =	swait.ge [sflag:s13], $0x7D00  }
0x5f: {  	[sflag:s13] =	ssyncset.done $0x0  }
0x60: {  	s30 =	simm.s32 $0x9650;
	[sflag:s13] =	ssyncadd.s32 $0xFFFF8300  }
0x61: {  	[spmem:s2] =	stream.indirect.scatter.add.f32 [tilespmem:s11], [sflag:$0x3], $0x20, s30, s10, $0xb8;
	[tilespmem:$0x19820] =	vst v63  }
0x62: {  	_ =	swait.ge [sflag:s5], $0x7D00  }
0x63: {  	[sflag:s5] =	ssyncset.done $0x0  }
0x64: {  	[sflag:s5] =	ssyncadd.s32 $0xFFFF8300  }
0x65: {  	_ =	swait.ge [sflag:s14], $0x7D00  }
0x66: {  	[sflag:s14] =	ssyncset.done $0x0  }
0x67: {  	s31 =	simm.s32 $0x9A38;
	[sflag:s14] =	ssyncadd.s32 $0xFFFF8300  }
0x68: {  	[spmem:s2] =	stream.indirect.scatter.add.f32 [tilespmem:s12], [sflag:$0x3], $0x20, s31, s10, $0xb8;
	[tilespmem:$0x19820] =	vst v63  }
0x69: {  	_ =	swait.ge [sflag:s5], $0x7D00  }
0x6a: {  	[sflag:s5] =	ssyncset.done $0x0  }
0x6b: {  	[sflag:s5] =	ssyncadd.s32 $0xFFFF8300  }
0x6c: {  	[bflag:$0x0] =	sbarrier.arrive $0xFFFF  }
0x6d: {  	s1 =	ssub.s32 $0x2, s1;
	s0 =	rddreg [dreg:$0x6]  }
0x6e: {  	[dreg:$0x9] =	wrdreg s0;
	s0 =	sshrl.u32 s1, $0x1  }
0x6f: {  	s0 =	ssub.s32 s1, s0  }
0x70: {  	s0 =	smax.u32 s0, $0x1  }
0x71: {  	p0 =	sne.s32 s0, $0x1  }
.Ltmp0:
0x72: {  	_ = 	snop;
	(pc) =	sbr.rel @!p0 .LBB2_2-.Ltmp0, $4  }
0x73: {  	_ = 	snop  }
0x74: {  	s1 =	rddreg [dreg:$0x9]  }
0x75: {  	[hbm:s1], [sflag:s4] =	dma.local [spmem:s6], $0xA00  }
0x76: {  	s1 =	sadd.s32 $0xFFFFFFFF, s0;
	_ =	swait.ge [sflag:s5], $0xA00  }
.LBB2_1:
0x77: {  	[sflag:s5] =	ssyncset.done $0x0  }
0x78: {  	s0 =	rddreg [dreg:$0x3];
	[sflag:s5] =	ssyncadd.s32 $0xFFFFF600  }
0x79: {  	[spmem:s6], [sflag:s4] =	dma.local [hbm:s0], $0xA00  }
0x7a: {  	_ =	swait.ge [sflag:s5], $0xA00  }
0x7b: {  	[sflag:s5] =	ssyncset.done $0x0  }
0x7c: {  	s0 =	rddreg [dreg:$0x4];
	[sflag:s5] =	ssyncadd.s32 $0xFFFFF600  }
0x7d: {  	[tilespmem:s7], [sflag:$0x3] =	stream.linear.gather [hbm4b:s0+s3], $0x2710, $0x38;
	[tilespmem:$0x19820] =	vst v63  }
0x7e: {  	_ =	swait.ge [sflag:s5], $0x2710  }
0x7f: {  	[sflag:s5] =	ssyncset.done $0x0  }
0x80: {  	s0 =	rddreg [dreg:$0x5];
	[sflag:s5] =	ssyncadd.s32 $0xFFFFD8F0  }
0x81: {  	[tilespmem:s8], [sflag:$0x3] =	stream.linear.gather [hbm4b:s0+s3], $0x2710, $0x38;
	[tilespmem:$0x19820] =	vst v63  }
0x82: {  	_ =	swait.ge [sflag:s5], $0x2710  }
0x83: {  	[sflag:s5] =	ssyncset.done $0x0  }
0x84: {  	[sflag:s5] =	ssyncadd.s32 $0xFFFFD8F0  }
0x85: {  	[bflag:$0x0] =	sbarrier.arrive $0xFFFF  }
0x86: {  	[tilespmem:s11], [sflag:$0x1] =	stream.indirect.gather [hbm4b:s9+s10], $0x20, s7, s10, $0xb8;
	[tilespmem:$0x19820] =	vst v63  }
0x87: {  	s0 =	rddreg [dreg:$0x7]  }
0x88: {  	[tilespmem:s12], [sflag:$0x2] =	stream.indirect.gather [hbm4b:s9+s10], $0x20, s0, s10, $0xb8;
	[tilespmem:$0x19820] =	vst v63  }
0x89: {  	_ =	swait.ge [sflag:s13], $0x7D00  }
0x8a: {  	[sflag:s13] =	ssyncset.done $0x0  }
0x8b: {  	[sflag:s13] =	ssyncadd.s32 $0xFFFF8300  }
0x8c: {  	[spmem:s2] =	stream.indirect.scatter.add.f32 [tilespmem:s11], [sflag:$0x3], $0x20, s8, s10, $0xb8;
	[tilespmem:$0x19820] =	vst v63  }
0x8d: {  	_ =	swait.ge [sflag:s5], $0x7D00  }
0x8e: {  	[sflag:s5] =	ssyncset.done $0x0  }
0x8f: {  	s0 =	rddreg [dreg:$0x8];
	[sflag:s5] =	ssyncadd.s32 $0xFFFF8300  }
0x90: {  	[tilespmem:s11], [sflag:$0x1] =	stream.indirect.gather [hbm4b:s9+s10], $0x20, s0, s10, $0xb8;
	[tilespmem:$0x19820] =	vst v63  }
0x91: {  	_ =	swait.ge [sflag:s14], $0x7D00  }
0x92: {  	[sflag:s14] =	ssyncset.done $0x0  }
0x93: {  	[sflag:s14] =	ssyncadd.s32 $0xFFFF8300  }
0x94: {  	[spmem:s2] =	stream.indirect.scatter.add.f32 [tilespmem:s12], [sflag:$0x3], $0x20, s15, s10, $0xb8;
	[tilespmem:$0x19820] =	vst v63  }
0x95: {  	_ =	swait.ge [sflag:s5], $0x7D00  }
0x96: {  	[sflag:s5] =	ssyncset.done $0x0  }
0x97: {  	[sflag:s5] =	ssyncadd.s32 $0xFFFF8300  }
0x98: {  	[tilespmem:s12], [sflag:$0x2] =	stream.indirect.gather [hbm4b:s9+s10], $0x20, s16, s10, $0xb8;
	[tilespmem:$0x19820] =	vst v63  }
0x99: {  	_ =	swait.ge [sflag:s13], $0x7D00  }
0x9a: {  	[sflag:s13] =	ssyncset.done $0x0  }
0x9b: {  	[sflag:s13] =	ssyncadd.s32 $0xFFFF8300  }
0x9c: {  	[spmem:s2] =	stream.indirect.scatter.add.f32 [tilespmem:s11], [sflag:$0x3], $0x20, s17, s10, $0xb8;
	[tilespmem:$0x19820] =	vst v63  }
0x9d: {  	_ =	swait.ge [sflag:s5], $0x7D00  }
0x9e: {  	[sflag:s5] =	ssyncset.done $0x0  }
0x9f: {  	[sflag:s5] =	ssyncadd.s32 $0xFFFF8300  }
0xa0: {  	[tilespmem:s11], [sflag:$0x1] =	stream.indirect.gather [hbm4b:s9+s10], $0x20, s18, s10, $0xb8;
	[tilespmem:$0x19820] =	vst v63  }
0xa1: {  	_ =	swait.ge [sflag:s14], $0x7D00  }
0xa2: {  	[sflag:s14] =	ssyncset.done $0x0  }
0xa3: {  	[sflag:s14] =	ssyncadd.s32 $0xFFFF8300  }
0xa4: {  	[spmem:s2] =	stream.indirect.scatter.add.f32 [tilespmem:s12], [sflag:$0x3], $0x20, s19, s10, $0xb8;
	[tilespmem:$0x19820] =	vst v63  }
0xa5: {  	_ =	swait.ge [sflag:s5], $0x7D00  }
0xa6: {  	[sflag:s5] =	ssyncset.done $0x0  }
0xa7: {  	[sflag:s5] =	ssyncadd.s32 $0xFFFF8300  }
0xa8: {  	[tilespmem:s12], [sflag:$0x2] =	stream.indirect.gather [hbm4b:s9+s10], $0x20, s20, s10, $0xb8;
	[tilespmem:$0x19820] =	vst v63  }
0xa9: {  	_ =	swait.ge [sflag:s13], $0x7D00  }
0xaa: {  	[sflag:s13] =	ssyncset.done $0x0  }
0xab: {  	[sflag:s13] =	ssyncadd.s32 $0xFFFF8300  }
0xac: {  	[spmem:s2] =	stream.indirect.scatter.add.f32 [tilespmem:s11], [sflag:$0x3], $0x20, s21, s10, $0xb8;
	[tilespmem:$0x19820] =	vst v63  }
0xad: {  	_ =	swait.ge [sflag:s5], $0x7D00  }
0xae: {  	[sflag:s5] =	ssyncset.done $0x0  }
0xaf: {  	[sflag:s5] =	ssyncadd.s32 $0xFFFF8300  }
0xb0: {  	[tilespmem:s11], [sflag:$0x1] =	stream.indirect.gather [hbm4b:s9+s10], $0x20, s22, s10, $0xb8;
	[tilespmem:$0x19820] =	vst v63  }
0xb1: {  	_ =	swait.ge [sflag:s14], $0x7D00  }
0xb2: {  	[sflag:s14] =	ssyncset.done $0x0  }
0xb3: {  	[sflag:s14] =	ssyncadd.s32 $0xFFFF8300  }
0xb4: {  	[spmem:s2] =	stream.indirect.scatter.add.f32 [tilespmem:s12], [sflag:$0x3], $0x20, s23, s10, $0xb8;
	[tilespmem:$0x19820] =	vst v63  }
0xb5: {  	_ =	swait.ge [sflag:s5], $0x7D00  }
0xb6: {  	[sflag:s5] =	ssyncset.done $0x0  }
0xb7: {  	[sflag:s5] =	ssyncadd.s32 $0xFFFF8300  }
0xb8: {  	[tilespmem:s12], [sflag:$0x2] =	stream.indirect.gather [hbm4b:s9+s10], $0x20, s24, s10, $0xb8;
	[tilespmem:$0x19820] =	vst v63  }
0xb9: {  	_ =	swait.ge [sflag:s13], $0x7D00  }
0xba: {  	[sflag:s13] =	ssyncset.done $0x0  }
0xbb: {  	[sflag:s13] =	ssyncadd.s32 $0xFFFF8300  }
0xbc: {  	[spmem:s2] =	stream.indirect.scatter.add.f32 [tilespmem:s11], [sflag:$0x3], $0x20, s25, s10, $0xb8;
	[tilespmem:$0x19820] =	vst v63  }
0xbd: {  	_ =	swait.ge [sflag:s5], $0x7D00  }
0xbe: {  	[sflag:s5] =	ssyncset.done $0x0  }
0xbf: {  	[sflag:s5] =	ssyncadd.s32 $0xFFFF8300  }
0xc0: {  	[tilespmem:s11], [sflag:$0x1] =	stream.indirect.gather [hbm4b:s9+s10], $0x20, s26, s10, $0xb8;
	[tilespmem:$0x19820] =	vst v63  }
0xc1: {  	_ =	swait.ge [sflag:s14], $0x7D00  }
0xc2: {  	[sflag:s14] =	ssyncset.done $0x0  }
0xc3: {  	[sflag:s14] =	ssyncadd.s32 $0xFFFF8300  }
0xc4: {  	[spmem:s2] =	stream.indirect.scatter.add.f32 [tilespmem:s12], [sflag:$0x3], $0x20, s28, s10, $0xb8;
	[tilespmem:$0x19820] =	vst v63  }
0xc5: {  	_ =	swait.ge [sflag:s5], $0x7D00  }
0xc6: {  	[sflag:s5] =	ssyncset.done $0x0  }
0xc7: {  	[sflag:s5] =	ssyncadd.s32 $0xFFFF8300  }
0xc8: {  	[tilespmem:s12], [sflag:$0x2] =	stream.indirect.gather [hbm4b:s9+s10], $0x20, s29, s10, $0xb8;
	[tilespmem:$0x19820] =	vst v63  }
0xc9: {  	_ =	swait.ge [sflag:s13], $0x7D00  }
0xca: {  	[sflag:s13] =	ssyncset.done $0x0  }
0xcb: {  	[sflag:s13] =	ssyncadd.s32 $0xFFFF8300  }
0xcc: {  	[spmem:s2] =	stream.indirect.scatter.add.f32 [tilespmem:s11], [sflag:$0x3], $0x20, s30, s10, $0xb8;
	[tilespmem:$0x19820] =	vst v63  }
0xcd: {  	_ =	swait.ge [sflag:s5], $0x7D00  }
0xce: {  	[sflag:s5] =	ssyncset.done $0x0  }
0xcf: {  	[sflag:s5] =	ssyncadd.s32 $0xFFFF8300  }
0xd0: {  	_ =	swait.ge [sflag:s14], $0x7D00  }
0xd1: {  	[sflag:s14] =	ssyncset.done $0x0  }
0xd2: {  	[sflag:s14] =	ssyncadd.s32 $0xFFFF8300  }
0xd3: {  	[spmem:s2] =	stream.indirect.scatter.add.f32 [tilespmem:s12], [sflag:$0x3], $0x20, s31, s10, $0xb8;
	[tilespmem:$0x19820] =	vst v63  }
0xd4: {  	_ =	swait.ge [sflag:s5], $0x7D00  }
0xd5: {  	p0 =	sne.s32 s1, $0x1;
	[sflag:s5] =	ssyncset.done $0x0  }
.Ltmp1:
0xd6: {  	[sflag:s5] =	ssyncadd.s32 $0xFFFF8300;
	(pc) =	sbr.rel @p0 .LBB2_1-.Ltmp1, $4  }
0xd7: {  	[bflag:$0x0] =	sbarrier.arrive $0xFFFF  }
0xd8: {  	s0 =	rddreg [dreg:$0x6]  }
0xd9: {  	[hbm:s0], [sflag:s4] =	dma.local [spmem:s6], $0xA00  }
0xda: {  	s1 =	sadd.s32 $0xFFFFFFFF, s1;
	_ =	swait.ge [sflag:s5], $0xA00  }
.LBB2_2:
0xdb: {  	[sflag:s5] =	ssyncset.done $0x0  }
0xdc: {  	[sflag:s5] =	ssyncadd.s32 $0xFFFFF600  }
0xdd: {  	_ =	sfence.sel $0x180000  }
0xde: {  	[bflag:$0x0] =	sbarrier.arrive $0xFFFF  }
0xdf: {  	_ =	strace $0x9000004A  }
0xe0: {  	s0 =	stileid.u32;
	[bflag:$0x2] =	sbarrier.arrive $0xFFFF  }
0xe1: {  	p0 =	sne.s32 s0, $0x0;
	s0 =	rddreg [dreg:$0x2]  }
0xe2: {  	s0 =	sadd.s32 @!p0 $0x100000, s0  }
0xe3: {  	[sflag:s0] =	ssyncadd.tile.s32 @!p0 $0x1;
	_ =	shalt  }
.Lfunc_end2:
_tile_overlayer_lowered:
.L_overlay_start_2:
0xe4: {  	(tag) =	ssettag $0x2  }
0xe5: {  	s0 =	rddreg [dreg:$0x0];
	s2 =	stileid.u32  }
0xe6: {  	s1 =	rddreg [dreg:$0x1];
	p0 =	sne.s32 s2, $0x0  }
0xe7: {  	s3 =	rddreg [dreg:$0x2];
	[bflag:$0x3] =	sbarrier.arrive $0xFFFF;
	s2 =	simm.s32 @!p0 $0x1C03  }
0xe8: {  	[timem:s3], [sflag:s2] =	dma.local @!p0 [hbm:s0], s1  }
0xe9: {  	s0 =	simm.s32 @!p0 $0x3  }
0xea: {  	_ =	swait.ge @!p0 [sflag:s0], s1  }
0xeb: {  	s1 =	ssub.s32 @!p0 $0x0, s1;
	[sflag:s0] =	ssyncset.done @!p0 $0x0  }
0xec: {  	[sflag:s0] =	ssyncadd.s32 @!p0 s1  }
0xed: {  	[bflag:$0x3] =	sbarrier.arrive $0xFFFF  }
0xee: {  	_ =	shalt  }

// kernel: kernel.16.cloned.1.call-start
scs
__scs_entry_jumppad:
0x0: {  	(pc) =	sbr.rel $0x88, $3  }
0x1: {  	(tag) =	ssettag $0x0;
	lr =	simm.s32 $0x1  }
0x2: {  	[smem:$0x3F98] =	sst lr;
	_ =	strace $0xD0000000  }
0x3: {  	_ = 	snop  }
0x4: {  	_ = 	snop  }
0x5: {  	_ = 	snop  }
0x6: {  	_ = 	snop  }
0x7: {  	_ = 	snop  }
__scs_overlays_trampoline_lowered:
0x8: {  	[smem:$0x3FA7] =	sst s0  }
0x9: {  	[smem:$0x3FA8] =	sst s1  }
0xa: {  	[smem:$0x3FA9] =	sst s2  }
0xb: {  	[smem:$0x3FAA] =	sst s3  }
0xc: {  	[smem:$0x3FAB] =	sst s4  }
0xd: {  	[smem:$0x3FAC] =	sst s5  }
0xe: {  	[smem:$0x3FAD] =	sst s6  }
0xf: {  	[smem:$0x3FAE] =	sst s7  }
0x10: {  	[smem:$0x3FAF] =	sst s8  }
0x11: {  	[smem:$0x3FB0] =	sst s9;
	s0 =	simm.s32 @!p0 $0x0  }
0x12: {  	s1 =	sld [smem:$0x3F96];
	s0 =	simm.s32 @p0 $0x1  }
0x13: {  	[smem:$0x3FB1] =	sst s0;
	s0 =	simm.s32 @!p1 $0x0  }
0x14: {  	s2 =	sld [smem:$0x3F95];
	s0 =	simm.s32 @p1 $0x1  }
0x15: {  	[smem:$0x3FB2] =	sst s0;
	s0 =	simm.s32 @!p2 $0x0  }
0x16: {  	s3 =	sld [smem:$0x3FDB];
	s0 =	simm.s32 @p2 $0x1  }
0x17: {  	s4 =	simm.s32 $0x1BF5;
	[smem:$0x3FB4] =	sst s0  }
0x18: {  	s0 =	sld [smem:$0x3F97];
	_ =	swait.ge [sflag:s4], $0x0  }
0x19: {  	s7 =	sld [smem:$0x3F98]  }
0x1a: {  	s8 =	sadd.s32 $0xFFFFE003, lr  }
0x1b: {  	s9 =	sadd.s32 $0xFFFFFEF7, lr;
	s5 =	simm.s32 $0xFFFFFFFF;
	p2 =	slt.u32 s8, $0xFFFFF086  }
0x1c: {  	p1 =	slt.u32 s9, $0xF7A;
	s5 =	simm.s32 @!p2 $0x0  }
0x1d: {  	s5 =	simm.s32 @p1 $0x1;
	p0 =	seq.s32 s7, s2  }
0x1e: {  	s7 =	smul.u32 @!p0 $0xF7A, s2;
	p2 =	seq.s32 @!p0 s5, $0x0  }
0x1f: {  	s9 =	smul.u32 $0xF7A, s1;
	s8 =	simm.s32 @!p0 $0x1BF5;
	p2 =	por !p2, p0  }
0x20: {  	[sflag:s8] =	ssyncset.s32 @!p0 $0xFFFFF086;
	s6 =	sadd.s32 @!p0 s3, s7;
	s7 =	simm.s32 @!p0 $0x108  }
0x21: {  	s3 =	sadd.s32 s3, s9;
	s6 =	sadd.s32 @!p0 $0x88, s6;
	s7 =	simm.s32 @p2 $0x1082  }
0x22: {  	[simem:s7], [sflag:s8] =	dma.local @!p0 [hbm:s6], $0xF7A  }
0x23: {  	s9 =	sor.u32 $0xD0000000, s2;
	s6 =	simm.s32 $0x108;
	_ =	swait.ge @!p0 [sflag:s8], $0x0  }
0x24: {  	s3 =	sadd.s32 $0x88, s3;
	s6 =	simm.s32 @!p1 $0x1082;
	[sflag:s4] =	ssyncset.s32 $0xFFFFF086  }
0x25: {  	[simem:s6], [sflag:s4] =	dma.local [hbm:s3], $0xF7A  }
0x26: {  	[smem:$0x3F98] =	sst s1;
	(tag) =	ssettag s2;
	_ =	strace s9  }
0x27: {  	s1 =	sld [smem:$0x3FA8]  }
0x28: {  	s2 =	sld [smem:$0x3FA9]  }
0x29: {  	s4 =	sld [smem:$0x3FAB]  }
0x2a: {  	p0 =	seq.s32 s5, $0x0;
	s5 =	sld [smem:$0x3FAC]  }
0x2b: {  	s6 =	sld [smem:$0x3FAD]  }
0x2c: {  	s7 =	sld [smem:$0x3FAE]  }
0x2d: {  	s3 =	simm.s32 $0x108;
	s8 =	sld [smem:$0x3FAF]  }
0x2e: {  	s3 =	simm.s32 @!p0 $0x1082;
	s9 =	sld [smem:$0x3FB0]  }
0x2f: {  	lr =	sadd.s32 s0, s3;
	s0 =	sld [smem:$0x3FA7]  }
0x30: {  	s3 =	sld [smem:$0x3FAA]  }
0x31: {  	[smem:$0x3FB3] =	sst s10  }
0x32: {  	s10 =	sld [smem:$0x3FB1];
	_ =	sdelay $0x3  }
0x33: {  	p0 =	seq.s32 s10, $0x1;
	s10 =	sld [smem:$0x3FB3];
	_ =	sdelay $0x3  }
0x34: {  	[smem:$0x3FB3] =	sst s10  }
0x35: {  	s10 =	sld [smem:$0x3FB2];
	_ =	sdelay $0x3  }
0x36: {  	p1 =	seq.s32 s10, $0x1;
	s10 =	sld [smem:$0x3FB3];
	_ =	sdelay $0x3  }
0x37: {  	[smem:$0x3FB3] =	sst s10  }
0x38: {  	s10 =	sld [smem:$0x3FB4]  }
0x39: {  	_ = 	snop;
	(pc) =	sbr.ind lr, $3  }
0x3a: {  	_ = 	snop  }
0x3b: {  	_ = 	snop  }
0x3c: {  	p2 =	seq.s32 s10, $0x1;
	s10 =	sld [smem:$0x3FB3]  }
0x3d: {  	_ =	shalt  }
0x3e: {  	_ =	shalt  }
0x3f: {  	_ =	shalt  }
0x40: {  	_ =	shalt  }
0x41: {  	_ =	shalt  }
0x42: {  	_ =	shalt  }
0x43: {  	_ =	shalt  }
0x44: {  	_ =	shalt  }
0x45: {  	_ =	shalt  }
0x46: {  	_ =	shalt  }
0x47: {  	_ =	shalt  }
0x48: {  	_ =	shalt  }
0x49: {  	_ =	shalt  }
0x4a: {  	_ =	shalt  }
0x4b: {  	_ =	shalt  }
0x4c: {  	_ =	shalt  }
0x4d: {  	_ =	shalt  }
0x4e: {  	_ =	shalt  }
0x4f: {  	_ =	shalt  }
0x50: {  	_ =	shalt  }
0x51: {  	_ =	shalt  }
0x52: {  	_ =	shalt  }
0x53: {  	_ =	shalt  }
0x54: {  	_ =	shalt  }
0x55: {  	_ =	shalt  }
0x56: {  	_ =	shalt  }
0x57: {  	_ =	shalt  }
0x58: {  	_ =	shalt  }
0x59: {  	_ =	shalt  }
0x5a: {  	_ =	shalt  }
0x5b: {  	_ =	shalt  }
0x5c: {  	_ =	shalt  }
0x5d: {  	_ =	shalt  }
0x5e: {  	_ =	shalt  }
0x5f: {  	_ =	shalt  }
0x60: {  	_ =	shalt  }
0x61: {  	_ =	shalt  }
0x62: {  	_ =	shalt  }
0x63: {  	_ =	shalt  }
0x64: {  	_ =	shalt  }
0x65: {  	_ =	shalt  }
0x66: {  	_ =	shalt  }
0x67: {  	_ =	shalt  }
0x68: {  	_ =	shalt  }
0x69: {  	_ =	shalt  }
0x6a: {  	_ =	shalt  }
0x6b: {  	_ =	shalt  }
0x6c: {  	_ =	shalt  }
0x6d: {  	_ =	shalt  }
0x6e: {  	_ =	shalt  }
0x6f: {  	_ =	shalt  }
0x70: {  	_ =	shalt  }
0x71: {  	_ =	shalt  }
0x72: {  	_ =	shalt  }
0x73: {  	_ =	shalt  }
0x74: {  	_ =	shalt  }
0x75: {  	_ =	shalt  }
0x76: {  	_ =	shalt  }
0x77: {  	_ =	shalt  }
0x78: {  	_ =	shalt  }
0x79: {  	_ =	shalt  }
0x7a: {  	_ =	shalt  }
0x7b: {  	_ =	shalt  }
0x7c: {  	_ =	shalt  }
0x7d: {  	_ =	shalt  }
0x7e: {  	_ =	shalt  }
0x7f: {  	_ =	shalt  }
0x80: {  	_ =	shalt  }
0x81: {  	_ =	shalt  }
0x82: {  	_ =	shalt  }
0x83: {  	_ =	shalt  }
0x84: {  	_ =	shalt  }
0x85: {  	_ =	shalt  }
0x86: {  	_ =	shalt  }
0x87: {  	_ =	shalt  }
.Lfunc_end0:
.L_simem_size_0:
called_computation.2_lowered:
.L_overlay_start_0:
0x88: {  	s2 =	sld [smem:$0x3FD9]  }
0x89: {  	s3 =	sld [smem:$0x3FFE];
	_ =	sdelay $0x1  }
0x8a: {  	s1 =	srdreg.scid  }
0x8b: {  	s0 =	sand.u32 $0x1, s1  }
0x8c: {  	s16 =	sshll.u32 s0, $0xA;
	s2 =	sadd.s32 s3, s2  }
0x8d: {  	s2 =	sadd.s32 s2, s16  }
0x8e: {  	[smem:$0x3FBF] =	sst s2  }
0x8f: {  	_ = 	snop  }
0x90: {  	(tm) =	ssettm $0x1  }
0x91: {  	s17 =	sld [smem:$0x3FFB];
	_ =	sdelay $0x3  }
0x92: {  	_ =	strace s17  }
0x93: {  	s2 =	sld [smem:$0x3FFC];
	_ =	sdelay $0x3  }
0x94: {  	_ =	strace s2  }
0x95: {  	s2 =	sld [smem:$0x3FFD];
	_ =	sdelay $0x3  }
0x96: {  	_ =	strace s2  }
0x97: {  	_ =	strace $0x8FFFFFFF  }
0x98: {  	s18 =	sld [smem:$0x3FDB];
	_ =	sdelay $0x1  }
0x99: {  	s19 =	simm.s32 $_scs_section_size  }
0x9a: {  	s4 =	simm.s32 $_size__tile_overlayer_lowered;
	s5 =	simm.s32 $_tile_overlayer_lowered  }
0x9b: {  	s22 =	simm.s32 $0x1BFF;
	s21 =	sshll.u32 s5, $0x1;
	s2 =	sadd.s32 s19, s18  }
0x9c: {  	s6 =	simm.s32 $0x0;
	s20 =	sshll.u32 s4, $0x1;
	s4 =	sadd.s32 s21, s2  }
0x9d: {  	[timem:s6], [sflag:s22] =	dma.local [hbm:s4], s20  }
0x9e: {  	_ =	swait.ge [sflag:s22], s20  }
0x9f: {  	s3 =	ssub.s32 $0x0, s20;
	[sflag:s22] =	ssyncset.done $0x0  }
0xa0: {  	[sflag:s22] =	ssyncadd.s32 s3;
	_ =	sdelay $0x1  }
0xa1: {  	s23 =	simm.s32 $0x1B8B  }
0xa2: {  	_ =	swait.ge [sflag:s23], $0x1  }
0xa3: {  	[sflag:s23] =	ssyncset.done $0x0  }
0xa4: {  	s25 =	simm.s32 $0x1B8E;
	s24 =	sld [smem:$0x3FFE];
	[sflag:s23] =	ssyncadd.s32 $0xFFFFFFFF  }
0xa5: {  	s26 =	simm.s32 $execute0_lowered;
	[smem:$0x3FD2] =	sst s25  }
0xa6: {  	s4 =	sshll.u32 s26, $0x1;
	_ =	strace $0x8000004C;
	[dreg:$0x1] =	wrdreg $0xFFFFFFFF  }
0xa7: {  	s28 =	simm.s32 $_size_execute0_lowered;
	s2 =	sadd.s32 s2, s4;
	[dreg:$0x0] =	wrdreg $0x0  }
0xa8: {  	s4 =	sshll.u32 s28, $0x1;
	[dreg:$0x2] =	wrdreg s2  }
0xa9: {  	[dreg:$0x3] =	wrdreg s4  }
0xaa: {  	[dreg:$0x4] =	wrdreg $0xC0  }
0xab: {  	_ =	task [dreg:s6], $0x5FFFF  }
0xac: {  	[dreg:$0x1] =	wrdreg $0xFFFFFFFF  }
0xad: {  	[dreg:$0x0] =	wrdreg $0x60  }
0xae: {  	[dreg:$0x2] =	wrdreg s24  }
0xaf: {  	[dreg:$0x3] =	wrdreg $0x0  }
0xb0: {  	[dreg:$0x4] =	wrdreg $0x9  }
0xb1: {  	_ =	task.clear_ibuf [dreg:s6], $0x5FFFF;
	_ =	strace $0x9000004C  }
0xb2: {  	s29 =	simm.s32 $0x9;
	_ =	strace $0x8000004E  }
0xb3: {  	_ =	swait.ge [sflag:s29], $0x1  }
0xb4: {  	[sflag:s29] =	ssyncadd.s32 $0xFFFFFFFF  }
0xb5: {  	_ =	strace $0x9000004E  }
0xb6: {  	_ =	sfence  }
0xb7: {  	s30 =	sld [smem:$0x0];
	_ =	sdelay $0x2  }
0xb8: {  	s31 =	sshll.u32 s1, $0xD;
	s1 =	sshrl.u32 s1, $0x2  }
0xb9: {  	s3 =	sand.u32 $0x4000, s31;
	s1 =	sadd.s32 s1, s30  }
0xba: {  	s0 =	sor.u32 s3, s0;
	s1 =	sshll.u32 s1, $0x11  }
0xbb: {  	s0 =	sor.u32 s1, s0  }
0xbc: {  	s0 =	sadd.s32 $0x8F2B, s0  }
0xbd: {  	[sflag:s0] =	ssyncadd.remote.s32 $0x1  }
0xbe: {  	_ =	sfence.sel $0xFFFF  }
0xbf: {  	[dreg:$0x0] =	wrdreg $0xFFFFFFFF;
	(pc) =	sbr.abs _section_cstart, $3  }
0xc0: {  	[dreg:$0x1] =	wrdreg $0xFFFFFFFF  }
0xc1: {  	_ =	task.clear_ibuf [dreg:s6], $0x2FFFF;
	_ =	strace $0x9FFFFFFF  }
0xc2: {  	(tm) =	ssettm $0x7FFFFFFF  }
0xc3: {  	_ =	shalt  }
tec
execute0_lowered:
.L_overlay_start_1:
0x0: {  	(tag) =	ssettag $0x1  }
0x1: {  	s1 =	srdreg.scid;
	s9 =	rddreg [dreg:$0x0]  }
0x2: {  	s0 =	stileid.u32;
	s2 =	rddreg [dreg:$0x1];
	s24 =	simm.s32 $0x53E8  }
0x3: {  	s8 =	simm.s32 $0x57D0;
	s1 =	sand.u32 $0x1, s1;
	s3 =	sshll.u32 s0, $0x1  }
0x4: {  	s5 =	smul.u32 $0x5000, s0;
	s4 =	sor.u32 s1, s3;
	s3 =	simm.s32 $0x0  }
0x5: {  	s23 =	sshll.u32 s0, $0x6;
	s7 =	smul.u32 $0x50000, s1;
	[smem:$0x7FF] =	sst s3  }
0x6: {  	s4 =	smul.u32 $0x2710, s4;
	s6 =	sshrl.u32 s5, $0x3;
	_ =	strace $0x8000004D  }
0x7: {  	s6 =	sadd.s32 s6, s9;
	s7 =	sadd.s32 s5, s7;
	[dreg:$0x7] =	wrdreg s24  }
0x8: {  	[dreg:$0x8] =	wrdreg s8;
	s4 =	sshrl.u32 s4, $0x3;
	s6 =	sadd.s32 $0x20C00, s6  }
0x9: {  	s5 =	sadd.s32 s5, s2;
	s4 =	sadd.s32 s4, s9;
	[dreg:$0x3] =	wrdreg s6  }
0xa: {  	s7 =	sshrl.u32 s7, $0x3;
	s21 =	sadd.s32 $0x3400, s4;
	s25 =	rddreg [dreg:$0x3]  }
0xb: {  	s7 =	sadd.s32 s7, s9;
	s4 =	sadd.s32 $0xD040, s4;
	[dreg:$0x4] =	wrdreg s21  }
0xc: {  	s6 =	sshrl.u32 s5, $0x3;
	s22 =	sadd.s32 $0x2AC00, s7;
	[dreg:$0x5] =	wrdreg s4  }
0xd: {  	s5 =	simm.s32 $0x3;
	[dreg:$0x6] =	wrdreg s22;
	s4 =	sor.u32 $0x1C03, s23  }
0xe: {  	[spmem:s6], [sflag:s4] =	dma.local [hbm:s25], $0xA00  }
0xf: {  	_ =	swait.ge [sflag:s5], $0xA00  }
0x10: {  	[sflag:s5] =	ssyncset.done $0x0  }
0x11: {  	s7 =	simm.s32 $0x5000;
	s26 =	rddreg [dreg:$0x4];
	[sflag:s5] =	ssyncadd.s32 $0xFFFFF600  }
0x12: {  	[tilespmem:s7], [sflag:$0x3] =	stream.linear.gather [hbm4b:s26+s3], $0x2710, $0x38;
	[tilespmem:$0x19820] =	vst v63  }
0x13: {  	_ =	swait.ge [sflag:s5], $0x2710  }
0x14: {  	[sflag:s5] =	ssyncset.done $0x0  }
0x15: {  	s8 =	simm.s32 $0x7710;
	s10 =	rddreg [dreg:$0x5];
	[sflag:s5] =	ssyncadd.s32 $0xFFFFD8F0  }
0x16: {  	[tilespmem:s8], [sflag:$0x3] =	stream.linear.gather [hbm4b:s10+s3], $0x2710, $0x38;
	[tilespmem:$0x19820] =	vst v63  }
0x17: {  	_ =	swait.ge [sflag:s5], $0x2710  }
0x18: {  	[sflag:s5] =	ssyncset.done $0x0  }
0x19: {  	s11 =	simm.s32 $0x9E20;
	[sflag:s5] =	ssyncadd.s32 $0xFFFFD8F0  }
0x1a: {  	s9 =	sadd.s32 $0x16E00, s9;
	s10 =	simm.s32 $0x3E8;
	[bflag:$0x0] =	sbarrier.arrive $0xFFFF  }
0x1b: {  	[tilespmem:s11], [sflag:$0x1] =	stream.indirect.gather [hbm4b:s9+s10], $0x20, s7, s10, $0xb8;
	[tilespmem:$0x19820] =	vst v63  }
0x1c: {  	s12 =	simm.s32 $0x11B20;
	s13 =	simm.s32 $0x1;
	s14 =	rddreg [dreg:$0x7]  }
0x1d: {  	[tilespmem:s12], [sflag:$0x2] =	stream.indirect.gather [hbm4b:s9+s10], $0x20, s14, s10, $0xb8;
	[tilespmem:$0x19820] =	vst v63  }
0x1e: {  	_ =	swait.ge [sflag:s13], $0x7D00  }
0x1f: {  	[sflag:s13] =	ssyncset.done $0x0  }
0x20: {  	[sflag:s13] =	ssyncadd.s32 $0xFFFF8300  }
0x21: {  	[spmem:s2] =	stream.indirect.scatter.add.f32 [tilespmem:s11], [sflag:$0x3], $0x20, s8, s10, $0xb8;
	[tilespmem:$0x19820] =	vst v63  }
0x22: {  	_ =	swait.ge [sflag:s5], $0x7D00  }
0x23: {  	[sflag:s5] =	ssyncset.done $0x0  }
0x24: {  	s14 =	simm.s32 $0x2;
	s15 =	rddreg [dreg:$0x8];
	[sflag:s5] =	ssyncadd.s32 $0xFFFF8300  }
0x25: {  	[tilespmem:s11], [sflag:$0x1] =	stream.indirect.gather [hbm4b:s9+s10], $0x20, s15, s10, $0xb8;
	[tilespmem:$0x19820] =	vst v63  }
0x26: {  	_ =	swait.ge [sflag:s14], $0x7D00  }
0x27: {  	[sflag:s14] =	ssyncset.done $0x0  }
0x28: {  	s15 =	simm.s32 $0x7AF8;
	[sflag:s14] =	ssyncadd.s32 $0xFFFF8300  }
0x29: {  	[spmem:s2] =	stream.indirect.scatter.add.f32 [tilespmem:s12], [sflag:$0x3], $0x20, s15, s10, $0xb8;
	[tilespmem:$0x19820] =	vst v63  }
0x2a: {  	_ =	swait.ge [sflag:s5], $0x7D00  }
0x2b: {  	[sflag:s5] =	ssyncset.done $0x0  }
0x2c: {  	s16 =	simm.s32 $0x5BB8;
	[sflag:s5] =	ssyncadd.s32 $0xFFFF8300  }
0x2d: {  	[tilespmem:s12], [sflag:$0x2] =	stream.indirect.gather [hbm4b:s9+s10], $0x20, s16, s10, $0xb8;
	[tilespmem:$0x19820] =	vst v63  }
0x2e: {  	_ =	swait.ge [sflag:s13], $0x7D00  }
0x2f: {  	[sflag:s13] =	ssyncset.done $0x0  }
0x30: {  	s17 =	simm.s32 $0x7EE0;
	[sflag:s13] =	ssyncadd.s32 $0xFFFF8300  }
0x31: {  	[spmem:s2] =	stream.indirect.scatter.add.f32 [tilespmem:s11], [sflag:$0x3], $0x20, s17, s10, $0xb8;
	[tilespmem:$0x19820] =	vst v63  }
0x32: {  	_ =	swait.ge [sflag:s5], $0x7D00  }
0x33: {  	[sflag:s5] =	ssyncset.done $0x0  }
0x34: {  	s18 =	simm.s32 $0x5FA0;
	[sflag:s5] =	ssyncadd.s32 $0xFFFF8300  }
0x35: {  	[tilespmem:s11], [sflag:$0x1] =	stream.indirect.gather [hbm4b:s9+s10], $0x20, s18, s10, $0xb8;
	[tilespmem:$0x19820] =	vst v63  }
0x36: {  	_ =	swait.ge [sflag:s14], $0x7D00  }
0x37: {  	[sflag:s14] =	ssyncset.done $0x0  }
0x38: {  	s19 =	simm.s32 $0x82C8;
	[sflag:s14] =	ssyncadd.s32 $0xFFFF8300  }
0x39: {  	[spmem:s2] =	stream.indirect.scatter.add.f32 [tilespmem:s12], [sflag:$0x3], $0x20, s19, s10, $0xb8;
	[tilespmem:$0x19820] =	vst v63  }
0x3a: {  	_ =	swait.ge [sflag:s5], $0x7D00  }
0x3b: {  	[sflag:s5] =	ssyncset.done $0x0  }
0x3c: {  	s20 =	simm.s32 $0x6388;
	[sflag:s5] =	ssyncadd.s32 $0xFFFF8300  }
0x3d: {  	[tilespmem:s12], [sflag:$0x2] =	stream.indirect.gather [hbm4b:s9+s10], $0x20, s20, s10, $0xb8;
	[tilespmem:$0x19820] =	vst v63  }
0x3e: {  	_ =	swait.ge [sflag:s13], $0x7D00  }
0x3f: {  	[sflag:s13] =	ssyncset.done $0x0  }
0x40: {  	s21 =	simm.s32 $0x86B0;
	[sflag:s13] =	ssyncadd.s32 $0xFFFF8300  }
0x41: {  	[spmem:s2] =	stream.indirect.scatter.add.f32 [tilespmem:s11], [sflag:$0x3], $0x20, s21, s10, $0xb8;
	[tilespmem:$0x19820] =	vst v63  }
0x42: {  	_ =	swait.ge [sflag:s5], $0x7D00  }
0x43: {  	[sflag:s5] =	ssyncset.done $0x0  }
0x44: {  	s22 =	simm.s32 $0x6770;
	[sflag:s5] =	ssyncadd.s32 $0xFFFF8300  }
0x45: {  	[tilespmem:s11], [sflag:$0x1] =	stream.indirect.gather [hbm4b:s9+s10], $0x20, s22, s10, $0xb8;
	[tilespmem:$0x19820] =	vst v63  }
0x46: {  	_ =	swait.ge [sflag:s14], $0x7D00  }
0x47: {  	[sflag:s14] =	ssyncset.done $0x0  }
0x48: {  	s23 =	simm.s32 $0x8A98;
	[sflag:s14] =	ssyncadd.s32 $0xFFFF8300  }
0x49: {  	[spmem:s2] =	stream.indirect.scatter.add.f32 [tilespmem:s12], [sflag:$0x3], $0x20, s23, s10, $0xb8;
	[tilespmem:$0x19820] =	vst v63  }
0x4a: {  	_ =	swait.ge [sflag:s5], $0x7D00  }
0x4b: {  	[sflag:s5] =	ssyncset.done $0x0  }
0x4c: {  	s24 =	simm.s32 $0x6B58;
	[sflag:s5] =	ssyncadd.s32 $0xFFFF8300  }
0x4d: {  	[tilespmem:s12], [sflag:$0x2] =	stream.indirect.gather [hbm4b:s9+s10], $0x20, s24, s10, $0xb8;
	[tilespmem:$0x19820] =	vst v63  }
0x4e: {  	_ =	swait.ge [sflag:s13], $0x7D00  }
0x4f: {  	[sflag:s13] =	ssyncset.done $0x0  }
0x50: {  	s25 =	simm.s32 $0x8E80;
	[sflag:s13] =	ssyncadd.s32 $0xFFFF8300  }
0x51: {  	[spmem:s2] =	stream.indirect.scatter.add.f32 [tilespmem:s11], [sflag:$0x3], $0x20, s25, s10, $0xb8;
	[tilespmem:$0x19820] =	vst v63  }
0x52: {  	_ =	swait.ge [sflag:s5], $0x7D00  }
0x53: {  	[sflag:s5] =	ssyncset.done $0x0  }
0x54: {  	s26 =	simm.s32 $0x6F40;
	[sflag:s5] =	ssyncadd.s32 $0xFFFF8300  }
0x55: {  	[tilespmem:s11], [sflag:$0x1] =	stream.indirect.gather [hbm4b:s9+s10], $0x20, s26, s10, $0xb8;
	[tilespmem:$0x19820] =	vst v63  }
0x56: {  	_ =	swait.ge [sflag:s14], $0x7D00  }
0x57: {  	[sflag:s14] =	ssyncset.done $0x0  }
0x58: {  	s28 =	simm.s32 $0x9268;
	[sflag:s14] =	ssyncadd.s32 $0xFFFF8300  }
0x59: {  	[spmem:s2] =	stream.indirect.scatter.add.f32 [tilespmem:s12], [sflag:$0x3], $0x20, s28, s10, $0xb8;
	[tilespmem:$0x19820] =	vst v63  }
0x5a: {  	_ =	swait.ge [sflag:s5], $0x7D00  }
0x5b: {  	[sflag:s5] =	ssyncset.done $0x0  }
0x5c: {  	s29 =	simm.s32 $0x7328;
	[sflag:s5] =	ssyncadd.s32 $0xFFFF8300  }
0x5d: {  	[tilespmem:s12], [sflag:$0x2] =	stream.indirect.gather [hbm4b:s9+s10], $0x20, s29, s10, $0xb8;
	[tilespmem:$0x19820] =	vst v63  }
0x5e: {  	_ =	swait.ge [sflag:s13], $0x7D00  }
0x5f: {  	[sflag:s13] =	ssyncset.done $0x0  }
0x60: {  	s30 =	simm.s32 $0x9650;
	[sflag:s13] =	ssyncadd.s32 $0xFFFF8300  }
0x61: {  	[spmem:s2] =	stream.indirect.scatter.add.f32 [tilespmem:s11], [sflag:$0x3], $0x20, s30, s10, $0xb8;
	[tilespmem:$0x19820] =	vst v63  }
0x62: {  	_ =	swait.ge [sflag:s5], $0x7D00  }
0x63: {  	[sflag:s5] =	ssyncset.done $0x0  }
0x64: {  	[sflag:s5] =	ssyncadd.s32 $0xFFFF8300  }
0x65: {  	_ =	swait.ge [sflag:s14], $0x7D00  }
0x66: {  	[sflag:s14] =	ssyncset.done $0x0  }
0x67: {  	s31 =	simm.s32 $0x9A38;
	[sflag:s14] =	ssyncadd.s32 $0xFFFF8300  }
0x68: {  	[spmem:s2] =	stream.indirect.scatter.add.f32 [tilespmem:s12], [sflag:$0x3], $0x20, s31, s10, $0xb8;
	[tilespmem:$0x19820] =	vst v63  }
0x69: {  	_ =	swait.ge [sflag:s5], $0x7D00  }
0x6a: {  	[sflag:s5] =	ssyncset.done $0x0  }
0x6b: {  	[sflag:s5] =	ssyncadd.s32 $0xFFFF8300  }
0x6c: {  	[bflag:$0x0] =	sbarrier.arrive $0xFFFF  }
0x6d: {  	s1 =	ssub.s32 $0x2, s1;
	s0 =	rddreg [dreg:$0x6]  }
0x6e: {  	[dreg:$0x9] =	wrdreg s0;
	s0 =	sshrl.u32 s1, $0x1  }
0x6f: {  	s0 =	ssub.s32 s1, s0  }
0x70: {  	s0 =	smax.u32 s0, $0x1  }
0x71: {  	p0 =	sne.s32 s0, $0x1  }
.Ltmp0:
0x72: {  	_ = 	snop;
	(pc) =	sbr.rel @!p0 .LBB2_2-.Ltmp0, $4  }
0x73: {  	_ = 	snop  }
0x74: {  	s1 =	rddreg [dreg:$0x9]  }
0x75: {  	[hbm:s1], [sflag:s4] =	dma.local [spmem:s6], $0xA00  }
0x76: {  	s1 =	sadd.s32 $0xFFFFFFFF, s0;
	_ =	swait.ge [sflag:s5], $0xA00  }
.LBB2_1:
0x77: {  	[sflag:s5] =	ssyncset.done $0x0  }
0x78: {  	s0 =	rddreg [dreg:$0x3];
	[sflag:s5] =	ssyncadd.s32 $0xFFFFF600  }
0x79: {  	[spmem:s6], [sflag:s4] =	dma.local [hbm:s0], $0xA00  }
0x7a: {  	_ =	swait.ge [sflag:s5], $0xA00  }
0x7b: {  	[sflag:s5] =	ssyncset.done $0x0  }
0x7c: {  	s0 =	rddreg [dreg:$0x4];
	[sflag:s5] =	ssyncadd.s32 $0xFFFFF600  }
0x7d: {  	[tilespmem:s7], [sflag:$0x3] =	stream.linear.gather [hbm4b:s0+s3], $0x2710, $0x38;
	[tilespmem:$0x19820] =	vst v63  }
0x7e: {  	_ =	swait.ge [sflag:s5], $0x2710  }
0x7f: {  	[sflag:s5] =	ssyncset.done $0x0  }
0x80: {  	s0 =	rddreg [dreg:$0x5];
	[sflag:s5] =	ssyncadd.s32 $0xFFFFD8F0  }
0x81: {  	[tilespmem:s8], [sflag:$0x3] =	stream.linear.gather [hbm4b:s0+s3], $0x2710, $0x38;
	[tilespmem:$0x19820] =	vst v63  }
0x82: {  	_ =	swait.ge [sflag:s5], $0x2710  }
0x83: {  	[sflag:s5] =	ssyncset.done $0x0  }
0x84: {  	[sflag:s5] =	ssyncadd.s32 $0xFFFFD8F0  }
0x85: {  	[bflag:$0x0] =	sbarrier.arrive $0xFFFF  }
0x86: {  	[tilespmem:s11], [sflag:$0x1] =	stream.indirect.gather [hbm4b:s9+s10], $0x20, s7, s10, $0xb8;
	[tilespmem:$0x19820] =	vst v63  }
0x87: {  	s0 =	rddreg [dreg:$0x7]  }
0x88: {  	[tilespmem:s12], [sflag:$0x2] =	stream.indirect.gather [hbm4b:s9+s10], $0x20, s0, s10, $0xb8;
	[tilespmem:$0x19820] =	vst v63  }
0x89: {  	_ =	swait.ge [sflag:s13], $0x7D00  }
0x8a: {  	[sflag:s13] =	ssyncset.done $0x0  }
0x8b: {  	[sflag:s13] =	ssyncadd.s32 $0xFFFF8300  }
0x8c: {  	[spmem:s2] =	stream.indirect.scatter.add.f32 [tilespmem:s11], [sflag:$0x3], $0x20, s8, s10, $0xb8;
	[tilespmem:$0x19820] =	vst v63  }
0x8d: {  	_ =	swait.ge [sflag:s5], $0x7D00  }
0x8e: {  	[sflag:s5] =	ssyncset.done $0x0  }
0x8f: {  	s0 =	rddreg [dreg:$0x8];
	[sflag:s5] =	ssyncadd.s32 $0xFFFF8300  }
0x90: {  	[tilespmem:s11], [sflag:$0x1] =	stream.indirect.gather [hbm4b:s9+s10], $0x20, s0, s10, $0xb8;
	[tilespmem:$0x19820] =	vst v63  }
0x91: {  	_ =	swait.ge [sflag:s14], $0x7D00  }
0x92: {  	[sflag:s14] =	ssyncset.done $0x0  }
0x93: {  	[sflag:s14] =	ssyncadd.s32 $0xFFFF8300  }
0x94: {  	[spmem:s2] =	stream.indirect.scatter.add.f32 [tilespmem:s12], [sflag:$0x3], $0x20, s15, s10, $0xb8;
	[tilespmem:$0x19820] =	vst v63  }
0x95: {  	_ =	swait.ge [sflag:s5], $0x7D00  }
0x96: {  	[sflag:s5] =	ssyncset.done $0x0  }
0x97: {  	[sflag:s5] =	ssyncadd.s32 $0xFFFF8300  }
0x98: {  	[tilespmem:s12], [sflag:$0x2] =	stream.indirect.gather [hbm4b:s9+s10], $0x20, s16, s10, $0xb8;
	[tilespmem:$0x19820] =	vst v63  }
0x99: {  	_ =	swait.ge [sflag:s13], $0x7D00  }
0x9a: {  	[sflag:s13] =	ssyncset.done $0x0  }
0x9b: {  	[sflag:s13] =	ssyncadd.s32 $0xFFFF8300  }
0x9c: {  	[spmem:s2] =	stream.indirect.scatter.add.f32 [tilespmem:s11], [sflag:$0x3], $0x20, s17, s10, $0xb8;
	[tilespmem:$0x19820] =	vst v63  }
0x9d: {  	_ =	swait.ge [sflag:s5], $0x7D00  }
0x9e: {  	[sflag:s5] =	ssyncset.done $0x0  }
0x9f: {  	[sflag:s5] =	ssyncadd.s32 $0xFFFF8300  }
0xa0: {  	[tilespmem:s11], [sflag:$0x1] =	stream.indirect.gather [hbm4b:s9+s10], $0x20, s18, s10, $0xb8;
	[tilespmem:$0x19820] =	vst v63  }
0xa1: {  	_ =	swait.ge [sflag:s14], $0x7D00  }
0xa2: {  	[sflag:s14] =	ssyncset.done $0x0  }
0xa3: {  	[sflag:s14] =	ssyncadd.s32 $0xFFFF8300  }
0xa4: {  	[spmem:s2] =	stream.indirect.scatter.add.f32 [tilespmem:s12], [sflag:$0x3], $0x20, s19, s10, $0xb8;
	[tilespmem:$0x19820] =	vst v63  }
0xa5: {  	_ =	swait.ge [sflag:s5], $0x7D00  }
0xa6: {  	[sflag:s5] =	ssyncset.done $0x0  }
0xa7: {  	[sflag:s5] =	ssyncadd.s32 $0xFFFF8300  }
0xa8: {  	[tilespmem:s12], [sflag:$0x2] =	stream.indirect.gather [hbm4b:s9+s10], $0x20, s20, s10, $0xb8;
	[tilespmem:$0x19820] =	vst v63  }
0xa9: {  	_ =	swait.ge [sflag:s13], $0x7D00  }
0xaa: {  	[sflag:s13] =	ssyncset.done $0x0  }
0xab: {  	[sflag:s13] =	ssyncadd.s32 $0xFFFF8300  }
0xac: {  	[spmem:s2] =	stream.indirect.scatter.add.f32 [tilespmem:s11], [sflag:$0x3], $0x20, s21, s10, $0xb8;
	[tilespmem:$0x19820] =	vst v63  }
0xad: {  	_ =	swait.ge [sflag:s5], $0x7D00  }
0xae: {  	[sflag:s5] =	ssyncset.done $0x0  }
0xaf: {  	[sflag:s5] =	ssyncadd.s32 $0xFFFF8300  }
0xb0: {  	[tilespmem:s11], [sflag:$0x1] =	stream.indirect.gather [hbm4b:s9+s10], $0x20, s22, s10, $0xb8;
	[tilespmem:$0x19820] =	vst v63  }
0xb1: {  	_ =	swait.ge [sflag:s14], $0x7D00  }
0xb2: {  	[sflag:s14] =	ssyncset.done $0x0  }
0xb3: {  	[sflag:s14] =	ssyncadd.s32 $0xFFFF8300  }
0xb4: {  	[spmem:s2] =	stream.indirect.scatter.add.f32 [tilespmem:s12], [sflag:$0x3], $0x20, s23, s10, $0xb8;
	[tilespmem:$0x19820] =	vst v63  }
0xb5: {  	_ =	swait.ge [sflag:s5], $0x7D00  }
0xb6: {  	[sflag:s5] =	ssyncset.done $0x0  }
0xb7: {  	[sflag:s5] =	ssyncadd.s32 $0xFFFF8300  }
0xb8: {  	[tilespmem:s12], [sflag:$0x2] =	stream.indirect.gather [hbm4b:s9+s10], $0x20, s24, s10, $0xb8;
	[tilespmem:$0x19820] =	vst v63  }
0xb9: {  	_ =	swait.ge [sflag:s13], $0x7D00  }
0xba: {  	[sflag:s13] =	ssyncset.done $0x0  }
0xbb: {  	[sflag:s13] =	ssyncadd.s32 $0xFFFF8300  }
0xbc: {  	[spmem:s2] =	stream.indirect.scatter.add.f32 [tilespmem:s11], [sflag:$0x3], $0x20, s25, s10, $0xb8;
	[tilespmem:$0x19820] =	vst v63  }
0xbd: {  	_ =	swait.ge [sflag:s5], $0x7D00  }
0xbe: {  	[sflag:s5] =	ssyncset.done $0x0  }
0xbf: {  	[sflag:s5] =	ssyncadd.s32 $0xFFFF8300  }
0xc0: {  	[tilespmem:s11], [sflag:$0x1] =	stream.indirect.gather [hbm4b:s9+s10], $0x20, s26, s10, $0xb8;
	[tilespmem:$0x19820] =	vst v63  }
0xc1: {  	_ =	swait.ge [sflag:s14], $0x7D00  }
0xc2: {  	[sflag:s14] =	ssyncset.done $0x0  }
0xc3: {  	[sflag:s14] =	ssyncadd.s32 $0xFFFF8300  }
0xc4: {  	[spmem:s2] =	stream.indirect.scatter.add.f32 [tilespmem:s12], [sflag:$0x3], $0x20, s28, s10, $0xb8;
	[tilespmem:$0x19820] =	vst v63  }
0xc5: {  	_ =	swait.ge [sflag:s5], $0x7D00  }
0xc6: {  	[sflag:s5] =	ssyncset.done $0x0  }
0xc7: {  	[sflag:s5] =	ssyncadd.s32 $0xFFFF8300  }
0xc8: {  	[tilespmem:s12], [sflag:$0x2] =	stream.indirect.gather [hbm4b:s9+s10], $0x20, s29, s10, $0xb8;
	[tilespmem:$0x19820] =	vst v63  }
0xc9: {  	_ =	swait.ge [sflag:s13], $0x7D00  }
0xca: {  	[sflag:s13] =	ssyncset.done $0x0  }
0xcb: {  	[sflag:s13] =	ssyncadd.s32 $0xFFFF8300  }
0xcc: {  	[spmem:s2] =	stream.indirect.scatter.add.f32 [tilespmem:s11], [sflag:$0x3], $0x20, s30, s10, $0xb8;
	[tilespmem:$0x19820] =	vst v63  }
0xcd: {  	_ =	swait.ge [sflag:s5], $0x7D00  }
0xce: {  	[sflag:s5] =	ssyncset.done $0x0  }
0xcf: {  	[sflag:s5] =	ssyncadd.s32 $0xFFFF8300  }
0xd0: {  	_ =	swait.ge [sflag:s14], $0x7D00  }
0xd1: {  	[sflag:s14] =	ssyncset.done $0x0  }
0xd2: {  	[sflag:s14] =	ssyncadd.s32 $0xFFFF8300  }
0xd3: {  	[spmem:s2] =	stream.indirect.scatter.add.f32 [tilespmem:s12], [sflag:$0x3], $0x20, s31, s10, $0xb8;
	[tilespmem:$0x19820] =	vst v63  }
0xd4: {  	_ =	swait.ge [sflag:s5], $0x7D00  }
0xd5: {  	p0 =	sne.s32 s1, $0x1;
	[sflag:s5] =	ssyncset.done $0x0  }
.Ltmp1:
0xd6: {  	[sflag:s5] =	ssyncadd.s32 $0xFFFF8300;
	(pc) =	sbr.rel @p0 .LBB2_1-.Ltmp1, $4  }
0xd7: {  	[bflag:$0x0] =	sbarrier.arrive $0xFFFF  }
0xd8: {  	s0 =	rddreg [dreg:$0x6]  }
0xd9: {  	[hbm:s0], [sflag:s4] =	dma.local [spmem:s6], $0xA00  }
0xda: {  	s1 =	sadd.s32 $0xFFFFFFFF, s1;
	_ =	swait.ge [sflag:s5], $0xA00  }
.LBB2_2:
0xdb: {  	[sflag:s5] =	ssyncset.done $0x0  }
0xdc: {  	[sflag:s5] =	ssyncadd.s32 $0xFFFFF600  }
0xdd: {  	_ =	sfence.sel $0x180000  }
0xde: {  	[bflag:$0x0] =	sbarrier.arrive $0xFFFF  }
0xdf: {  	_ =	strace $0x9000004D  }
0xe0: {  	s0 =	stileid.u32;
	[bflag:$0x2] =	sbarrier.arrive $0xFFFF  }
0xe1: {  	p0 =	sne.s32 s0, $0x0;
	s0 =	rddreg [dreg:$0x2]  }
0xe2: {  	s0 =	sadd.s32 @!p0 $0x100000, s0  }
0xe3: {  	[sflag:s0] =	ssyncadd.tile.s32 @!p0 $0x1;
	_ =	shalt  }
.Lfunc_end2:
_tile_overlayer_lowered:
.L_overlay_start_2:
0xe4: {  	(tag) =	ssettag $0x2  }
0xe5: {  	s0 =	rddreg [dreg:$0x0];
	s2 =	stileid.u32  }
0xe6: {  	s1 =	rddreg [dreg:$0x1];
	p0 =	sne.s32 s2, $0x0  }
0xe7: {  	s3 =	rddreg [dreg:$0x2];
	[bflag:$0x3] =	sbarrier.arrive $0xFFFF;
	s2 =	simm.s32 @!p0 $0x1C03  }
0xe8: {  	[timem:s3], [sflag:s2] =	dma.local @!p0 [hbm:s0], s1  }
0xe9: {  	s0 =	simm.s32 @!p0 $0x3  }
0xea: {  	_ =	swait.ge @!p0 [sflag:s0], s1  }
0xeb: {  	s1 =	ssub.s32 @!p0 $0x0, s1;
	[sflag:s0] =	ssyncset.done @!p0 $0x0  }
0xec: {  	[sflag:s0] =	ssyncadd.s32 @!p0 s1  }
0xed: {  	[bflag:$0x3] =	sbarrier.arrive $0xFFFF  }
0xee: {  	_ =	shalt  }

</sc_bundles>
